<compile_context>
chip_gen: v7x
topology: tpu7x:2x2x1
jax: 0.10.2.dev20260603
libtpu: 0.0.44.dev20260713+nightly
codegen_flags: <defaults>
</compile_context>

<pallas_src>
import functools

import jax
import jax.numpy as jnp
from jax import lax
from jax.experimental import pallas as pl
from jax.experimental.pallas import tpu as pltpu
from jax.experimental.pallas import tpu_sc as plsc

N_NODES = 10000
N_EDGES = 320000
D = 128
H = 8
HD = D // H

NC = 2
NS = 16
NW = NC * NS
EPT = N_EDGES // NW
C = 80
NCHUNK = EPT // C
G = C // 16
NP = 10240



def _qkv_body(x_ref, wq_ref, wk_ref, wv_ref, bq_ref, bk_ref, bv_ref,
              q_ref, k_ref, v_ref):
    x = x_ref[...]
    q_ref[...] = jnp.dot(x, wq_ref[...], preferred_element_type=jnp.float32) + bq_ref[...]
    k_ref[...] = jnp.dot(x, wk_ref[...], preferred_element_type=jnp.float32) + bk_ref[...]
    v_ref[...] = jnp.dot(x, wv_ref[...], preferred_element_type=jnp.float32) + bv_ref[...]


def _qkv_project(x, wqt, wkt, wvt, bq, bk, bv):
    B = 2000
    grid = (N_NODES // B,)
    row_spec = pl.BlockSpec((B, D), lambda i: (i, 0))
    w_spec = pl.BlockSpec((D, D), lambda i: (0, 0))
    b_spec = pl.BlockSpec((1, D), lambda i: (0, 0))
    return pl.pallas_call(
        _qkv_body,
        grid=grid,
        in_specs=[row_spec, w_spec, w_spec, w_spec, b_spec, b_spec, b_spec],
        out_specs=[row_spec, row_spec, row_spec],
        out_shape=[jax.ShapeDtypeStruct((N_NODES, D), jnp.float32)] * 3,
    )(x, wqt, wkt, wvt, bq, bk, bv)



def _edge_body(src_hbm, tgt_hbm, q_hbm, k_hbm, v_hbm, zn_hbm, zd_hbm,
               numer_out, denom_out,
               src_v, tgt_v, q_rows, k_rows, v_rows, ex_v,
               numer_sh, denom_sh, sem):
    cid = lax.axis_index("c")
    sid = lax.axis_index("s")
    rpt = NP // NS

    pltpu.sync_copy(zn_hbm.at[pl.ds(sid * rpt, rpt)],
                    numer_sh.at[pl.ds(sid * rpt, rpt)])
    pltpu.sync_copy(zd_hbm.at[pl.ds(sid * rpt, rpt)],
                    denom_sh.at[pl.ds(sid * rpt, rpt)])
    plsc.subcore_barrier()

    wid = sid * NC + cid
    base = wid * EPT

    def chunk_body(i, carry):
        off = base + i * C
        pltpu.sync_copy(src_hbm.at[pl.ds(off, C)], src_v)
        pltpu.sync_copy(tgt_hbm.at[pl.ds(off, C)], tgt_v)
        cq = pltpu.async_copy(q_hbm.at[tgt_v], q_rows, sem)
        ck = pltpu.async_copy(k_hbm.at[src_v], k_rows, sem)
        cv = pltpu.async_copy(v_hbm.at[src_v], v_rows, sem)
        cq.wait()
        ck.wait()
        cv.wait()

        def group_body(g, carry2):
            eidx = lax.iota(jnp.int32, 16) + g * 16
            for h in range(H):
                acc = jnp.zeros((16,), jnp.float32)
                for dd in range(HD):
                    col = jnp.full((16,), h * HD + dd, jnp.int32)
                    qv = plsc.load_gather(q_rows, [eidx, col])
                    kv = plsc.load_gather(k_rows, [eidx, col])
                    acc = acc + qv * kv
                ex = jnp.exp(acc)
                plsc.store_scatter(ex_v, [eidx, jnp.full((16,), h, jnp.int32)], ex)
                for dd in range(HD):
                    col = jnp.full((16,), h * HD + dd, jnp.int32)
                    vv = plsc.load_gather(v_rows, [eidx, col])
                    plsc.store_scatter(v_rows, [eidx, col], vv * ex)
            return carry2

        lax.fori_loop(0, G, group_body, 0)

        pltpu.sync_copy(v_rows, numer_sh.at[tgt_v], add=True)
        pltpu.sync_copy(ex_v, denom_sh.at[tgt_v], add=True)
        return carry

    lax.fori_loop(0, NCHUNK, chunk_body, 0)
    plsc.subcore_barrier()

    pltpu.sync_copy(numer_sh.at[pl.ds(sid * rpt, rpt)],
                    numer_out.at[cid, pl.ds(sid * rpt, rpt)])
    pltpu.sync_copy(denom_sh.at[pl.ds(sid * rpt, rpt)],
                    denom_out.at[cid, pl.ds(sid * rpt, rpt)])


@functools.cache
def _make_edge_kernel():
    @functools.partial(
        pl.kernel,
        mesh=plsc.VectorSubcoreMesh(core_axis_name="c", subcore_axis_name="s"),
        out_type=[jax.ShapeDtypeStruct((NC, NP, D), jnp.float32),
                  jax.ShapeDtypeStruct((NC, NP, H), jnp.float32)],
        scratch_types=[
            pltpu.VMEM((C,), jnp.int32),
            pltpu.VMEM((C,), jnp.int32),
            pltpu.VMEM((C, D), jnp.float32),
            pltpu.VMEM((C, D), jnp.float32),
            pltpu.VMEM((C, D), jnp.float32),
            pltpu.VMEM((C, H), jnp.float32),
            pltpu.VMEM_SHARED((NP, D), jnp.float32),
            pltpu.VMEM_SHARED((NP, H), jnp.float32),
            pltpu.SemaphoreType.DMA,
        ],
        compiler_params=pltpu.CompilerParams(
            needs_layout_passes=False, use_tc_tiling_on_sc=False),
    )
    def _edge_kernel(src_hbm, tgt_hbm, q_hbm, k_hbm, v_hbm, zn_hbm, zd_hbm,
                     numer_out, denom_out, *scratch):
        _edge_body(src_hbm, tgt_hbm, q_hbm, k_hbm, v_hbm, zn_hbm, zd_hbm,
                   numer_out, denom_out, *scratch)

    return _edge_kernel



def _out_body(numer_ref, denom_ref, e_ref, w_ref, b_ref, o_ref):
    nu = numer_ref[...]
    de = denom_ref[...]
    nsum = nu[0] + nu[1]
    dsum = de[0] + de[1]
    dexp = jnp.dot(dsum, e_ref[...], preferred_element_type=jnp.float32)
    attn = jnp.where(dexp > 0.0, nsum / dexp, 0.0)
    o_ref[...] = jnp.dot(attn, w_ref[...], preferred_element_type=jnp.float32) + b_ref[...]


def _out_project(numer, denom, e_mat, wot, b_out2d):
    B = 2000
    grid = (N_NODES // B,)
    return pl.pallas_call(
        _out_body,
        grid=grid,
        in_specs=[pl.BlockSpec((NC, B, D), lambda i: (0, i, 0)),
                  pl.BlockSpec((NC, B, H), lambda i: (0, i, 0)),
                  pl.BlockSpec((H, D), lambda i: (0, 0)),
                  pl.BlockSpec((D, D), lambda i: (0, 0)),
                  pl.BlockSpec((1, D), lambda i: (0, 0))],
        out_specs=pl.BlockSpec((B, D), lambda i: (i, 0)),
        out_shape=jax.ShapeDtypeStruct((N_NODES, D), jnp.float32),
    )(numer, denom, e_mat, wot, b_out2d)



def kernel(node_states, edges, W_qkv, b_qkv, W_out, b_out):
    scale = float(HD) ** -0.5
    wqt = W_qkv[0:D].T * scale
    wkt = W_qkv[D:2 * D].T
    wvt = W_qkv[2 * D:3 * D].T
    bq = (b_qkv[0:D] * scale).reshape(1, D)
    bk = b_qkv[D:2 * D].reshape(1, D)
    bv = b_qkv[2 * D:3 * D].reshape(1, D)

    q, k, v = _qkv_project(node_states, wqt, wkt, wvt, bq, bk, bv)

    zn = jnp.zeros((NP, D), jnp.float32)
    zd = jnp.zeros((NP, H), jnp.float32)
    numer, denom = _make_edge_kernel()(edges[0], edges[1], q, k, v, zn, zd)

    e_mat = jnp.repeat(jnp.eye(H, dtype=jnp.float32), HD, axis=1)
    out = _out_project(numer, denom, e_mat, W_out.T, b_out.reshape(1, D))
    return out

# --- scband reference (transcript-rebuilt; emitter-appended) ---
"""Pipeline reference for scband-self-attention-message-layer-26938034880873 (READ-ONLY COPY).

The authoritative reference and input builder live on the scoring server;
editing this copy changes nothing except your own understanding.
"""

import jax, jax.numpy as jnp
import numpy as np
import math

N_NODES = 10000
N_EDGES = 320000
D = 128
H = 8

def _xavier_uniform(key, shape, gain=1.0):
    fan_out, fan_in = shape
    lim = gain * math.sqrt(6.0 / (fan_in + fan_out))
    return jax.random.uniform(key, shape, minval=-lim, maxval=lim, dtype=jnp.float32)

def setup_inputs(seed: int = 0) -> dict:
    key = jax.random.key(seed)
    k1, k2, k3, k4 = jax.random.split(key, 4)
    node_states = jax.random.normal(k1, (N_NODES, D), dtype=jnp.float32)
    edges = jax.random.randint(k2, (2, N_EDGES), 0, N_NODES, dtype=jnp.int32)
    W_qkv = _xavier_uniform(k3, (3 * D, D), gain=1.0 / math.sqrt(2.0))
    b_qkv = jnp.zeros((3 * D,), dtype=jnp.float32)
    W_out = _xavier_uniform(k4, (D, D), gain=1.0)
    b_out = jnp.zeros((D,), dtype=jnp.float32)
    return {"node_states": node_states, "edges": edges, "W_qkv": W_qkv, "b_qkv": b_qkv, "W_out": W_out, "b_out": b_out}

def reference(node_states, edges, W_qkv, b_qkv, W_out, b_out):
    num_nodes, embed_dim = node_states.shape
    num_heads = H
    head_dim = embed_dim // num_heads
    src = edges[0, :]
    tgt = edges[1, :]
    # qkv_in_proj (LinearNet, dropout=0 at eval): y = x A^T + b
    qkv = node_states @ W_qkv.T + b_qkv
    q, k, v = jnp.split(qkv, 3, axis=1)
    # index_select by edge targets / sources (SparseCore gather)
    q_p = jnp.take(q, tgt, axis=0)
    k_p = jnp.take(k, src, axis=0)
    v_p = jnp.take(v, src, axis=0)
    # per-edge per-head scaled dot-product scores <M, H>
    scores = (q_p * k_p).reshape(-1, num_heads, head_dim).sum(axis=-1)
    scores = scores * (float(head_dim) ** -0.5)
    # scatter_softmax over edges grouped by target node
    seg_max = jax.ops.segment_max(scores, tgt, num_segments=num_nodes)
    seg_max = jnp.where(jnp.isfinite(seg_max), seg_max, 0.0)
    ex = jnp.exp(scores - seg_max[tgt])
    denom = jax.ops.segment_sum(ex, tgt, num_segments=num_nodes)
    attn_w = ex / denom[tgt]
    # weighted values per edge, scatter-add into target nodes
    per_edge = (v_p.reshape(-1, num_heads, head_dim) * attn_w[:, :, None]).reshape(-1, embed_dim)
    attn_out = jnp.zeros((num_nodes, embed_dim), dtype=node_states.dtype).at[tgt].add(per_edge)
    # out_proj
    out = attn_out @ W_out.T + b_out
    return out

if __name__ == "__main__":
    import jax
    _d = setup_inputs()
    print(jax.jit(kernel)(*tuple(_d.values())))

</pallas_src>

<mosaic_0001>
#map = affine_map<(d0, d1) -> (0)>
#map1 = affine_map<(d0, d1) -> (0, 0)>
#map2 = affine_map<(d0, d1) -> (0, 0, 0)>
module attributes {stable_mosaic.version = 14 : i64} {
  func.func @_edge_kernel(%arg0: i32, %arg1: i32, %arg2: memref<320000xi32, #tpu.memory_space<hbm>>, %arg3: memref<320000xi32, #tpu.memory_space<hbm>>, %arg4: memref<10000x128xf32, #tpu.memory_space<hbm>>, %arg5: memref<10000x128xf32, #tpu.memory_space<hbm>>, %arg6: memref<10000x128xf32, #tpu.memory_space<hbm>>, %arg7: memref<10240x128xf32, #tpu.memory_space<hbm>>, %arg8: memref<10240x8xf32, #tpu.memory_space<hbm>>, %arg9: memref<2x10240x128xf32, #tpu.memory_space<hbm>>, %arg10: memref<2x10240x8xf32, #tpu.memory_space<hbm>>, %arg11: memref<80xi32, #tpu.memory_space<vmem>>, %arg12: memref<80xi32, #tpu.memory_space<vmem>>, %arg13: memref<80x128xf32, #tpu.memory_space<vmem>>, %arg14: memref<80x128xf32, #tpu.memory_space<vmem>>, %arg15: memref<80x128xf32, #tpu.memory_space<vmem>>, %arg16: memref<80x8xf32, #tpu.memory_space<vmem>>, %arg17: memref<10240x128xf32, #tpu.memory_space<vmem_shared>>, %arg18: memref<10240x8xf32, #tpu.memory_space<vmem_shared>>, %arg19: memref<!tpu.dma_semaphore, #tpu.memory_space<semaphore_mem>>) attributes {dimension_semantics = [#tpu.dimension_semantics<core_parallel>, #tpu.dimension_semantics<subcore_parallel>], iteration_bounds = array<i64: 2, 16>, scalar_prefetch = 0 : i64, scratch_operands = 9 : i64, tpu.core_type = #tpu.core_type<sc_vector_subcore>, window_params = [{transform_indices = #map}, {transform_indices = #map}, {transform_indices = #map1}, {transform_indices = #map1}, {transform_indices = #map1}, {transform_indices = #map1}, {transform_indices = #map1}, {transform_indices = #map2}, {transform_indices = #map2}]} {
    %mul3A = arith.constant 640 : i32
    %mul3A_0 = arith.muli %arg1, %mul3A : i32
    %mul3A_1 = arith.constant 640 : i32
    %mul3A_2 = arith.muli %arg1, %mul3A_1 : i32
    "tpu.region"() ({
      %run_scoped3A = tpu.sem_alloc : memref<!tpu.dma_semaphore, #tpu.memory_space<semaphore_mem>>
      %dma_start3A = arith.constant 0 : i32
      %dma_start3A_25 = tpu.memref_slice %arg17[%mul3A_2, %dma_start3A] : memref<10240x128xf32, #tpu.memory_space<vmem_shared>> -> memref<640x128xf32, #tpu.memory_space<vmem_shared>>
      %dma_start3A_26 = arith.constant 0 : i32
      %dma_start3A_27 = tpu.memref_slice %arg7[%mul3A_0, %dma_start3A_26] : memref<10240x128xf32, #tpu.memory_space<hbm>> -> memref<640x128xf32, #tpu.memory_space<hbm>>
      tpu.enqueue_dma source(%dma_start3A_27 : memref<640x128xf32, #tpu.memory_space<hbm>>) target(%dma_start3A_25 : memref<640x128xf32, #tpu.memory_space<vmem_shared>>) target_semaphore(%run_scoped3A : memref<!tpu.dma_semaphore, #tpu.memory_space<semaphore_mem>>)
      %dma_wait3A = arith.constant 0 : i32
      %dma_wait3A_28 = tpu.memref_slice %arg17[%mul3A_2, %dma_wait3A] : memref<10240x128xf32, #tpu.memory_space<vmem_shared>> -> memref<640x128xf32, #tpu.memory_space<vmem_shared>>
      %dma_wait3A_29 = arith.constant 0 : i32
      %dma_wait3A_30 = tpu.memref_slice %arg7[%mul3A_0, %dma_wait3A_29] : memref<10240x128xf32, #tpu.memory_space<hbm>> -> memref<640x128xf32, #tpu.memory_space<hbm>>
      tpu.wait_dma2 semaphore(%run_scoped3A : memref<!tpu.dma_semaphore, #tpu.memory_space<semaphore_mem>>) src(%dma_wait3A_30 : memref<640x128xf32, #tpu.memory_space<hbm>>) dst(%dma_wait3A_28 : memref<640x128xf32, #tpu.memory_space<vmem_shared>>)
      tpu.yield
    }) : () -> ()
    %mul3A_3 = arith.constant 640 : i32
    %mul3A_4 = arith.muli %arg1, %mul3A_3 : i32
    %mul3A_5 = arith.constant 640 : i32
    %mul3A_6 = arith.muli %arg1, %mul3A_5 : i32
    "tpu.region"() ({
      %run_scoped3A = tpu.sem_alloc : memref<!tpu.dma_semaphore, #tpu.memory_space<semaphore_mem>>
      %dma_start3A = arith.constant 0 : i32
      %dma_start3A_25 = tpu.memref_slice %arg18[%mul3A_6, %dma_start3A] : memref<10240x8xf32, #tpu.memory_space<vmem_shared>> -> memref<640x8xf32, #tpu.memory_space<vmem_shared>>
      %dma_start3A_26 = arith.constant 0 : i32
      %dma_start3A_27 = tpu.memref_slice %arg8[%mul3A_4, %dma_start3A_26] : memref<10240x8xf32, #tpu.memory_space<hbm>> -> memref<640x8xf32, #tpu.memory_space<hbm>>
      tpu.enqueue_dma source(%dma_start3A_27 : memref<640x8xf32, #tpu.memory_space<hbm>>) target(%dma_start3A_25 : memref<640x8xf32, #tpu.memory_space<vmem_shared>>) target_semaphore(%run_scoped3A : memref<!tpu.dma_semaphore, #tpu.memory_space<semaphore_mem>>)
      %dma_wait3A = arith.constant 0 : i32
      %dma_wait3A_28 = tpu.memref_slice %arg18[%mul3A_6, %dma_wait3A] : memref<10240x8xf32, #tpu.memory_space<vmem_shared>> -> memref<640x8xf32, #tpu.memory_space<vmem_shared>>
      %dma_wait3A_29 = arith.constant 0 : i32
      %dma_wait3A_30 = tpu.memref_slice %arg8[%mul3A_4, %dma_wait3A_29] : memref<10240x8xf32, #tpu.memory_space<hbm>> -> memref<640x8xf32, #tpu.memory_space<hbm>>
      tpu.wait_dma2 semaphore(%run_scoped3A : memref<!tpu.dma_semaphore, #tpu.memory_space<semaphore_mem>>) src(%dma_wait3A_30 : memref<640x8xf32, #tpu.memory_space<hbm>>) dst(%dma_wait3A_28 : memref<640x8xf32, #tpu.memory_space<vmem_shared>>)
      tpu.yield
    }) : () -> ()
    %barrier3A = arith.constant 0 : index
    tpu.barrier barrier_id(%barrier3A)
    %mul3A_7 = arith.constant 2 : i32
    %mul3A_8 = arith.muli %arg1, %mul3A_7 : i32
    %add3A = arith.addi %mul3A_8, %arg0 : i32
    %mul3A_9 = arith.constant 10000 : i32
    %mul3A_10 = arith.muli %add3A, %mul3A_9 : i32
    %scan3A = arith.constant 0 : i32
    %scan3A_11 = arith.constant 0 : i32
    %scan3A_12 = arith.constant 125 : i32
    %scan3A_13 = arith.addi %scan3A_11, %scan3A_12 : i32
    %scan3A_14 = arith.constant 1 : i32
    scf.for %scan3A_25 = %scan3A_11 to %scan3A_13 step %scan3A_14  : i32 {
      %mul3A_26 = arith.constant 80 : i32
      %mul3A_27 = arith.muli %scan3A_25, %mul3A_26 : i32
      %add3A_28 = arith.addi %mul3A_10, %mul3A_27 : i32
      "tpu.region"() ({
        %run_scoped3A = tpu.sem_alloc : memref<!tpu.dma_semaphore, #tpu.memory_space<semaphore_mem>>
        %dma_start3A_51 = tpu.memref_slice %arg2[%add3A_28] : memref<320000xi32, #tpu.memory_space<hbm>> -> memref<80xi32, #tpu.memory_space<hbm>>
        %dma_start3A_52 = tpu.memref_slice %arg2[%add3A_28] : memref<320000xi32, #tpu.memory_space<hbm>> -> memref<80xi32, #tpu.memory_space<hbm>>
        tpu.enqueue_dma source(%dma_start3A_52 : memref<80xi32, #tpu.memory_space<hbm>>) target(%arg11 : memref<80xi32, #tpu.memory_space<vmem>>) target_semaphore(%run_scoped3A : memref<!tpu.dma_semaphore, #tpu.memory_space<semaphore_mem>>)
        %dma_wait3A_53 = tpu.memref_slice %arg2[%add3A_28] : memref<320000xi32, #tpu.memory_space<hbm>> -> memref<80xi32, #tpu.memory_space<hbm>>
        %dma_wait3A_54 = tpu.memref_slice %arg2[%add3A_28] : memref<320000xi32, #tpu.memory_space<hbm>> -> memref<80xi32, #tpu.memory_space<hbm>>
        tpu.wait_dma2 semaphore(%run_scoped3A : memref<!tpu.dma_semaphore, #tpu.memory_space<semaphore_mem>>) src(%dma_wait3A_54 : memref<80xi32, #tpu.memory_space<hbm>>) dst(%arg11 : memref<80xi32, #tpu.memory_space<vmem>>)
        tpu.yield
      }) : () -> ()
      "tpu.region"() ({
        %run_scoped3A = tpu.sem_alloc : memref<!tpu.dma_semaphore, #tpu.memory_space<semaphore_mem>>
        %dma_start3A_51 = tpu.memref_slice %arg3[%add3A_28] : memref<320000xi32, #tpu.memory_space<hbm>> -> memref<80xi32, #tpu.memory_space<hbm>>
        %dma_start3A_52 = tpu.memref_slice %arg3[%add3A_28] : memref<320000xi32, #tpu.memory_space<hbm>> -> memref<80xi32, #tpu.memory_space<hbm>>
        tpu.enqueue_dma source(%dma_start3A_52 : memref<80xi32, #tpu.memory_space<hbm>>) target(%arg12 : memref<80xi32, #tpu.memory_space<vmem>>) target_semaphore(%run_scoped3A : memref<!tpu.dma_semaphore, #tpu.memory_space<semaphore_mem>>)
        %dma_wait3A_53 = tpu.memref_slice %arg3[%add3A_28] : memref<320000xi32, #tpu.memory_space<hbm>> -> memref<80xi32, #tpu.memory_space<hbm>>
        %dma_wait3A_54 = tpu.memref_slice %arg3[%add3A_28] : memref<320000xi32, #tpu.memory_space<hbm>> -> memref<80xi32, #tpu.memory_space<hbm>>
        tpu.wait_dma2 semaphore(%run_scoped3A : memref<!tpu.dma_semaphore, #tpu.memory_space<semaphore_mem>>) src(%dma_wait3A_54 : memref<80xi32, #tpu.memory_space<hbm>>) dst(%arg12 : memref<80xi32, #tpu.memory_space<vmem>>)
        tpu.yield
      }) : () -> ()
      %dma_start3A = arith.constant 0 : i32
      %dma_start3A_29 = arith.constant 0 : i32
      %dma_start3A_30 = tpu.memref_slice %arg4[%dma_start3A, %dma_start3A_29] : memref<10000x128xf32, #tpu.memory_space<hbm>> -> memref<10000x128xf32, #tpu.memory_space<hbm>>
      tpu.enqueue_indirect_dma source(%dma_start3A_30 : memref<10000x128xf32, #tpu.memory_space<hbm>>) target(%arg13 : memref<80x128xf32, #tpu.memory_space<vmem>>) offsets(%arg12 : memref<80xi32, #tpu.memory_space<vmem>>) semaphore(%arg19 : memref<!tpu.dma_semaphore, #tpu.memory_space<semaphore_mem>>)
      %dma_start3A_31 = arith.constant 0 : i32
      %dma_start3A_32 = arith.constant 0 : i32
      %dma_start3A_33 = tpu.memref_slice %arg5[%dma_start3A_31, %dma_start3A_32] : memref<10000x128xf32, #tpu.memory_space<hbm>> -> memref<10000x128xf32, #tpu.memory_space<hbm>>
      tpu.enqueue_indirect_dma source(%dma_start3A_33 : memref<10000x128xf32, #tpu.memory_space<hbm>>) target(%arg14 : memref<80x128xf32, #tpu.memory_space<vmem>>) offsets(%arg11 : memref<80xi32, #tpu.memory_space<vmem>>) semaphore(%arg19 : memref<!tpu.dma_semaphore, #tpu.memory_space<semaphore_mem>>)
      %dma_start3A_34 = arith.constant 0 : i32
      %dma_start3A_35 = arith.constant 0 : i32
      %dma_start3A_36 = tpu.memref_slice %arg6[%dma_start3A_34, %dma_start3A_35] : memref<10000x128xf32, #tpu.memory_space<hbm>> -> memref<10000x128xf32, #tpu.memory_space<hbm>>
      tpu.enqueue_indirect_dma source(%dma_start3A_36 : memref<10000x128xf32, #tpu.memory_space<hbm>>) target(%arg15 : memref<80x128xf32, #tpu.memory_space<vmem>>) offsets(%arg11 : memref<80xi32, #tpu.memory_space<vmem>>) semaphore(%arg19 : memref<!tpu.dma_semaphore, #tpu.memory_space<semaphore_mem>>)
      %dma_wait3A = arith.constant 0 : i32
      %dma_wait3A_37 = arith.constant 0 : i32
      %dma_wait3A_38 = tpu.memref_slice %arg4[%dma_wait3A, %dma_wait3A_37] : memref<10000x128xf32, #tpu.memory_space<hbm>> -> memref<10000x128xf32, #tpu.memory_space<hbm>>
      tpu.wait_indirect_dma semaphore(%arg19 : memref<!tpu.dma_semaphore, #tpu.memory_space<semaphore_mem>>) src(%dma_wait3A_38 : memref<10000x128xf32, #tpu.memory_space<hbm>>) dst(%arg13 : memref<80x128xf32, #tpu.memory_space<vmem>>)
      %dma_wait3A_39 = arith.constant 0 : i32
      %dma_wait3A_40 = arith.constant 0 : i32
      %dma_wait3A_41 = tpu.memref_slice %arg5[%dma_wait3A_39, %dma_wait3A_40] : memref<10000x128xf32, #tpu.memory_space<hbm>> -> memref<10000x128xf32, #tpu.memory_space<hbm>>
      tpu.wait_indirect_dma semaphore(%arg19 : memref<!tpu.dma_semaphore, #tpu.memory_space<semaphore_mem>>) src(%dma_wait3A_41 : memref<10000x128xf32, #tpu.memory_space<hbm>>) dst(%arg14 : memref<80x128xf32, #tpu.memory_space<vmem>>)
      %dma_wait3A_42 = arith.constant 0 : i32
      %dma_wait3A_43 = arith.constant 0 : i32
      %dma_wait3A_44 = tpu.memref_slice %arg6[%dma_wait3A_42, %dma_wait3A_43] : memref<10000x128xf32, #tpu.memory_space<hbm>> -> memref<10000x128xf32, #tpu.memory_space<hbm>>
      tpu.wait_indirect_dma semaphore(%arg19 : memref<!tpu.dma_semaphore, #tpu.memory_space<semaphore_mem>>) src(%dma_wait3A_44 : memref<10000x128xf32, #tpu.memory_space<hbm>>) dst(%arg15 : memref<80x128xf32, #tpu.memory_space<vmem>>)
      %scan3A_45 = arith.constant 0 : i32
      %scan3A_46 = arith.constant 0 : i32
      %scan3A_47 = arith.constant 5 : i32
      %scan3A_48 = arith.addi %scan3A_46, %scan3A_47 : i32
      %scan3A_49 = arith.constant 1 : i32
      scf.for %scan3A_51 = %scan3A_46 to %scan3A_48 step %scan3A_49  : i32 {
        %iota3A = tpu.iota {dimensions = array<i32: 0>} : vector<16xi32>
        %mul3A_52 = arith.constant 16 : i32
        %mul3A_53 = arith.muli %scan3A_51, %mul3A_52 : i32
        %add3A_54 = vector.broadcast %mul3A_53 : i32 to vector<16xi32>
        %add3A_55 = arith.addi %iota3A, %add3A_54 : vector<16xi32>
        %broadcast_in_dim3A = arith.constant 0.000000e+00 : f32
        %broadcast_in_dim3A_56 = vector.broadcast %broadcast_in_dim3A : f32 to vector<16xf32>
        %broadcast_in_dim3A_57 = arith.constant 0 : i32
        %broadcast_in_dim3A_58 = vector.broadcast %broadcast_in_dim3A_57 : i32 to vector<16xi32>
        %gather3A = tpu.vector_load_idx %arg13[%add3A_55, %broadcast_in_dim3A_58] : memref<80x128xf32, #tpu.memory_space<vmem>>[vector<16xi32>, vector<16xi32>], vector<16xf32>,
        %gather3A_59 = tpu.vector_load_idx %arg14[%add3A_55, %broadcast_in_dim3A_58] : memref<80x128xf32, #tpu.memory_space<vmem>>[vector<16xi32>, vector<16xi32>], vector<16xf32>,
        %mul3A_60 = arith.mulf %gather3A, %gather3A_59 : vector<16xf32>
        %add3A_61 = arith.addf %broadcast_in_dim3A_56, %mul3A_60 : vector<16xf32>
        %broadcast_in_dim3A_62 = arith.constant 1 : i32
        %broadcast_in_dim3A_63 = vector.broadcast %broadcast_in_dim3A_62 : i32 to vector<16xi32>
        %gather3A_64 = tpu.vector_load_idx %arg13[%add3A_55, %broadcast_in_dim3A_63] : memref<80x128xf32, #tpu.memory_space<vmem>>[vector<16xi32>, vector<16xi32>], vector<16xf32>,
        %gather3A_65 = tpu.vector_load_idx %arg14[%add3A_55, %broadcast_in_dim3A_63] : memref<80x128xf32, #tpu.memory_space<vmem>>[vector<16xi32>, vector<16xi32>], vector<16xf32>,
        %mul3A_66 = arith.mulf %gather3A_64, %gather3A_65 : vector<16xf32>
        %add3A_67 = arith.addf %add3A_61, %mul3A_66 : vector<16xf32>
        %broadcast_in_dim3A_68 = arith.constant 2 : i32
        %broadcast_in_dim3A_69 = vector.broadcast %broadcast_in_dim3A_68 : i32 to vector<16xi32>
        %gather3A_70 = tpu.vector_load_idx %arg13[%add3A_55, %broadcast_in_dim3A_69] : memref<80x128xf32, #tpu.memory_space<vmem>>[vector<16xi32>, vector<16xi32>], vector<16xf32>,
        %gather3A_71 = tpu.vector_load_idx %arg14[%add3A_55, %broadcast_in_dim3A_69] : memref<80x128xf32, #tpu.memory_space<vmem>>[vector<16xi32>, vector<16xi32>], vector<16xf32>,
        %mul3A_72 = arith.mulf %gather3A_70, %gather3A_71 : vector<16xf32>
        %add3A_73 = arith.addf %add3A_67, %mul3A_72 : vector<16xf32>
        %broadcast_in_dim3A_74 = arith.constant 3 : i32
        %broadcast_in_dim3A_75 = vector.broadcast %broadcast_in_dim3A_74 : i32 to vector<16xi32>
        %gather3A_76 = tpu.vector_load_idx %arg13[%add3A_55, %broadcast_in_dim3A_75] : memref<80x128xf32, #tpu.memory_space<vmem>>[vector<16xi32>, vector<16xi32>], vector<16xf32>,
        %gather3A_77 = tpu.vector_load_idx %arg14[%add3A_55, %broadcast_in_dim3A_75] : memref<80x128xf32, #tpu.memory_space<vmem>>[vector<16xi32>, vector<16xi32>], vector<16xf32>,
        %mul3A_78 = arith.mulf %gather3A_76, %gather3A_77 : vector<16xf32>
        %add3A_79 = arith.addf %add3A_73, %mul3A_78 : vector<16xf32>
        %broadcast_in_dim3A_80 = arith.constant 4 : i32
        %broadcast_in_dim3A_81 = vector.broadcast %broadcast_in_dim3A_80 : i32 to vector<16xi32>
        %gather3A_82 = tpu.vector_load_idx %arg13[%add3A_55, %broadcast_in_dim3A_81] : memref<80x128xf32, #tpu.memory_space<vmem>>[vector<16xi32>, vector<16xi32>], vector<16xf32>,
        %gather3A_83 = tpu.vector_load_idx %arg14[%add3A_55, %broadcast_in_dim3A_81] : memref<80x128xf32, #tpu.memory_space<vmem>>[vector<16xi32>, vector<16xi32>], vector<16xf32>,
        %mul3A_84 = arith.mulf %gather3A_82, %gather3A_83 : vector<16xf32>
        %add3A_85 = arith.addf %add3A_79, %mul3A_84 : vector<16xf32>
        %broadcast_in_dim3A_86 = arith.constant 5 : i32
        %broadcast_in_dim3A_87 = vector.broadcast %broadcast_in_dim3A_86 : i32 to vector<16xi32>
        %gather3A_88 = tpu.vector_load_idx %arg13[%add3A_55, %broadcast_in_dim3A_87] : memref<80x128xf32, #tpu.memory_space<vmem>>[vector<16xi32>, vector<16xi32>], vector<16xf32>,
        %gather3A_89 = tpu.vector_load_idx %arg14[%add3A_55, %broadcast_in_dim3A_87] : memref<80x128xf32, #tpu.memory_space<vmem>>[vector<16xi32>, vector<16xi32>], vector<16xf32>,
        %mul3A_90 = arith.mulf %gather3A_88, %gather3A_89 : vector<16xf32>
        %add3A_91 = arith.addf %add3A_85, %mul3A_90 : vector<16xf32>
        %broadcast_in_dim3A_92 = arith.constant 6 : i32
        %broadcast_in_dim3A_93 = vector.broadcast %broadcast_in_dim3A_92 : i32 to vector<16xi32>
        %gather3A_94 = tpu.vector_load_idx %arg13[%add3A_55, %broadcast_in_dim3A_93] : memref<80x128xf32, #tpu.memory_space<vmem>>[vector<16xi32>, vector<16xi32>], vector<16xf32>,
        %gather3A_95 = tpu.vector_load_idx %arg14[%add3A_55, %broadcast_in_dim3A_93] : memref<80x128xf32, #tpu.memory_space<vmem>>[vector<16xi32>, vector<16xi32>], vector<16xf32>,
        %mul3A_96 = arith.mulf %gather3A_94, %gather3A_95 : vector<16xf32>
        %add3A_97 = arith.addf %add3A_91, %mul3A_96 : vector<16xf32>
        %broadcast_in_dim3A_98 = arith.constant 7 : i32
        %broadcast_in_dim3A_99 = vector.broadcast %broadcast_in_dim3A_98 : i32 to vector<16xi32>
        %gather3A_100 = tpu.vector_load_idx %arg13[%add3A_55, %broadcast_in_dim3A_99] : memref<80x128xf32, #tpu.memory_space<vmem>>[vector<16xi32>, vector<16xi32>], vector<16xf32>,
        %gather3A_101 = tpu.vector_load_idx %arg14[%add3A_55, %broadcast_in_dim3A_99] : memref<80x128xf32, #tpu.memory_space<vmem>>[vector<16xi32>, vector<16xi32>], vector<16xf32>,
        %mul3A_102 = arith.mulf %gather3A_100, %gather3A_101 : vector<16xf32>
        %add3A_103 = arith.addf %add3A_97, %mul3A_102 : vector<16xf32>
        %broadcast_in_dim3A_104 = arith.constant 8 : i32
        %broadcast_in_dim3A_105 = vector.broadcast %broadcast_in_dim3A_104 : i32 to vector<16xi32>
        %gather3A_106 = tpu.vector_load_idx %arg13[%add3A_55, %broadcast_in_dim3A_105] : memref<80x128xf32, #tpu.memory_space<vmem>>[vector<16xi32>, vector<16xi32>], vector<16xf32>,
        %gather3A_107 = tpu.vector_load_idx %arg14[%add3A_55, %broadcast_in_dim3A_105] : memref<80x128xf32, #tpu.memory_space<vmem>>[vector<16xi32>, vector<16xi32>], vector<16xf32>,
        %mul3A_108 = arith.mulf %gather3A_106, %gather3A_107 : vector<16xf32>
        %add3A_109 = arith.addf %add3A_103, %mul3A_108 : vector<16xf32>
        %broadcast_in_dim3A_110 = arith.constant 9 : i32
        %broadcast_in_dim3A_111 = vector.broadcast %broadcast_in_dim3A_110 : i32 to vector<16xi32>
        %gather3A_112 = tpu.vector_load_idx %arg13[%add3A_55, %broadcast_in_dim3A_111] : memref<80x128xf32, #tpu.memory_space<vmem>>[vector<16xi32>, vector<16xi32>], vector<16xf32>,
        %gather3A_113 = tpu.vector_load_idx %arg14[%add3A_55, %broadcast_in_dim3A_111] : memref<80x128xf32, #tpu.memory_space<vmem>>[vector<16xi32>, vector<16xi32>], vector<16xf32>,
        %mul3A_114 = arith.mulf %gather3A_112, %gather3A_113 : vector<16xf32>
        %add3A_115 = arith.addf %add3A_109, %mul3A_114 : vector<16xf32>
        %broadcast_in_dim3A_116 = arith.constant 10 : i32
        %broadcast_in_dim3A_117 = vector.broadcast %broadcast_in_dim3A_116 : i32 to vector<16xi32>
        %gather3A_118 = tpu.vector_load_idx %arg13[%add3A_55, %broadcast_in_dim3A_117] : memref<80x128xf32, #tpu.memory_space<vmem>>[vector<16xi32>, vector<16xi32>], vector<16xf32>,
        %gather3A_119 = tpu.vector_load_idx %arg14[%add3A_55, %broadcast_in_dim3A_117] : memref<80x128xf32, #tpu.memory_space<vmem>>[vector<16xi32>, vector<16xi32>], vector<16xf32>,
        %mul3A_120 = arith.mulf %gather3A_118, %gather3A_119 : vector<16xf32>
        %add3A_121 = arith.addf %add3A_115, %mul3A_120 : vector<16xf32>
        %broadcast_in_dim3A_122 = arith.constant 11 : i32
        %broadcast_in_dim3A_123 = vector.broadcast %broadcast_in_dim3A_122 : i32 to vector<16xi32>
        %gather3A_124 = tpu.vector_load_idx %arg13[%add3A_55, %broadcast_in_dim3A_123] : memref<80x128xf32, #tpu.memory_space<vmem>>[vector<16xi32>, vector<16xi32>], vector<16xf32>,
        %gather3A_125 = tpu.vector_load_idx %arg14[%add3A_55, %broadcast_in_dim3A_123] : memref<80x128xf32, #tpu.memory_space<vmem>>[vector<16xi32>, vector<16xi32>], vector<16xf32>,
        %mul3A_126 = arith.mulf %gather3A_124, %gather3A_125 : vector<16xf32>
        %add3A_127 = arith.addf %add3A_121, %mul3A_126 : vector<16xf32>
        %broadcast_in_dim3A_128 = arith.constant 12 : i32
        %broadcast_in_dim3A_129 = vector.broadcast %broadcast_in_dim3A_128 : i32 to vector<16xi32>
        %gather3A_130 = tpu.vector_load_idx %arg13[%add3A_55, %broadcast_in_dim3A_129] : memref<80x128xf32, #tpu.memory_space<vmem>>[vector<16xi32>, vector<16xi32>], vector<16xf32>,
        %gather3A_131 = tpu.vector_load_idx %arg14[%add3A_55, %broadcast_in_dim3A_129] : memref<80x128xf32, #tpu.memory_space<vmem>>[vector<16xi32>, vector<16xi32>], vector<16xf32>,
        %mul3A_132 = arith.mulf %gather3A_130, %gather3A_131 : vector<16xf32>
        %add3A_133 = arith.addf %add3A_127, %mul3A_132 : vector<16xf32>
        %broadcast_in_dim3A_134 = arith.constant 13 : i32
        %broadcast_in_dim3A_135 = vector.broadcast %broadcast_in_dim3A_134 : i32 to vector<16xi32>
        %gather3A_136 = tpu.vector_load_idx %arg13[%add3A_55, %broadcast_in_dim3A_135] : memref<80x128xf32, #tpu.memory_space<vmem>>[vector<16xi32>, vector<16xi32>], vector<16xf32>,
        %gather3A_137 = tpu.vector_load_idx %arg14[%add3A_55, %broadcast_in_dim3A_135] : memref<80x128xf32, #tpu.memory_space<vmem>>[vector<16xi32>, vector<16xi32>], vector<16xf32>,
        %mul3A_138 = arith.mulf %gather3A_136, %gather3A_137 : vector<16xf32>
        %add3A_139 = arith.addf %add3A_133, %mul3A_138 : vector<16xf32>
        %broadcast_in_dim3A_140 = arith.constant 14 : i32
        %broadcast_in_dim3A_141 = vector.broadcast %broadcast_in_dim3A_140 : i32 to vector<16xi32>
        %gather3A_142 = tpu.vector_load_idx %arg13[%add3A_55, %broadcast_in_dim3A_141] : memref<80x128xf32, #tpu.memory_space<vmem>>[vector<16xi32>, vector<16xi32>], vector<16xf32>,
        %gather3A_143 = tpu.vector_load_idx %arg14[%add3A_55, %broadcast_in_dim3A_141] : memref<80x128xf32, #tpu.memory_space<vmem>>[vector<16xi32>, vector<16xi32>], vector<16xf32>,
        %mul3A_144 = arith.mulf %gather3A_142, %gather3A_143 : vector<16xf32>
        %add3A_145 = arith.addf %add3A_139, %mul3A_144 : vector<16xf32>
        %broadcast_in_dim3A_146 = arith.constant 15 : i32
        %broadcast_in_dim3A_147 = vector.broadcast %broadcast_in_dim3A_146 : i32 to vector<16xi32>
        %gather3A_148 = tpu.vector_load_idx %arg13[%add3A_55, %broadcast_in_dim3A_147] : memref<80x128xf32, #tpu.memory_space<vmem>>[vector<16xi32>, vector<16xi32>], vector<16xf32>,
        %gather3A_149 = tpu.vector_load_idx %arg14[%add3A_55, %broadcast_in_dim3A_147] : memref<80x128xf32, #tpu.memory_space<vmem>>[vector<16xi32>, vector<16xi32>], vector<16xf32>,
        %mul3A_150 = arith.mulf %gather3A_148, %gather3A_149 : vector<16xf32>
        %add3A_151 = arith.addf %add3A_145, %mul3A_150 : vector<16xf32>
        %exp3A = math.exp %add3A_151 : vector<16xf32>
        %broadcast_in_dim3A_152 = arith.constant 0 : i32
        %broadcast_in_dim3A_153 = vector.broadcast %broadcast_in_dim3A_152 : i32 to vector<16xi32>
        tpu.vector_store_idx %arg16[%add3A_55, %broadcast_in_dim3A_153], %exp3A : memref<80x8xf32, #tpu.memory_space<vmem>>[vector<16xi32>, vector<16xi32>], vector<16xf32>,
        %broadcast_in_dim3A_154 = arith.constant 0 : i32
        %broadcast_in_dim3A_155 = vector.broadcast %broadcast_in_dim3A_154 : i32 to vector<16xi32>
        %gather3A_156 = tpu.vector_load_idx %arg15[%add3A_55, %broadcast_in_dim3A_155] : memref<80x128xf32, #tpu.memory_space<vmem>>[vector<16xi32>, vector<16xi32>], vector<16xf32>,
        %mul3A_157 = arith.mulf %gather3A_156, %exp3A : vector<16xf32>
        tpu.vector_store_idx %arg15[%add3A_55, %broadcast_in_dim3A_155], %mul3A_157 : memref<80x128xf32, #tpu.memory_space<vmem>>[vector<16xi32>, vector<16xi32>], vector<16xf32>,
        %broadcast_in_dim3A_158 = arith.constant 1 : i32
        %broadcast_in_dim3A_159 = vector.broadcast %broadcast_in_dim3A_158 : i32 to vector<16xi32>
        %gather3A_160 = tpu.vector_load_idx %arg15[%add3A_55, %broadcast_in_dim3A_159] : memref<80x128xf32, #tpu.memory_space<vmem>>[vector<16xi32>, vector<16xi32>], vector<16xf32>,
        %mul3A_161 = arith.mulf %gather3A_160, %exp3A : vector<16xf32>
        tpu.vector_store_idx %arg15[%add3A_55, %broadcast_in_dim3A_159], %mul3A_161 : memref<80x128xf32, #tpu.memory_space<vmem>>[vector<16xi32>, vector<16xi32>], vector<16xf32>,
        %broadcast_in_dim3A_162 = arith.constant 2 : i32
        %broadcast_in_dim3A_163 = vector.broadcast %broadcast_in_dim3A_162 : i32 to vector<16xi32>
        %gather3A_164 = tpu.vector_load_idx %arg15[%add3A_55, %broadcast_in_dim3A_163] : memref<80x128xf32, #tpu.memory_space<vmem>>[vector<16xi32>, vector<16xi32>], vector<16xf32>,
        %mul3A_165 = arith.mulf %gather3A_164, %exp3A : vector<16xf32>
        tpu.vector_store_idx %arg15[%add3A_55, %broadcast_in_dim3A_163], %mul3A_165 : memref<80x128xf32, #tpu.memory_space<vmem>>[vector<16xi32>, vector<16xi32>], vector<16xf32>,
        %broadcast_in_dim3A_166 = arith.constant 3 : i32
        %broadcast_in_dim3A_167 = vector.broadcast %broadcast_in_dim3A_166 : i32 to vector<16xi32>
        %gather3A_168 = tpu.vector_load_idx %arg15[%add3A_55, %broadcast_in_dim3A_167] : memref<80x128xf32, #tpu.memory_space<vmem>>[vector<16xi32>, vector<16xi32>], vector<16xf32>,
        %mul3A_169 = arith.mulf %gather3A_168, %exp3A : vector<16xf32>
        tpu.vector_store_idx %arg15[%add3A_55, %broadcast_in_dim3A_167], %mul3A_169 : memref<80x128xf32, #tpu.memory_space<vmem>>[vector<16xi32>, vector<16xi32>], vector<16xf32>,
        %broadcast_in_dim3A_170 = arith.constant 4 : i32
        %broadcast_in_dim3A_171 = vector.broadcast %broadcast_in_dim3A_170 : i32 to vector<16xi32>
        %gather3A_172 = tpu.vector_load_idx %arg15[%add3A_55, %broadcast_in_dim3A_171] : memref<80x128xf32, #tpu.memory_space<vmem>>[vector<16xi32>, vector<16xi32>], vector<16xf32>,
        %mul3A_173 = arith.mulf %gather3A_172, %exp3A : vector<16xf32>
        tpu.vector_store_idx %arg15[%add3A_55, %broadcast_in_dim3A_171], %mul3A_173 : memref<80x128xf32, #tpu.memory_space<vmem>>[vector<16xi32>, vector<16xi32>], vector<16xf32>,
        %broadcast_in_dim3A_174 = arith.constant 5 : i32
        %broadcast_in_dim3A_175 = vector.broadcast %broadcast_in_dim3A_174 : i32 to vector<16xi32>
        %gather3A_176 = tpu.vector_load_idx %arg15[%add3A_55, %broadcast_in_dim3A_175] : memref<80x128xf32, #tpu.memory_space<vmem>>[vector<16xi32>, vector<16xi32>], vector<16xf32>,
        %mul3A_177 = arith.mulf %gather3A_176, %exp3A : vector<16xf32>
        tpu.vector_store_idx %arg15[%add3A_55, %broadcast_in_dim3A_175], %mul3A_177 : memref<80x128xf32, #tpu.memory_space<vmem>>[vector<16xi32>, vector<16xi32>], vector<16xf32>,
        %broadcast_in_dim3A_178 = arith.constant 6 : i32
        %broadcast_in_dim3A_179 = vector.broadcast %broadcast_in_dim3A_178 : i32 to vector<16xi32>
        %gather3A_180 = tpu.vector_load_idx %arg15[%add3A_55, %broadcast_in_dim3A_179] : memref<80x128xf32, #tpu.memory_space<vmem>>[vector<16xi32>, vector<16xi32>], vector<16xf32>,
        %mul3A_181 = arith.mulf %gather3A_180, %exp3A : vector<16xf32>
        tpu.vector_store_idx %arg15[%add3A_55, %broadcast_in_dim3A_179], %mul3A_181 : memref<80x128xf32, #tpu.memory_space<vmem>>[vector<16xi32>, vector<16xi32>], vector<16xf32>,
        %broadcast_in_dim3A_182 = arith.constant 7 : i32
        %broadcast_in_dim3A_183 = vector.broadcast %broadcast_in_dim3A_182 : i32 to vector<16xi32>
        %gather3A_184 = tpu.vector_load_idx %arg15[%add3A_55, %broadcast_in_dim3A_183] : memref<80x128xf32, #tpu.memory_space<vmem>>[vector<16xi32>, vector<16xi32>], vector<16xf32>,
        %mul3A_185 = arith.mulf %gather3A_184, %exp3A : vector<16xf32>
        tpu.vector_store_idx %arg15[%add3A_55, %broadcast_in_dim3A_183], %mul3A_185 : memref<80x128xf32, #tpu.memory_space<vmem>>[vector<16xi32>, vector<16xi32>], vector<16xf32>,
        %broadcast_in_dim3A_186 = arith.constant 8 : i32
        %broadcast_in_dim3A_187 = vector.broadcast %broadcast_in_dim3A_186 : i32 to vector<16xi32>
        %gather3A_188 = tpu.vector_load_idx %arg15[%add3A_55, %broadcast_in_dim3A_187] : memref<80x128xf32, #tpu.memory_space<vmem>>[vector<16xi32>, vector<16xi32>], vector<16xf32>,
        %mul3A_189 = arith.mulf %gather3A_188, %exp3A : vector<16xf32>
        tpu.vector_store_idx %arg15[%add3A_55, %broadcast_in_dim3A_187], %mul3A_189 : memref<80x128xf32, #tpu.memory_space<vmem>>[vector<16xi32>, vector<16xi32>], vector<16xf32>,
        %broadcast_in_dim3A_190 = arith.constant 9 : i32
        %broadcast_in_dim3A_191 = vector.broadcast %broadcast_in_dim3A_190 : i32 to vector<16xi32>
        %gather3A_192 = tpu.vector_load_idx %arg15[%add3A_55, %broadcast_in_dim3A_191] : memref<80x128xf32, #tpu.memory_space<vmem>>[vector<16xi32>, vector<16xi32>], vector<16xf32>,
        %mul3A_193 = arith.mulf %gather3A_192, %exp3A : vector<16xf32>
        tpu.vector_store_idx %arg15[%add3A_55, %broadcast_in_dim3A_191], %mul3A_193 : memref<80x128xf32, #tpu.memory_space<vmem>>[vector<16xi32>, vector<16xi32>], vector<16xf32>,
        %broadcast_in_dim3A_194 = arith.constant 10 : i32
        %broadcast_in_dim3A_195 = vector.broadcast %broadcast_in_dim3A_194 : i32 to vector<16xi32>
        %gather3A_196 = tpu.vector_load_idx %arg15[%add3A_55, %broadcast_in_dim3A_195] : memref<80x128xf32, #tpu.memory_space<vmem>>[vector<16xi32>, vector<16xi32>], vector<16xf32>,
        %mul3A_197 = arith.mulf %gather3A_196, %exp3A : vector<16xf32>
        tpu.vector_store_idx %arg15[%add3A_55, %broadcast_in_dim3A_195], %mul3A_197 : memref<80x128xf32, #tpu.memory_space<vmem>>[vector<16xi32>, vector<16xi32>], vector<16xf32>,
        %broadcast_in_dim3A_198 = arith.constant 11 : i32
        %broadcast_in_dim3A_199 = vector.broadcast %broadcast_in_dim3A_198 : i32 to vector<16xi32>
        %gather3A_200 = tpu.vector_load_idx %arg15[%add3A_55, %broadcast_in_dim3A_199] : memref<80x128xf32, #tpu.memory_space<vmem>>[vector<16xi32>, vector<16xi32>], vector<16xf32>,
        %mul3A_201 = arith.mulf %gather3A_200, %exp3A : vector<16xf32>
        tpu.vector_store_idx %arg15[%add3A_55, %broadcast_in_dim3A_199], %mul3A_201 : memref<80x128xf32, #tpu.memory_space<vmem>>[vector<16xi32>, vector<16xi32>], vector<16xf32>,
        %broadcast_in_dim3A_202 = arith.constant 12 : i32
        %broadcast_in_dim3A_203 = vector.broadcast %broadcast_in_dim3A_202 : i32 to vector<16xi32>
        %gather3A_204 = tpu.vector_load_idx %arg15[%add3A_55, %broadcast_in_dim3A_203] : memref<80x128xf32, #tpu.memory_space<vmem>>[vector<16xi32>, vector<16xi32>], vector<16xf32>,
        %mul3A_205 = arith.mulf %gather3A_204, %exp3A : vector<16xf32>
        tpu.vector_store_idx %arg15[%add3A_55, %broadcast_in_dim3A_203], %mul3A_205 : memref<80x128xf32, #tpu.memory_space<vmem>>[vector<16xi32>, vector<16xi32>], vector<16xf32>,
        %broadcast_in_dim3A_206 = arith.constant 13 : i32
        %broadcast_in_dim3A_207 = vector.broadcast %broadcast_in_dim3A_206 : i32 to vector<16xi32>
        %gather3A_208 = tpu.vector_load_idx %arg15[%add3A_55, %broadcast_in_dim3A_207] : memref<80x128xf32, #tpu.memory_space<vmem>>[vector<16xi32>, vector<16xi32>], vector<16xf32>,
        %mul3A_209 = arith.mulf %gather3A_208, %exp3A : vector<16xf32>
        tpu.vector_store_idx %arg15[%add3A_55, %broadcast_in_dim3A_207], %mul3A_209 : memref<80x128xf32, #tpu.memory_space<vmem>>[vector<16xi32>, vector<16xi32>], vector<16xf32>,
        %broadcast_in_dim3A_210 = arith.constant 14 : i32
        %broadcast_in_dim3A_211 = vector.broadcast %broadcast_in_dim3A_210 : i32 to vector<16xi32>
        %gather3A_212 = tpu.vector_load_idx %arg15[%add3A_55, %broadcast_in_dim3A_211] : memref<80x128xf32, #tpu.memory_space<vmem>>[vector<16xi32>, vector<16xi32>], vector<16xf32>,
        %mul3A_213 = arith.mulf %gather3A_212, %exp3A : vector<16xf32>
        tpu.vector_store_idx %arg15[%add3A_55, %broadcast_in_dim3A_211], %mul3A_213 : memref<80x128xf32, #tpu.memory_space<vmem>>[vector<16xi32>, vector<16xi32>], vector<16xf32>,
        %broadcast_in_dim3A_214 = arith.constant 15 : i32
        %broadcast_in_dim3A_215 = vector.broadcast %broadcast_in_dim3A_214 : i32 to vector<16xi32>
        %gather3A_216 = tpu.vector_load_idx %arg15[%add3A_55, %broadcast_in_dim3A_215] : memref<80x128xf32, #tpu.memory_space<vmem>>[vector<16xi32>, vector<16xi32>], vector<16xf32>,
        %mul3A_217 = arith.mulf %gather3A_216, %exp3A : vector<16xf32>
        tpu.vector_store_idx %arg15[%add3A_55, %broadcast_in_dim3A_215], %mul3A_217 : memref<80x128xf32, #tpu.memory_space<vmem>>[vector<16xi32>, vector<16xi32>], vector<16xf32>,
        %broadcast_in_dim3A_218 = arith.constant 0.000000e+00 : f32
        %broadcast_in_dim3A_219 = vector.broadcast %broadcast_in_dim3A_218 : f32 to vector<16xf32>
        %broadcast_in_dim3A_220 = arith.constant 16 : i32
        %broadcast_in_dim3A_221 = vector.broadcast %broadcast_in_dim3A_220 : i32 to vector<16xi32>
        %gather3A_222 = tpu.vector_load_idx %arg13[%add3A_55, %broadcast_in_dim3A_221] : memref<80x128xf32, #tpu.memory_space<vmem>>[vector<16xi32>, vector<16xi32>], vector<16xf32>,
        %gather3A_223 = tpu.vector_load_idx %arg14[%add3A_55, %broadcast_in_dim3A_221] : memref<80x128xf32, #tpu.memory_space<vmem>>[vector<16xi32>, vector<16xi32>], vector<16xf32>,
        %mul3A_224 = arith.mulf %gather3A_222, %gather3A_223 : vector<16xf32>
        %add3A_225 = arith.addf %broadcast_in_dim3A_219, %mul3A_224 : vector<16xf32>
        %broadcast_in_dim3A_226 = arith.constant 17 : i32
        %broadcast_in_dim3A_227 = vector.broadcast %broadcast_in_dim3A_226 : i32 to vector<16xi32>
        %gather3A_228 = tpu.vector_load_idx %arg13[%add3A_55, %broadcast_in_dim3A_227] : memref<80x128xf32, #tpu.memory_space<vmem>>[vector<16xi32>, vector<16xi32>], vector<16xf32>,
        %gather3A_229 = tpu.vector_load_idx %arg14[%add3A_55, %broadcast_in_dim3A_227] : memref<80x128xf32, #tpu.memory_space<vmem>>[vector<16xi32>, vector<16xi32>], vector<16xf32>,
        %mul3A_230 = arith.mulf %gather3A_228, %gather3A_229 : vector<16xf32>
        %add3A_231 = arith.addf %add3A_225, %mul3A_230 : vector<16xf32>
        %broadcast_in_dim3A_232 = arith.constant 18 : i32
        %broadcast_in_dim3A_233 = vector.broadcast %broadcast_in_dim3A_232 : i32 to vector<16xi32>
        %gather3A_234 = tpu.vector_load_idx %arg13[%add3A_55, %broadcast_in_dim3A_233] : memref<80x128xf32, #tpu.memory_space<vmem>>[vector<16xi32>, vector<16xi32>], vector<16xf32>,
        %gather3A_235 = tpu.vector_load_idx %arg14[%add3A_55, %broadcast_in_dim3A_233] : memref<80x128xf32, #tpu.memory_space<vmem>>[vector<16xi32>, vector<16xi32>], vector<16xf32>,
        %mul3A_236 = arith.mulf %gather3A_234, %gather3A_235 : vector<16xf32>
        %add3A_237 = arith.addf %add3A_231, %mul3A_236 : vector<16xf32>
        %broadcast_in_dim3A_238 = arith.constant 19 : i32
        %broadcast_in_dim3A_239 = vector.broadcast %broadcast_in_dim3A_238 : i32 to vector<16xi32>
        %gather3A_240 = tpu.vector_load_idx %arg13[%add3A_55, %broadcast_in_dim3A_239] : memref<80x128xf32, #tpu.memory_space<vmem>>[vector<16xi32>, vector<16xi32>], vector<16xf32>,
        %gather3A_241 = tpu.vector_load_idx %arg14[%add3A_55, %broadcast_in_dim3A_239] : memref<80x128xf32, #tpu.memory_space<vmem>>[vector<16xi32>, vector<16xi32>], vector<16xf32>,
        %mul3A_242 = arith.mulf %gather3A_240, %gather3A_241 : vector<16xf32>
        %add3A_243 = arith.addf %add3A_237, %mul3A_242 : vector<16xf32>
        %broadcast_in_dim3A_244 = arith.constant 20 : i32
        %broadcast_in_dim3A_245 = vector.broadcast %broadcast_in_dim3A_244 : i32 to vector<16xi32>
        %gather3A_246 = tpu.vector_load_idx %arg13[%add3A_55, %broadcast_in_dim3A_245] : memref<80x128xf32, #tpu.memory_space<vmem>>[vector<16xi32>, vector<16xi32>], vector<16xf32>,
        %gather3A_247 = tpu.vector_load_idx %arg14[%add3A_55, %broadcast_in_dim3A_245] : memref<80x128xf32, #tpu.memory_space<vmem>>[vector<16xi32>, vector<16xi32>], vector<16xf32>,
        %mul3A_248 = arith.mulf %gather3A_246, %gather3A_247 : vector<16xf32>
        %add3A_249 = arith.addf %add3A_243, %mul3A_248 : vector<16xf32>
        %broadcast_in_dim3A_250 = arith.constant 21 : i32
        %broadcast_in_dim3A_251 = vector.broadcast %broadcast_in_dim3A_250 : i32 to vector<16xi32>
        %gather3A_252 = tpu.vector_load_idx %arg13[%add3A_55, %broadcast_in_dim3A_251] : memref<80x128xf32, #tpu.memory_space<vmem>>[vector<16xi32>, vector<16xi32>], vector<16xf32>,
        %gather3A_253 = tpu.vector_load_idx %arg14[%add3A_55, %broadcast_in_dim3A_251] : memref<80x128xf32, #tpu.memory_space<vmem>>[vector<16xi32>, vector<16xi32>], vector<16xf32>,
        %mul3A_254 = arith.mulf %gather3A_252, %gather3A_253 : vector<16xf32>
        %add3A_255 = arith.addf %add3A_249, %mul3A_254 : vector<16xf32>
        %broadcast_in_dim3A_256 = arith.constant 22 : i32
        %broadcast_in_dim3A_257 = vector.broadcast %broadcast_in_dim3A_256 : i32 to vector<16xi32>
        %gather3A_258 = tpu.vector_load_idx %arg13[%add3A_55, %broadcast_in_dim3A_257] : memref<80x128xf32, #tpu.memory_space<vmem>>[vector<16xi32>, vector<16xi32>], vector<16xf32>,
        %gather3A_259 = tpu.vector_load_idx %arg14[%add3A_55, %broadcast_in_dim3A_257] : memref<80x128xf32, #tpu.memory_space<vmem>>[vector<16xi32>, vector<16xi32>], vector<16xf32>,
        %mul3A_260 = arith.mulf %gather3A_258, %gather3A_259 : vector<16xf32>
        %add3A_261 = arith.addf %add3A_255, %mul3A_260 : vector<16xf32>
        %broadcast_in_dim3A_262 = arith.constant 23 : i32
        %broadcast_in_dim3A_263 = vector.broadcast %broadcast_in_dim3A_262 : i32 to vector<16xi32>
        %gather3A_264 = tpu.vector_load_idx %arg13[%add3A_55, %broadcast_in_dim3A_263] : memref<80x128xf32, #tpu.memory_space<vmem>>[vector<16xi32>, vector<16xi32>], vector<16xf32>,
        %gather3A_265 = tpu.vector_load_idx %arg14[%add3A_55, %broadcast_in_dim3A_263] : memref<80x128xf32, #tpu.memory_space<vmem>>[vector<16xi32>, vector<16xi32>], vector<16xf32>,
        %mul3A_266 = arith.mulf %gather3A_264, %gather3A_265 : vector<16xf32>
        %add3A_267 = arith.addf %add3A_261, %mul3A_266 : vector<16xf32>
        %broadcast_in_dim3A_268 = arith.constant 24 : i32
        %broadcast_in_dim3A_269 = vector.broadcast %broadcast_in_dim3A_268 : i32 to vector<16xi32>
        %gather3A_270 = tpu.vector_load_idx %arg13[%add3A_55, %broadcast_in_dim3A_269] : memref<80x128xf32, #tpu.memory_space<vmem>>[vector<16xi32>, vector<16xi32>], vector<16xf32>,
        %gather3A_271 = tpu.vector_load_idx %arg14[%add3A_55, %broadcast_in_dim3A_269] : memref<80x128xf32, #tpu.memory_space<vmem>>[vector<16xi32>, vector<16xi32>], vector<16xf32>,
        %mul3A_272 = arith.mulf %gather3A_270, %gather3A_271 : vector<16xf32>
        %add3A_273 = arith.addf %add3A_267, %mul3A_272 : vector<16xf32>
        %broadcast_in_dim3A_274 = arith.constant 25 : i32
        %broadcast_in_dim3A_275 = vector.broadcast %broadcast_in_dim3A_274 : i32 to vector<16xi32>
        %gather3A_276 = tpu.vector_load_idx %arg13[%add3A_55, %broadcast_in_dim3A_275] : memref<80x128xf32, #tpu.memory_space<vmem>>[vector<16xi32>, vector<16xi32>], vector<16xf32>,
        %gather3A_277 = tpu.vector_load_idx %arg14[%add3A_55, %broadcast_in_dim3A_275] : memref<80x128xf32, #tpu.memory_space<vmem>>[vector<16xi32>, vector<16xi32>], vector<16xf32>,
        %mul3A_278 = arith.mulf %gather3A_276, %gather3A_277 : vector<16xf32>
        %add3A_279 = arith.addf %add3A_273, %mul3A_278 : vector<16xf32>
        %broadcast_in_dim3A_280 = arith.constant 26 : i32
        %broadcast_in_dim3A_281 = vector.broadcast %broadcast_in_dim3A_280 : i32 to vector<16xi32>
        %gather3A_282 = tpu.vector_load_idx %arg13[%add3A_55, %broadcast_in_dim3A_281] : memref<80x128xf32, #tpu.memory_space<vmem>>[vector<16xi32>, vector<16xi32>], vector<16xf32>,
        %gather3A_283 = tpu.vector_load_idx %arg14[%add3A_55, %broadcast_in_dim3A_281] : memref<80x128xf32, #tpu.memory_space<vmem>>[vector<16xi32>, vector<16xi32>], vector<16xf32>,
        %mul3A_284 = arith.mulf %gather3A_282, %gather3A_283 : vector<16xf32>
        %add3A_285 = arith.addf %add3A_279, %mul3A_284 : vector<16xf32>
        %broadcast_in_dim3A_286 = arith.constant 27 : i32
        %broadcast_in_dim3A_287 = vector.broadcast %broadcast_in_dim3A_286 : i32 to vector<16xi32>
        %gather3A_288 = tpu.vector_load_idx %arg13[%add3A_55, %broadcast_in_dim3A_287] : memref<80x128xf32, #tpu.memory_space<vmem>>[vector<16xi32>, vector<16xi32>], vector<16xf32>,
        %gather3A_289 = tpu.vector_load_idx %arg14[%add3A_55, %broadcast_in_dim3A_287] : memref<80x128xf32, #tpu.memory_space<vmem>>[vector<16xi32>, vector<16xi32>], vector<16xf32>,
        %mul3A_290 = arith.mulf %gather3A_288, %gather3A_289 : vector<16xf32>
        %add3A_291 = arith.addf %add3A_285, %mul3A_290 : vector<16xf32>
        %broadcast_in_dim3A_292 = arith.constant 28 : i32
        %broadcast_in_dim3A_293 = vector.broadcast %broadcast_in_dim3A_292 : i32 to vector<16xi32>
        %gather3A_294 = tpu.vector_load_idx %arg13[%add3A_55, %broadcast_in_dim3A_293] : memref<80x128xf32, #tpu.memory_space<vmem>>[vector<16xi32>, vector<16xi32>], vector<16xf32>,
        %gather3A_295 = tpu.vector_load_idx %arg14[%add3A_55, %broadcast_in_dim3A_293] : memref<80x128xf32, #tpu.memory_space<vmem>>[vector<16xi32>, vector<16xi32>], vector<16xf32>,
        %mul3A_296 = arith.mulf %gather3A_294, %gather3A_295 : vector<16xf32>
        %add3A_297 = arith.addf %add3A_291, %mul3A_296 : vector<16xf32>
        %broadcast_in_dim3A_298 = arith.constant 29 : i32
        %broadcast_in_dim3A_299 = vector.broadcast %broadcast_in_dim3A_298 : i32 to vector<16xi32>
        %gather3A_300 = tpu.vector_load_idx %arg13[%add3A_55, %broadcast_in_dim3A_299] : memref<80x128xf32, #tpu.memory_space<vmem>>[vector<16xi32>, vector<16xi32>], vector<16xf32>,
        %gather3A_301 = tpu.vector_load_idx %arg14[%add3A_55, %broadcast_in_dim3A_299] : memref<80x128xf32, #tpu.memory_space<vmem>>[vector<16xi32>, vector<16xi32>], vector<16xf32>,
        %mul3A_302 = arith.mulf %gather3A_300, %gather3A_301 : vector<16xf32>
        %add3A_303 = arith.addf %add3A_297, %mul3A_302 : vector<16xf32>
        %broadcast_in_dim3A_304 = arith.constant 30 : i32
        %broadcast_in_dim3A_305 = vector.broadcast %broadcast_in_dim3A_304 : i32 to vector<16xi32>
        %gather3A_306 = tpu.vector_load_idx %arg13[%add3A_55, %broadcast_in_dim3A_305] : memref<80x128xf32, #tpu.memory_space<vmem>>[vector<16xi32>, vector<16xi32>], vector<16xf32>,
        %gather3A_307 = tpu.vector_load_idx %arg14[%add3A_55, %broadcast_in_dim3A_305] : memref<80x128xf32, #tpu.memory_space<vmem>>[vector<16xi32>, vector<16xi32>], vector<16xf32>,
        %mul3A_308 = arith.mulf %gather3A_306, %gather3A_307 : vector<16xf32>
        %add3A_309 = arith.addf %add3A_303, %mul3A_308 : vector<16xf32>
        %broadcast_in_dim3A_310 = arith.constant 31 : i32
        %broadcast_in_dim3A_311 = vector.broadcast %broadcast_in_dim3A_310 : i32 to vector<16xi32>
        %gather3A_312 = tpu.vector_load_idx %arg13[%add3A_55, %broadcast_in_dim3A_311] : memref<80x128xf32, #tpu.memory_space<vmem>>[vector<16xi32>, vector<16xi32>], vector<16xf32>,
        %gather3A_313 = tpu.vector_load_idx %arg14[%add3A_55, %broadcast_in_dim3A_311] : memref<80x128xf32, #tpu.memory_space<vmem>>[vector<16xi32>, vector<16xi32>], vector<16xf32>,
        %mul3A_314 = arith.mulf %gather3A_312, %gather3A_313 : vector<16xf32>
        %add3A_315 = arith.addf %add3A_309, %mul3A_314 : vector<16xf32>
        %exp3A_316 = math.exp %add3A_315 : vector<16xf32>
        %broadcast_in_dim3A_317 = arith.constant 1 : i32
        %broadcast_in_dim3A_318 = vector.broadcast %broadcast_in_dim3A_317 : i32 to vector<16xi32>
        tpu.vector_store_idx %arg16[%add3A_55, %broadcast_in_dim3A_318], %exp3A_316 : memref<80x8xf32, #tpu.memory_space<vmem>>[vector<16xi32>, vector<16xi32>], vector<16xf32>,
        %broadcast_in_dim3A_319 = arith.constant 16 : i32
        %broadcast_in_dim3A_320 = vector.broadcast %broadcast_in_dim3A_319 : i32 to vector<16xi32>
        %gather3A_321 = tpu.vector_load_idx %arg15[%add3A_55, %broadcast_in_dim3A_320] : memref<80x128xf32, #tpu.memory_space<vmem>>[vector<16xi32>, vector<16xi32>], vector<16xf32>,
        %mul3A_322 = arith.mulf %gather3A_321, %exp3A_316 : vector<16xf32>
        tpu.vector_store_idx %arg15[%add3A_55, %broadcast_in_dim3A_320], %mul3A_322 : memref<80x128xf32, #tpu.memory_space<vmem>>[vector<16xi32>, vector<16xi32>], vector<16xf32>,
        %broadcast_in_dim3A_323 = arith.constant 17 : i32
        %broadcast_in_dim3A_324 = vector.broadcast %broadcast_in_dim3A_323 : i32 to vector<16xi32>
        %gather3A_325 = tpu.vector_load_idx %arg15[%add3A_55, %broadcast_in_dim3A_324] : memref<80x128xf32, #tpu.memory_space<vmem>>[vector<16xi32>, vector<16xi32>], vector<16xf32>,
        %mul3A_326 = arith.mulf %gather3A_325, %exp3A_316 : vector<16xf32>
        tpu.vector_store_idx %arg15[%add3A_55, %broadcast_in_dim3A_324], %mul3A_326 : memref<80x128xf32, #tpu.memory_space<vmem>>[vector<16xi32>, vector<16xi32>], vector<16xf32>,
        %broadcast_in_dim3A_327 = arith.constant 18 : i32
        %broadcast_in_dim3A_328 = vector.broadcast %broadcast_in_dim3A_327 : i32 to vector<16xi32>
        %gather3A_329 = tpu.vector_load_idx %arg15[%add3A_55, %broadcast_in_dim3A_328] : memref<80x128xf32, #tpu.memory_space<vmem>>[vector<16xi32>, vector<16xi32>], vector<16xf32>,
        %mul3A_330 = arith.mulf %gather3A_329, %exp3A_316 : vector<16xf32>
        tpu.vector_store_idx %arg15[%add3A_55, %broadcast_in_dim3A_328], %mul3A_330 : memref<80x128xf32, #tpu.memory_space<vmem>>[vector<16xi32>, vector<16xi32>], vector<16xf32>,
        %broadcast_in_dim3A_331 = arith.constant 19 : i32
        %broadcast_in_dim3A_332 = vector.broadcast %broadcast_in_dim3A_331 : i32 to vector<16xi32>
        %gather3A_333 = tpu.vector_load_idx %arg15[%add3A_55, %broadcast_in_dim3A_332] : memref<80x128xf32, #tpu.memory_space<vmem>>[vector<16xi32>, vector<16xi32>], vector<16xf32>,
        %mul3A_334 = arith.mulf %gather3A_333, %exp3A_316 : vector<16xf32>
        tpu.vector_store_idx %arg15[%add3A_55, %broadcast_in_dim3A_332], %mul3A_334 : memref<80x128xf32, #tpu.memory_space<vmem>>[vector<16xi32>, vector<16xi32>], vector<16xf32>,
        %broadcast_in_dim3A_335 = arith.constant 20 : i32
        %broadcast_in_dim3A_336 = vector.broadcast %broadcast_in_dim3A_335 : i32 to vector<16xi32>
        %gather3A_337 = tpu.vector_load_idx %arg15[%add3A_55, %broadcast_in_dim3A_336] : memref<80x128xf32, #tpu.memory_space<vmem>>[vector<16xi32>, vector<16xi32>], vector<16xf32>,
        %mul3A_338 = arith.mulf %gather3A_337, %exp3A_316 : vector<16xf32>
        tpu.vector_store_idx %arg15[%add3A_55, %broadcast_in_dim3A_336], %mul3A_338 : memref<80x128xf32, #tpu.memory_space<vmem>>[vector<16xi32>, vector<16xi32>], vector<16xf32>,
        %broadcast_in_dim3A_339 = arith.constant 21 : i32
        %broadcast_in_dim3A_340 = vector.broadcast %broadcast_in_dim3A_339 : i32 to vector<16xi32>
        %gather3A_341 = tpu.vector_load_idx %arg15[%add3A_55, %broadcast_in_dim3A_340] : memref<80x128xf32, #tpu.memory_space<vmem>>[vector<16xi32>, vector<16xi32>], vector<16xf32>,
        %mul3A_342 = arith.mulf %gather3A_341, %exp3A_316 : vector<16xf32>
        tpu.vector_store_idx %arg15[%add3A_55, %broadcast_in_dim3A_340], %mul3A_342 : memref<80x128xf32, #tpu.memory_space<vmem>>[vector<16xi32>, vector<16xi32>], vector<16xf32>,
        %broadcast_in_dim3A_343 = arith.constant 22 : i32
        %broadcast_in_dim3A_344 = vector.broadcast %broadcast_in_dim3A_343 : i32 to vector<16xi32>
        %gather3A_345 = tpu.vector_load_idx %arg15[%add3A_55, %broadcast_in_dim3A_344] : memref<80x128xf32, #tpu.memory_space<vmem>>[vector<16xi32>, vector<16xi32>], vector<16xf32>,
        %mul3A_346 = arith.mulf %gather3A_345, %exp3A_316 : vector<16xf32>
        tpu.vector_store_idx %arg15[%add3A_55, %broadcast_in_dim3A_344], %mul3A_346 : memref<80x128xf32, #tpu.memory_space<vmem>>[vector<16xi32>, vector<16xi32>], vector<16xf32>,
        %broadcast_in_dim3A_347 = arith.constant 23 : i32
        %broadcast_in_dim3A_348 = vector.broadcast %broadcast_in_dim3A_347 : i32 to vector<16xi32>
        %gather3A_349 = tpu.vector_load_idx %arg15[%add3A_55, %broadcast_in_dim3A_348] : memref<80x128xf32, #tpu.memory_space<vmem>>[vector<16xi32>, vector<16xi32>], vector<16xf32>,
        %mul3A_350 = arith.mulf %gather3A_349, %exp3A_316 : vector<16xf32>
        tpu.vector_store_idx %arg15[%add3A_55, %broadcast_in_dim3A_348], %mul3A_350 : memref<80x128xf32, #tpu.memory_space<vmem>>[vector<16xi32>, vector<16xi32>], vector<16xf32>,
        %broadcast_in_dim3A_351 = arith.constant 24 : i32
        %broadcast_in_dim3A_352 = vector.broadcast %broadcast_in_dim3A_351 : i32 to vector<16xi32>
        %gather3A_353 = tpu.vector_load_idx %arg15[%add3A_55, %broadcast_in_dim3A_352] : memref<80x128xf32, #tpu.memory_space<vmem>>[vector<16xi32>, vector<16xi32>], vector<16xf32>,
        %mul3A_354 = arith.mulf %gather3A_353, %exp3A_316 : vector<16xf32>
        tpu.vector_store_idx %arg15[%add3A_55, %broadcast_in_dim3A_352], %mul3A_354 : memref<80x128xf32, #tpu.memory_space<vmem>>[vector<16xi32>, vector<16xi32>], vector<16xf32>,
        %broadcast_in_dim3A_355 = arith.constant 25 : i32
        %broadcast_in_dim3A_356 = vector.broadcast %broadcast_in_dim3A_355 : i32 to vector<16xi32>
        %gather3A_357 = tpu.vector_load_idx %arg15[%add3A_55, %broadcast_in_dim3A_356] : memref<80x128xf32, #tpu.memory_space<vmem>>[vector<16xi32>, vector<16xi32>], vector<16xf32>,
        %mul3A_358 = arith.mulf %gather3A_357, %exp3A_316 : vector<16xf32>
        tpu.vector_store_idx %arg15[%add3A_55, %broadcast_in_dim3A_356], %mul3A_358 : memref<80x128xf32, #tpu.memory_space<vmem>>[vector<16xi32>, vector<16xi32>], vector<16xf32>,
        %broadcast_in_dim3A_359 = arith.constant 26 : i32
        %broadcast_in_dim3A_360 = vector.broadcast %broadcast_in_dim3A_359 : i32 to vector<16xi32>
        %gather3A_361 = tpu.vector_load_idx %arg15[%add3A_55, %broadcast_in_dim3A_360] : memref<80x128xf32, #tpu.memory_space<vmem>>[vector<16xi32>, vector<16xi32>], vector<16xf32>,
        %mul3A_362 = arith.mulf %gather3A_361, %exp3A_316 : vector<16xf32>
        tpu.vector_store_idx %arg15[%add3A_55, %broadcast_in_dim3A_360], %mul3A_362 : memref<80x128xf32, #tpu.memory_space<vmem>>[vector<16xi32>, vector<16xi32>], vector<16xf32>,
        %broadcast_in_dim3A_363 = arith.constant 27 : i32
        %broadcast_in_dim3A_364 = vector.broadcast %broadcast_in_dim3A_363 : i32 to vector<16xi32>
        %gather3A_365 = tpu.vector_load_idx %arg15[%add3A_55, %broadcast_in_dim3A_364] : memref<80x128xf32, #tpu.memory_space<vmem>>[vector<16xi32>, vector<16xi32>], vector<16xf32>,
        %mul3A_366 = arith.mulf %gather3A_365, %exp3A_316 : vector<16xf32>
        tpu.vector_store_idx %arg15[%add3A_55, %broadcast_in_dim3A_364], %mul3A_366 : memref<80x128xf32, #tpu.memory_space<vmem>>[vector<16xi32>, vector<16xi32>], vector<16xf32>,
        %broadcast_in_dim3A_367 = arith.constant 28 : i32
        %broadcast_in_dim3A_368 = vector.broadcast %broadcast_in_dim3A_367 : i32 to vector<16xi32>
        %gather3A_369 = tpu.vector_load_idx %arg15[%add3A_55, %broadcast_in_dim3A_368] : memref<80x128xf32, #tpu.memory_space<vmem>>[vector<16xi32>, vector<16xi32>], vector<16xf32>,
        %mul3A_370 = arith.mulf %gather3A_369, %exp3A_316 : vector<16xf32>
        tpu.vector_store_idx %arg15[%add3A_55, %broadcast_in_dim3A_368], %mul3A_370 : memref<80x128xf32, #tpu.memory_space<vmem>>[vector<16xi32>, vector<16xi32>], vector<16xf32>,
        %broadcast_in_dim3A_371 = arith.constant 29 : i32
        %broadcast_in_dim3A_372 = vector.broadcast %broadcast_in_dim3A_371 : i32 to vector<16xi32>
        %gather3A_373 = tpu.vector_load_idx %arg15[%add3A_55, %broadcast_in_dim3A_372] : memref<80x128xf32, #tpu.memory_space<vmem>>[vector<16xi32>, vector<16xi32>], vector<16xf32>,
        %mul3A_374 = arith.mulf %gather3A_373, %exp3A_316 : vector<16xf32>
        tpu.vector_store_idx %arg15[%add3A_55, %broadcast_in_dim3A_372], %mul3A_374 : memref<80x128xf32, #tpu.memory_space<vmem>>[vector<16xi32>, vector<16xi32>], vector<16xf32>,
        %broadcast_in_dim3A_375 = arith.constant 30 : i32
        %broadcast_in_dim3A_376 = vector.broadcast %broadcast_in_dim3A_375 : i32 to vector<16xi32>
        %gather3A_377 = tpu.vector_load_idx %arg15[%add3A_55, %broadcast_in_dim3A_376] : memref<80x128xf32, #tpu.memory_space<vmem>>[vector<16xi32>, vector<16xi32>], vector<16xf32>,
        %mul3A_378 = arith.mulf %gather3A_377, %exp3A_316 : vector<16xf32>
        tpu.vector_store_idx %arg15[%add3A_55, %broadcast_in_dim3A_376], %mul3A_378 : memref<80x128xf32, #tpu.memory_space<vmem>>[vector<16xi32>, vector<16xi32>], vector<16xf32>,
        %broadcast_in_dim3A_379 = arith.constant 31 : i32
        %broadcast_in_dim3A_380 = vector.broadcast %broadcast_in_dim3A_379 : i32 to vector<16xi32>
        %gather3A_381 = tpu.vector_load_idx %arg15[%add3A_55, %broadcast_in_dim3A_380] : memref<80x128xf32, #tpu.memory_space<vmem>>[vector<16xi32>, vector<16xi32>], vector<16xf32>,
        %mul3A_382 = arith.mulf %gather3A_381, %exp3A_316 : vector<16xf32>
        tpu.vector_store_idx %arg15[%add3A_55, %broadcast_in_dim3A_380], %mul3A_382 : memref<80x128xf32, #tpu.memory_space<vmem>>[vector<16xi32>, vector<16xi32>], vector<16xf32>,
        %broadcast_in_dim3A_383 = arith.constant 0.000000e+00 : f32
        %broadcast_in_dim3A_384 = vector.broadcast %broadcast_in_dim3A_383 : f32 to vector<16xf32>
        %broadcast_in_dim3A_385 = arith.constant 32 : i32
        %broadcast_in_dim3A_386 = vector.broadcast %broadcast_in_dim3A_385 : i32 to vector<16xi32>
        %gather3A_387 = tpu.vector_load_idx %arg13[%add3A_55, %broadcast_in_dim3A_386] : memref<80x128xf32, #tpu.memory_space<vmem>>[vector<16xi32>, vector<16xi32>], vector<16xf32>,
        %gather3A_388 = tpu.vector_load_idx %arg14[%add3A_55, %broadcast_in_dim3A_386] : memref<80x128xf32, #tpu.memory_space<vmem>>[vector<16xi32>, vector<16xi32>], vector<16xf32>,
        %mul3A_389 = arith.mulf %gather3A_387, %gather3A_388 : vector<16xf32>
        %add3A_390 = arith.addf %broadcast_in_dim3A_384, %mul3A_389 : vector<16xf32>
        %broadcast_in_dim3A_391 = arith.constant 33 : i32
        %broadcast_in_dim3A_392 = vector.broadcast %broadcast_in_dim3A_391 : i32 to vector<16xi32>
        %gather3A_393 = tpu.vector_load_idx %arg13[%add3A_55, %broadcast_in_dim3A_392] : memref<80x128xf32, #tpu.memory_space<vmem>>[vector<16xi32>, vector<16xi32>], vector<16xf32>,
        %gather3A_394 = tpu.vector_load_idx %arg14[%add3A_55, %broadcast_in_dim3A_392] : memref<80x128xf32, #tpu.memory_space<vmem>>[vector<16xi32>, vector<16xi32>], vector<16xf32>,
        %mul3A_395 = arith.mulf %gather3A_393, %gather3A_394 : vector<16xf32>
        %add3A_396 = arith.addf %add3A_390, %mul3A_395 : vector<16xf32>
        %broadcast_in_dim3A_397 = arith.constant 34 : i32
        %broadcast_in_dim3A_398 = vector.broadcast %broadcast_in_dim3A_397 : i32 to vector<16xi32>
        %gather3A_399 = tpu.vector_load_idx %arg13[%add3A_55, %broadcast_in_dim3A_398] : memref<80x128xf32, #tpu.memory_space<vmem>>[vector<16xi32>, vector<16xi32>], vector<16xf32>,
        %gather3A_400 = tpu.vector_load_idx %arg14[%add3A_55, %broadcast_in_dim3A_398] : memref<80x128xf32, #tpu.memory_space<vmem>>[vector<16xi32>, vector<16xi32>], vector<16xf32>,
        %mul3A_401 = arith.mulf %gather3A_399, %gather3A_400 : vector<16xf32>
        %add3A_402 = arith.addf %add3A_396, %mul3A_401 : vector<16xf32>
        %broadcast_in_dim3A_403 = arith.constant 35 : i32
        %broadcast_in_dim3A_404 = vector.broadcast %broadcast_in_dim3A_403 : i32 to vector<16xi32>
        %gather3A_405 = tpu.vector_load_idx %arg13[%add3A_55, %broadcast_in_dim3A_404] : memref<80x128xf32, #tpu.memory_space<vmem>>[vector<16xi32>, vector<16xi32>], vector<16xf32>,
        %gather3A_406 = tpu.vector_load_idx %arg14[%add3A_55, %broadcast_in_dim3A_404] : memref<80x128xf32, #tpu.memory_space<vmem>>[vector<16xi32>, vector<16xi32>], vector<16xf32>,
        %mul3A_407 = arith.mulf %gather3A_405, %gather3A_406 : vector<16xf32>
        %add3A_408 = arith.addf %add3A_402, %mul3A_407 : vector<16xf32>
        %broadcast_in_dim3A_409 = arith.constant 36 : i32
        %broadcast_in_dim3A_410 = vector.broadcast %broadcast_in_dim3A_409 : i32 to vector<16xi32>
        %gather3A_411 = tpu.vector_load_idx %arg13[%add3A_55, %broadcast_in_dim3A_410] : memref<80x128xf32, #tpu.memory_space<vmem>>[vector<16xi32>, vector<16xi32>], vector<16xf32>,
        %gather3A_412 = tpu.vector_load_idx %arg14[%add3A_55, %broadcast_in_dim3A_410] : memref<80x128xf32, #tpu.memory_space<vmem>>[vector<16xi32>, vector<16xi32>], vector<16xf32>,
        %mul3A_413 = arith.mulf %gather3A_411, %gather3A_412 : vector<16xf32>
        %add3A_414 = arith.addf %add3A_408, %mul3A_413 : vector<16xf32>
        %broadcast_in_dim3A_415 = arith.constant 37 : i32
        %broadcast_in_dim3A_416 = vector.broadcast %broadcast_in_dim3A_415 : i32 to vector<16xi32>
        %gather3A_417 = tpu.vector_load_idx %arg13[%add3A_55, %broadcast_in_dim3A_416] : memref<80x128xf32, #tpu.memory_space<vmem>>[vector<16xi32>, vector<16xi32>], vector<16xf32>,
        %gather3A_418 = tpu.vector_load_idx %arg14[%add3A_55, %broadcast_in_dim3A_416] : memref<80x128xf32, #tpu.memory_space<vmem>>[vector<16xi32>, vector<16xi32>], vector<16xf32>,
        %mul3A_419 = arith.mulf %gather3A_417, %gather3A_418 : vector<16xf32>
        %add3A_420 = arith.addf %add3A_414, %mul3A_419 : vector<16xf32>
        %broadcast_in_dim3A_421 = arith.constant 38 : i32
        %broadcast_in_dim3A_422 = vector.broadcast %broadcast_in_dim3A_421 : i32 to vector<16xi32>
        %gather3A_423 = tpu.vector_load_idx %arg13[%add3A_55, %broadcast_in_dim3A_422] : memref<80x128xf32, #tpu.memory_space<vmem>>[vector<16xi32>, vector<16xi32>], vector<16xf32>,
        %gather3A_424 = tpu.vector_load_idx %arg14[%add3A_55, %broadcast_in_dim3A_422] : memref<80x128xf32, #tpu.memory_space<vmem>>[vector<16xi32>, vector<16xi32>], vector<16xf32>,
        %mul3A_425 = arith.mulf %gather3A_423, %gather3A_424 : vector<16xf32>
        %add3A_426 = arith.addf %add3A_420, %mul3A_425 : vector<16xf32>
        %broadcast_in_dim3A_427 = arith.constant 39 : i32
        %broadcast_in_dim3A_428 = vector.broadcast %broadcast_in_dim3A_427 : i32 to vector<16xi32>
        %gather3A_429 = tpu.vector_load_idx %arg13[%add3A_55, %broadcast_in_dim3A_428] : memref<80x128xf32, #tpu.memory_space<vmem>>[vector<16xi32>, vector<16xi32>], vector<16xf32>,
        %gather3A_430 = tpu.vector_load_idx %arg14[%add3A_55, %broadcast_in_dim3A_428] : memref<80x128xf32, #tpu.memory_space<vmem>>[vector<16xi32>, vector<16xi32>], vector<16xf32>,
        %mul3A_431 = arith.mulf %gather3A_429, %gather3A_430 : vector<16xf32>
        %add3A_432 = arith.addf %add3A_426, %mul3A_431 : vector<16xf32>
        %broadcast_in_dim3A_433 = arith.constant 40 : i32
        %broadcast_in_dim3A_434 = vector.broadcast %broadcast_in_dim3A_433 : i32 to vector<16xi32>
        %gather3A_435 = tpu.vector_load_idx %arg13[%add3A_55, %broadcast_in_dim3A_434] : memref<80x128xf32, #tpu.memory_space<vmem>>[vector<16xi32>, vector<16xi32>], vector<16xf32>,
        %gather3A_436 = tpu.vector_load_idx %arg14[%add3A_55, %broadcast_in_dim3A_434] : memref<80x128xf32, #tpu.memory_space<vmem>>[vector<16xi32>, vector<16xi32>], vector<16xf32>,
        %mul3A_437 = arith.mulf %gather3A_435, %gather3A_436 : vector<16xf32>
        %add3A_438 = arith.addf %add3A_432, %mul3A_437 : vector<16xf32>
        %broadcast_in_dim3A_439 = arith.constant 41 : i32
        %broadcast_in_dim3A_440 = vector.broadcast %broadcast_in_dim3A_439 : i32 to vector<16xi32>
        %gather3A_441 = tpu.vector_load_idx %arg13[%add3A_55, %broadcast_in_dim3A_440] : memref<80x128xf32, #tpu.memory_space<vmem>>[vector<16xi32>, vector<16xi32>], vector<16xf32>,
        %gather3A_442 = tpu.vector_load_idx %arg14[%add3A_55, %broadcast_in_dim3A_440] : memref<80x128xf32, #tpu.memory_space<vmem>>[vector<16xi32>, vector<16xi32>], vector<16xf32>,
        %mul3A_443 = arith.mulf %gather3A_441, %gather3A_442 : vector<16xf32>
        %add3A_444 = arith.addf %add3A_438, %mul3A_443 : vector<16xf32>
        %broadcast_in_dim3A_445 = arith.constant 42 : i32
        %broadcast_in_dim3A_446 = vector.broadcast %broadcast_in_dim3A_445 : i32 to vector<16xi32>
        %gather3A_447 = tpu.vector_load_idx %arg13[%add3A_55, %broadcast_in_dim3A_446] : memref<80x128xf32, #tpu.memory_space<vmem>>[vector<16xi32>, vector<16xi32>], vector<16xf32>,
        %gather3A_448 = tpu.vector_load_idx %arg14[%add3A_55, %broadcast_in_dim3A_446] : memref<80x128xf32, #tpu.memory_space<vmem>>[vector<16xi32>, vector<16xi32>], vector<16xf32>,
        %mul3A_449 = arith.mulf %gather3A_447, %gather3A_448 : vector<16xf32>
        %add3A_450 = arith.addf %add3A_444, %mul3A_449 : vector<16xf32>
        %broadcast_in_dim3A_451 = arith.constant 43 : i32
        %broadcast_in_dim3A_452 = vector.broadcast %broadcast_in_dim3A_451 : i32 to vector<16xi32>
        %gather3A_453 = tpu.vector_load_idx %arg13[%add3A_55, %broadcast_in_dim3A_452] : memref<80x128xf32, #tpu.memory_space<vmem>>[vector<16xi32>, vector<16xi32>], vector<16xf32>,
        %gather3A_454 = tpu.vector_load_idx %arg14[%add3A_55, %broadcast_in_dim3A_452] : memref<80x128xf32, #tpu.memory_space<vmem>>[vector<16xi32>, vector<16xi32>], vector<16xf32>,
        %mul3A_455 = arith.mulf %gather3A_453, %gather3A_454 : vector<16xf32>
        %add3A_456 = arith.addf %add3A_450, %mul3A_455 : vector<16xf32>
        %broadcast_in_dim3A_457 = arith.constant 44 : i32
        %broadcast_in_dim3A_458 = vector.broadcast %broadcast_in_dim3A_457 : i32 to vector<16xi32>
        %gather3A_459 = tpu.vector_load_idx %arg13[%add3A_55, %broadcast_in_dim3A_458] : memref<80x128xf32, #tpu.memory_space<vmem>>[vector<16xi32>, vector<16xi32>], vector<16xf32>,
        %gather3A_460 = tpu.vector_load_idx %arg14[%add3A_55, %broadcast_in_dim3A_458] : memref<80x128xf32, #tpu.memory_space<vmem>>[vector<16xi32>, vector<16xi32>], vector<16xf32>,
        %mul3A_461 = arith.mulf %gather3A_459, %gather3A_460 : vector<16xf32>
        %add3A_462 = arith.addf %add3A_456, %mul3A_461 : vector<16xf32>
        %broadcast_in_dim3A_463 = arith.constant 45 : i32
        %broadcast_in_dim3A_464 = vector.broadcast %broadcast_in_dim3A_463 : i32 to vector<16xi32>
        %gather3A_465 = tpu.vector_load_idx %arg13[%add3A_55, %broadcast_in_dim3A_464] : memref<80x128xf32, #tpu.memory_space<vmem>>[vector<16xi32>, vector<16xi32>], vector<16xf32>,
        %gather3A_466 = tpu.vector_load_idx %arg14[%add3A_55, %broadcast_in_dim3A_464] : memref<80x128xf32, #tpu.memory_space<vmem>>[vector<16xi32>, vector<16xi32>], vector<16xf32>,
        %mul3A_467 = arith.mulf %gather3A_465, %gather3A_466 : vector<16xf32>
        %add3A_468 = arith.addf %add3A_462, %mul3A_467 : vector<16xf32>
        %broadcast_in_dim3A_469 = arith.constant 46 : i32
        %broadcast_in_dim3A_470 = vector.broadcast %broadcast_in_dim3A_469 : i32 to vector<16xi32>
        %gather3A_471 = tpu.vector_load_idx %arg13[%add3A_55, %broadcast_in_dim3A_470] : memref<80x128xf32, #tpu.memory_space<vmem>>[vector<16xi32>, vector<16xi32>], vector<16xf32>,
        %gather3A_472 = tpu.vector_load_idx %arg14[%add3A_55, %broadcast_in_dim3A_470] : memref<80x128xf32, #tpu.memory_space<vmem>>[vector<16xi32>, vector<16xi32>], vector<16xf32>,
        %mul3A_473 = arith.mulf %gather3A_471, %gather3A_472 : vector<16xf32>
        %add3A_474 = arith.addf %add3A_468, %mul3A_473 : vector<16xf32>
        %broadcast_in_dim3A_475 = arith.constant 47 : i32
        %broadcast_in_dim3A_476 = vector.broadcast %broadcast_in_dim3A_475 : i32 to vector<16xi32>
        %gather3A_477 = tpu.vector_load_idx %arg13[%add3A_55, %broadcast_in_dim3A_476] : memref<80x128xf32, #tpu.memory_space<vmem>>[vector<16xi32>, vector<16xi32>], vector<16xf32>,
        %gather3A_478 = tpu.vector_load_idx %arg14[%add3A_55, %broadcast_in_dim3A_476] : memref<80x128xf32, #tpu.memory_space<vmem>>[vector<16xi32>, vector<16xi32>], vector<16xf32>,
        %mul3A_479 = arith.mulf %gather3A_477, %gather3A_478 : vector<16xf32>
        %add3A_480 = arith.addf %add3A_474, %mul3A_479 : vector<16xf32>
        %exp3A_481 = math.exp %add3A_480 : vector<16xf32>
        %broadcast_in_dim3A_482 = arith.constant 2 : i32
        %broadcast_in_dim3A_483 = vector.broadcast %broadcast_in_dim3A_482 : i32 to vector<16xi32>
        tpu.vector_store_idx %arg16[%add3A_55, %broadcast_in_dim3A_483], %exp3A_481 : memref<80x8xf32, #tpu.memory_space<vmem>>[vector<16xi32>, vector<16xi32>], vector<16xf32>,
        %broadcast_in_dim3A_484 = arith.constant 32 : i32
        %broadcast_in_dim3A_485 = vector.broadcast %broadcast_in_dim3A_484 : i32 to vector<16xi32>
        %gather3A_486 = tpu.vector_load_idx %arg15[%add3A_55, %broadcast_in_dim3A_485] : memref<80x128xf32, #tpu.memory_space<vmem>>[vector<16xi32>, vector<16xi32>], vector<16xf32>,
        %mul3A_487 = arith.mulf %gather3A_486, %exp3A_481 : vector<16xf32>
        tpu.vector_store_idx %arg15[%add3A_55, %broadcast_in_dim3A_485], %mul3A_487 : memref<80x128xf32, #tpu.memory_space<vmem>>[vector<16xi32>, vector<16xi32>], vector<16xf32>,
        %broadcast_in_dim3A_488 = arith.constant 33 : i32
        %broadcast_in_dim3A_489 = vector.broadcast %broadcast_in_dim3A_488 : i32 to vector<16xi32>
        %gather3A_490 = tpu.vector_load_idx %arg15[%add3A_55, %broadcast_in_dim3A_489] : memref<80x128xf32, #tpu.memory_space<vmem>>[vector<16xi32>, vector<16xi32>], vector<16xf32>,
        %mul3A_491 = arith.mulf %gather3A_490, %exp3A_481 : vector<16xf32>
        tpu.vector_store_idx %arg15[%add3A_55, %broadcast_in_dim3A_489], %mul3A_491 : memref<80x128xf32, #tpu.memory_space<vmem>>[vector<16xi32>, vector<16xi32>], vector<16xf32>,
        %broadcast_in_dim3A_492 = arith.constant 34 : i32
        %broadcast_in_dim3A_493 = vector.broadcast %broadcast_in_dim3A_492 : i32 to vector<16xi32>
        %gather3A_494 = tpu.vector_load_idx %arg15[%add3A_55, %broadcast_in_dim3A_493] : memref<80x128xf32, #tpu.memory_space<vmem>>[vector<16xi32>, vector<16xi32>], vector<16xf32>,
        %mul3A_495 = arith.mulf %gather3A_494, %exp3A_481 : vector<16xf32>
        tpu.vector_store_idx %arg15[%add3A_55, %broadcast_in_dim3A_493], %mul3A_495 : memref<80x128xf32, #tpu.memory_space<vmem>>[vector<16xi32>, vector<16xi32>], vector<16xf32>,
        %broadcast_in_dim3A_496 = arith.constant 35 : i32
        %broadcast_in_dim3A_497 = vector.broadcast %broadcast_in_dim3A_496 : i32 to vector<16xi32>
        %gather3A_498 = tpu.vector_load_idx %arg15[%add3A_55, %broadcast_in_dim3A_497] : memref<80x128xf32, #tpu.memory_space<vmem>>[vector<16xi32>, vector<16xi32>], vector<16xf32>,
        %mul3A_499 = arith.mulf %gather3A_498, %exp3A_481 : vector<16xf32>
        tpu.vector_store_idx %arg15[%add3A_55, %broadcast_in_dim3A_497], %mul3A_499 : memref<80x128xf32, #tpu.memory_space<vmem>>[vector<16xi32>, vector<16xi32>], vector<16xf32>,
        %broadcast_in_dim3A_500 = arith.constant 36 : i32
        %broadcast_in_dim3A_501 = vector.broadcast %broadcast_in_dim3A_500 : i32 to vector<16xi32>
        %gather3A_502 = tpu.vector_load_idx %arg15[%add3A_55, %broadcast_in_dim3A_501] : memref<80x128xf32, #tpu.memory_space<vmem>>[vector<16xi32>, vector<16xi32>], vector<16xf32>,
        %mul3A_503 = arith.mulf %gather3A_502, %exp3A_481 : vector<16xf32>
        tpu.vector_store_idx %arg15[%add3A_55, %broadcast_in_dim3A_501], %mul3A_503 : memref<80x128xf32, #tpu.memory_space<vmem>>[vector<16xi32>, vector<16xi32>], vector<16xf32>,
        %broadcast_in_dim3A_504 = arith.constant 37 : i32
        %broadcast_in_dim3A_505 = vector.broadcast %broadcast_in_dim3A_504 : i32 to vector<16xi32>
        %gather3A_506 = tpu.vector_load_idx %arg15[%add3A_55, %broadcast_in_dim3A_505] : memref<80x128xf32, #tpu.memory_space<vmem>>[vector<16xi32>, vector<16xi32>], vector<16xf32>,
        %mul3A_507 = arith.mulf %gather3A_506, %exp3A_481 : vector<16xf32>
        tpu.vector_store_idx %arg15[%add3A_55, %broadcast_in_dim3A_505], %mul3A_507 : memref<80x128xf32, #tpu.memory_space<vmem>>[vector<16xi32>, vector<16xi32>], vector<16xf32>,
        %broadcast_in_dim3A_508 = arith.constant 38 : i32
        %broadcast_in_dim3A_509 = vector.broadcast %broadcast_in_dim3A_508 : i32 to vector<16xi32>
        %gather3A_510 = tpu.vector_load_idx %arg15[%add3A_55, %broadcast_in_dim3A_509] : memref<80x128xf32, #tpu.memory_space<vmem>>[vector<16xi32>, vector<16xi32>], vector<16xf32>,
        %mul3A_511 = arith.mulf %gather3A_510, %exp3A_481 : vector<16xf32>
        tpu.vector_store_idx %arg15[%add3A_55, %broadcast_in_dim3A_509], %mul3A_511 : memref<80x128xf32, #tpu.memory_space<vmem>>[vector<16xi32>, vector<16xi32>], vector<16xf32>,
        %broadcast_in_dim3A_512 = arith.constant 39 : i32
        %broadcast_in_dim3A_513 = vector.broadcast %broadcast_in_dim3A_512 : i32 to vector<16xi32>
        %gather3A_514 = tpu.vector_load_idx %arg15[%add3A_55, %broadcast_in_dim3A_513] : memref<80x128xf32, #tpu.memory_space<vmem>>[vector<16xi32>, vector<16xi32>], vector<16xf32>,
        %mul3A_515 = arith.mulf %gather3A_514, %exp3A_481 : vector<16xf32>
        tpu.vector_store_idx %arg15[%add3A_55, %broadcast_in_dim3A_513], %mul3A_515 : memref<80x128xf32, #tpu.memory_space<vmem>>[vector<16xi32>, vector<16xi32>], vector<16xf32>,
        %broadcast_in_dim3A_516 = arith.constant 40 : i32
        %broadcast_in_dim3A_517 = vector.broadcast %broadcast_in_dim3A_516 : i32 to vector<16xi32>
        %gather3A_518 = tpu.vector_load_idx %arg15[%add3A_55, %broadcast_in_dim3A_517] : memref<80x128xf32, #tpu.memory_space<vmem>>[vector<16xi32>, vector<16xi32>], vector<16xf32>,
        %mul3A_519 = arith.mulf %gather3A_518, %exp3A_481 : vector<16xf32>
        tpu.vector_store_idx %arg15[%add3A_55, %broadcast_in_dim3A_517], %mul3A_519 : memref<80x128xf32, #tpu.memory_space<vmem>>[vector<16xi32>, vector<16xi32>], vector<16xf32>,
        %broadcast_in_dim3A_520 = arith.constant 41 : i32
        %broadcast_in_dim3A_521 = vector.broadcast %broadcast_in_dim3A_520 : i32 to vector<16xi32>
        %gather3A_522 = tpu.vector_load_idx %arg15[%add3A_55, %broadcast_in_dim3A_521] : memref<80x128xf32, #tpu.memory_space<vmem>>[vector<16xi32>, vector<16xi32>], vector<16xf32>,
        %mul3A_523 = arith.mulf %gather3A_522, %exp3A_481 : vector<16xf32>
        tpu.vector_store_idx %arg15[%add3A_55, %broadcast_in_dim3A_521], %mul3A_523 : memref<80x128xf32, #tpu.memory_space<vmem>>[vector<16xi32>, vector<16xi32>], vector<16xf32>,
        %broadcast_in_dim3A_524 = arith.constant 42 : i32
        %broadcast_in_dim3A_525 = vector.broadcast %broadcast_in_dim3A_524 : i32 to vector<16xi32>
        %gather3A_526 = tpu.vector_load_idx %arg15[%add3A_55, %broadcast_in_dim3A_525] : memref<80x128xf32, #tpu.memory_space<vmem>>[vector<16xi32>, vector<16xi32>], vector<16xf32>,
        %mul3A_527 = arith.mulf %gather3A_526, %exp3A_481 : vector<16xf32>
        tpu.vector_store_idx %arg15[%add3A_55, %broadcast_in_dim3A_525], %mul3A_527 : memref<80x128xf32, #tpu.memory_space<vmem>>[vector<16xi32>, vector<16xi32>], vector<16xf32>,
        %broadcast_in_dim3A_528 = arith.constant 43 : i32
        %broadcast_in_dim3A_529 = vector.broadcast %broadcast_in_dim3A_528 : i32 to vector<16xi32>
        %gather3A_530 = tpu.vector_load_idx %arg15[%add3A_55, %broadcast_in_dim3A_529] : memref<80x128xf32, #tpu.memory_space<vmem>>[vector<16xi32>, vector<16xi32>], vector<16xf32>,
        %mul3A_531 = arith.mulf %gather3A_530, %exp3A_481 : vector<16xf32>
        tpu.vector_store_idx %arg15[%add3A_55, %broadcast_in_dim3A_529], %mul3A_531 : memref<80x128xf32, #tpu.memory_space<vmem>>[vector<16xi32>, vector<16xi32>], vector<16xf32>,
        %broadcast_in_dim3A_532 = arith.constant 44 : i32
        %broadcast_in_dim3A_533 = vector.broadcast %broadcast_in_dim3A_532 : i32 to vector<16xi32>
        %gather3A_534 = tpu.vector_load_idx %arg15[%add3A_55, %broadcast_in_dim3A_533] : memref<80x128xf32, #tpu.memory_space<vmem>>[vector<16xi32>, vector<16xi32>], vector<16xf32>,
        %mul3A_535 = arith.mulf %gather3A_534, %exp3A_481 : vector<16xf32>
        tpu.vector_store_idx %arg15[%add3A_55, %broadcast_in_dim3A_533], %mul3A_535 : memref<80x128xf32, #tpu.memory_space<vmem>>[vector<16xi32>, vector<16xi32>], vector<16xf32>,
        %broadcast_in_dim3A_536 = arith.constant 45 : i32
        %broadcast_in_dim3A_537 = vector.broadcast %broadcast_in_dim3A_536 : i32 to vector<16xi32>
        %gather3A_538 = tpu.vector_load_idx %arg15[%add3A_55, %broadcast_in_dim3A_537] : memref<80x128xf32, #tpu.memory_space<vmem>>[vector<16xi32>, vector<16xi32>], vector<16xf32>,
        %mul3A_539 = arith.mulf %gather3A_538, %exp3A_481 : vector<16xf32>
        tpu.vector_store_idx %arg15[%add3A_55, %broadcast_in_dim3A_537], %mul3A_539 : memref<80x128xf32, #tpu.memory_space<vmem>>[vector<16xi32>, vector<16xi32>], vector<16xf32>,
        %broadcast_in_dim3A_540 = arith.constant 46 : i32
        %broadcast_in_dim3A_541 = vector.broadcast %broadcast_in_dim3A_540 : i32 to vector<16xi32>
        %gather3A_542 = tpu.vector_load_idx %arg15[%add3A_55, %broadcast_in_dim3A_541] : memref<80x128xf32, #tpu.memory_space<vmem>>[vector<16xi32>, vector<16xi32>], vector<16xf32>,
        %mul3A_543 = arith.mulf %gather3A_542, %exp3A_481 : vector<16xf32>
        tpu.vector_store_idx %arg15[%add3A_55, %broadcast_in_dim3A_541], %mul3A_543 : memref<80x128xf32, #tpu.memory_space<vmem>>[vector<16xi32>, vector<16xi32>], vector<16xf32>,
        %broadcast_in_dim3A_544 = arith.constant 47 : i32
        %broadcast_in_dim3A_545 = vector.broadcast %broadcast_in_dim3A_544 : i32 to vector<16xi32>
        %gather3A_546 = tpu.vector_load_idx %arg15[%add3A_55, %broadcast_in_dim3A_545] : memref<80x128xf32, #tpu.memory_space<vmem>>[vector<16xi32>, vector<16xi32>], vector<16xf32>,
        %mul3A_547 = arith.mulf %gather3A_546, %exp3A_481 : vector<16xf32>
        tpu.vector_store_idx %arg15[%add3A_55, %broadcast_in_dim3A_545], %mul3A_547 : memref<80x128xf32, #tpu.memory_space<vmem>>[vector<16xi32>, vector<16xi32>], vector<16xf32>,
        %broadcast_in_dim3A_548 = arith.constant 0.000000e+00 : f32
        %broadcast_in_dim3A_549 = vector.broadcast %broadcast_in_dim3A_548 : f32 to vector<16xf32>
        %broadcast_in_dim3A_550 = arith.constant 48 : i32
        %broadcast_in_dim3A_551 = vector.broadcast %broadcast_in_dim3A_550 : i32 to vector<16xi32>
        %gather3A_552 = tpu.vector_load_idx %arg13[%add3A_55, %broadcast_in_dim3A_551] : memref<80x128xf32, #tpu.memory_space<vmem>>[vector<16xi32>, vector<16xi32>], vector<16xf32>,
        %gather3A_553 = tpu.vector_load_idx %arg14[%add3A_55, %broadcast_in_dim3A_551] : memref<80x128xf32, #tpu.memory_space<vmem>>[vector<16xi32>, vector<16xi32>], vector<16xf32>,
        %mul3A_554 = arith.mulf %gather3A_552, %gather3A_553 : vector<16xf32>
        %add3A_555 = arith.addf %broadcast_in_dim3A_549, %mul3A_554 : vector<16xf32>
        %broadcast_in_dim3A_556 = arith.constant 49 : i32
        %broadcast_in_dim3A_557 = vector.broadcast %broadcast_in_dim3A_556 : i32 to vector<16xi32>
        %gather3A_558 = tpu.vector_load_idx %arg13[%add3A_55, %broadcast_in_dim3A_557] : memref<80x128xf32, #tpu.memory_space<vmem>>[vector<16xi32>, vector<16xi32>], vector<16xf32>,
        %gather3A_559 = tpu.vector_load_idx %arg14[%add3A_55, %broadcast_in_dim3A_557] : memref<80x128xf32, #tpu.memory_space<vmem>>[vector<16xi32>, vector<16xi32>], vector<16xf32>,
        %mul3A_560 = arith.mulf %gather3A_558, %gather3A_559 : vector<16xf32>
        %add3A_561 = arith.addf %add3A_555, %mul3A_560 : vector<16xf32>
        %broadcast_in_dim3A_562 = arith.constant 50 : i32
        %broadcast_in_dim3A_563 = vector.broadcast %broadcast_in_dim3A_562 : i32 to vector<16xi32>
        %gather3A_564 = tpu.vector_load_idx %arg13[%add3A_55, %broadcast_in_dim3A_563] : memref<80x128xf32, #tpu.memory_space<vmem>>[vector<16xi32>, vector<16xi32>], vector<16xf32>,
        %gather3A_565 = tpu.vector_load_idx %arg14[%add3A_55, %broadcast_in_dim3A_563] : memref<80x128xf32, #tpu.memory_space<vmem>>[vector<16xi32>, vector<16xi32>], vector<16xf32>,
        %mul3A_566 = arith.mulf %gather3A_564, %gather3A_565 : vector<16xf32>
        %add3A_567 = arith.addf %add3A_561, %mul3A_566 : vector<16xf32>
        %broadcast_in_dim3A_568 = arith.constant 51 : i32
        %broadcast_in_dim3A_569 = vector.broadcast %broadcast_in_dim3A_568 : i32 to vector<16xi32>
        %gather3A_570 = tpu.vector_load_idx %arg13[%add3A_55, %broadcast_in_dim3A_569] : memref<80x128xf32, #tpu.memory_space<vmem>>[vector<16xi32>, vector<16xi32>], vector<16xf32>,
        %gather3A_571 = tpu.vector_load_idx %arg14[%add3A_55, %broadcast_in_dim3A_569] : memref<80x128xf32, #tpu.memory_space<vmem>>[vector<16xi32>, vector<16xi32>], vector<16xf32>,
        %mul3A_572 = arith.mulf %gather3A_570, %gather3A_571 : vector<16xf32>
        %add3A_573 = arith.addf %add3A_567, %mul3A_572 : vector<16xf32>
        %broadcast_in_dim3A_574 = arith.constant 52 : i32
        %broadcast_in_dim3A_575 = vector.broadcast %broadcast_in_dim3A_574 : i32 to vector<16xi32>
        %gather3A_576 = tpu.vector_load_idx %arg13[%add3A_55, %broadcast_in_dim3A_575] : memref<80x128xf32, #tpu.memory_space<vmem>>[vector<16xi32>, vector<16xi32>], vector<16xf32>,
        %gather3A_577 = tpu.vector_load_idx %arg14[%add3A_55, %broadcast_in_dim3A_575] : memref<80x128xf32, #tpu.memory_space<vmem>>[vector<16xi32>, vector<16xi32>], vector<16xf32>,
        %mul3A_578 = arith.mulf %gather3A_576, %gather3A_577 : vector<16xf32>
        %add3A_579 = arith.addf %add3A_573, %mul3A_578 : vector<16xf32>
        %broadcast_in_dim3A_580 = arith.constant 53 : i32
        %broadcast_in_dim3A_581 = vector.broadcast %broadcast_in_dim3A_580 : i32 to vector<16xi32>
        %gather3A_582 = tpu.vector_load_idx %arg13[%add3A_55, %broadcast_in_dim3A_581] : memref<80x128xf32, #tpu.memory_space<vmem>>[vector<16xi32>, vector<16xi32>], vector<16xf32>,
        %gather3A_583 = tpu.vector_load_idx %arg14[%add3A_55, %broadcast_in_dim3A_581] : memref<80x128xf32, #tpu.memory_space<vmem>>[vector<16xi32>, vector<16xi32>], vector<16xf32>,
        %mul3A_584 = arith.mulf %gather3A_582, %gather3A_583 : vector<16xf32>
        %add3A_585 = arith.addf %add3A_579, %mul3A_584 : vector<16xf32>
        %broadcast_in_dim3A_586 = arith.constant 54 : i32
        %broadcast_in_dim3A_587 = vector.broadcast %broadcast_in_dim3A_586 : i32 to vector<16xi32>
        %gather3A_588 = tpu.vector_load_idx %arg13[%add3A_55, %broadcast_in_dim3A_587] : memref<80x128xf32, #tpu.memory_space<vmem>>[vector<16xi32>, vector<16xi32>], vector<16xf32>,
        %gather3A_589 = tpu.vector_load_idx %arg14[%add3A_55, %broadcast_in_dim3A_587] : memref<80x128xf32, #tpu.memory_space<vmem>>[vector<16xi32>, vector<16xi32>], vector<16xf32>,
        %mul3A_590 = arith.mulf %gather3A_588, %gather3A_589 : vector<16xf32>
        %add3A_591 = arith.addf %add3A_585, %mul3A_590 : vector<16xf32>
        %broadcast_in_dim3A_592 = arith.constant 55 : i32
        %broadcast_in_dim3A_593 = vector.broadcast %broadcast_in_dim3A_592 : i32 to vector<16xi32>
        %gather3A_594 = tpu.vector_load_idx %arg13[%add3A_55, %broadcast_in_dim3A_593] : memref<80x128xf32, #tpu.memory_space<vmem>>[vector<16xi32>, vector<16xi32>], vector<16xf32>,
        %gather3A_595 = tpu.vector_load_idx %arg14[%add3A_55, %broadcast_in_dim3A_593] : memref<80x128xf32, #tpu.memory_space<vmem>>[vector<16xi32>, vector<16xi32>], vector<16xf32>,
        %mul3A_596 = arith.mulf %gather3A_594, %gather3A_595 : vector<16xf32>
        %add3A_597 = arith.addf %add3A_591, %mul3A_596 : vector<16xf32>
        %broadcast_in_dim3A_598 = arith.constant 56 : i32
        %broadcast_in_dim3A_599 = vector.broadcast %broadcast_in_dim3A_598 : i32 to vector<16xi32>
        %gather3A_600 = tpu.vector_load_idx %arg13[%add3A_55, %broadcast_in_dim3A_599] : memref<80x128xf32, #tpu.memory_space<vmem>>[vector<16xi32>, vector<16xi32>], vector<16xf32>,
        %gather3A_601 = tpu.vector_load_idx %arg14[%add3A_55, %broadcast_in_dim3A_599] : memref<80x128xf32, #tpu.memory_space<vmem>>[vector<16xi32>, vector<16xi32>], vector<16xf32>,
        %mul3A_602 = arith.mulf %gather3A_600, %gather3A_601 : vector<16xf32>
        %add3A_603 = arith.addf %add3A_597, %mul3A_602 : vector<16xf32>
        %broadcast_in_dim3A_604 = arith.constant 57 : i32
        %broadcast_in_dim3A_605 = vector.broadcast %broadcast_in_dim3A_604 : i32 to vector<16xi32>
        %gather3A_606 = tpu.vector_load_idx %arg13[%add3A_55, %broadcast_in_dim3A_605] : memref<80x128xf32, #tpu.memory_space<vmem>>[vector<16xi32>, vector<16xi32>], vector<16xf32>,
        %gather3A_607 = tpu.vector_load_idx %arg14[%add3A_55, %broadcast_in_dim3A_605] : memref<80x128xf32, #tpu.memory_space<vmem>>[vector<16xi32>, vector<16xi32>], vector<16xf32>,
        %mul3A_608 = arith.mulf %gather3A_606, %gather3A_607 : vector<16xf32>
        %add3A_609 = arith.addf %add3A_603, %mul3A_608 : vector<16xf32>
        %broadcast_in_dim3A_610 = arith.constant 58 : i32
        %broadcast_in_dim3A_611 = vector.broadcast %broadcast_in_dim3A_610 : i32 to vector<16xi32>
        %gather3A_612 = tpu.vector_load_idx %arg13[%add3A_55, %broadcast_in_dim3A_611] : memref<80x128xf32, #tpu.memory_space<vmem>>[vector<16xi32>, vector<16xi32>], vector<16xf32>,
        %gather3A_613 = tpu.vector_load_idx %arg14[%add3A_55, %broadcast_in_dim3A_611] : memref<80x128xf32, #tpu.memory_space<vmem>>[vector<16xi32>, vector<16xi32>], vector<16xf32>,
        %mul3A_614 = arith.mulf %gather3A_612, %gather3A_613 : vector<16xf32>
        %add3A_615 = arith.addf %add3A_609, %mul3A_614 : vector<16xf32>
        %broadcast_in_dim3A_616 = arith.constant 59 : i32
        %broadcast_in_dim3A_617 = vector.broadcast %broadcast_in_dim3A_616 : i32 to vector<16xi32>
        %gather3A_618 = tpu.vector_load_idx %arg13[%add3A_55, %broadcast_in_dim3A_617] : memref<80x128xf32, #tpu.memory_space<vmem>>[vector<16xi32>, vector<16xi32>], vector<16xf32>,
        %gather3A_619 = tpu.vector_load_idx %arg14[%add3A_55, %broadcast_in_dim3A_617] : memref<80x128xf32, #tpu.memory_space<vmem>>[vector<16xi32>, vector<16xi32>], vector<16xf32>,
        %mul3A_620 = arith.mulf %gather3A_618, %gather3A_619 : vector<16xf32>
        %add3A_621 = arith.addf %add3A_615, %mul3A_620 : vector<16xf32>
        %broadcast_in_dim3A_622 = arith.constant 60 : i32
        %broadcast_in_dim3A_623 = vector.broadcast %broadcast_in_dim3A_622 : i32 to vector<16xi32>
        %gather3A_624 = tpu.vector_load_idx %arg13[%add3A_55, %broadcast_in_dim3A_623] : memref<80x128xf32, #tpu.memory_space<vmem>>[vector<16xi32>, vector<16xi32>], vector<16xf32>,
        %gather3A_625 = tpu.vector_load_idx %arg14[%add3A_55, %broadcast_in_dim3A_623] : memref<80x128xf32, #tpu.memory_space<vmem>>[vector<16xi32>, vector<16xi32>], vector<16xf32>,
        %mul3A_626 = arith.mulf %gather3A_624, %gather3A_625 : vector<16xf32>
        %add3A_627 = arith.addf %add3A_621, %mul3A_626 : vector<16xf32>
        %broadcast_in_dim3A_628 = arith.constant 61 : i32
        %broadcast_in_dim3A_629 = vector.broadcast %broadcast_in_dim3A_628 : i32 to vector<16xi32>
        %gather3A_630 = tpu.vector_load_idx %arg13[%add3A_55, %broadcast_in_dim3A_629] : memref<80x128xf32, #tpu.memory_space<vmem>>[vector<16xi32>, vector<16xi32>], vector<16xf32>,
        %gather3A_631 = tpu.vector_load_idx %arg14[%add3A_55, %broadcast_in_dim3A_629] : memref<80x128xf32, #tpu.memory_space<vmem>>[vector<16xi32>, vector<16xi32>], vector<16xf32>,
        %mul3A_632 = arith.mulf %gather3A_630, %gather3A_631 : vector<16xf32>
        %add3A_633 = arith.addf %add3A_627, %mul3A_632 : vector<16xf32>
        %broadcast_in_dim3A_634 = arith.constant 62 : i32
        %broadcast_in_dim3A_635 = vector.broadcast %broadcast_in_dim3A_634 : i32 to vector<16xi32>
        %gather3A_636 = tpu.vector_load_idx %arg13[%add3A_55, %broadcast_in_dim3A_635] : memref<80x128xf32, #tpu.memory_space<vmem>>[vector<16xi32>, vector<16xi32>], vector<16xf32>,
        %gather3A_637 = tpu.vector_load_idx %arg14[%add3A_55, %broadcast_in_dim3A_635] : memref<80x128xf32, #tpu.memory_space<vmem>>[vector<16xi32>, vector<16xi32>], vector<16xf32>,
        %mul3A_638 = arith.mulf %gather3A_636, %gather3A_637 : vector<16xf32>
        %add3A_639 = arith.addf %add3A_633, %mul3A_638 : vector<16xf32>
        %broadcast_in_dim3A_640 = arith.constant 63 : i32
        %broadcast_in_dim3A_641 = vector.broadcast %broadcast_in_dim3A_640 : i32 to vector<16xi32>
        %gather3A_642 = tpu.vector_load_idx %arg13[%add3A_55, %broadcast_in_dim3A_641] : memref<80x128xf32, #tpu.memory_space<vmem>>[vector<16xi32>, vector<16xi32>], vector<16xf32>,
        %gather3A_643 = tpu.vector_load_idx %arg14[%add3A_55, %broadcast_in_dim3A_641] : memref<80x128xf32, #tpu.memory_space<vmem>>[vector<16xi32>, vector<16xi32>], vector<16xf32>,
        %mul3A_644 = arith.mulf %gather3A_642, %gather3A_643 : vector<16xf32>
        %add3A_645 = arith.addf %add3A_639, %mul3A_644 : vector<16xf32>
        %exp3A_646 = math.exp %add3A_645 : vector<16xf32>
        %broadcast_in_dim3A_647 = arith.constant 3 : i32
        %broadcast_in_dim3A_648 = vector.broadcast %broadcast_in_dim3A_647 : i32 to vector<16xi32>
        tpu.vector_store_idx %arg16[%add3A_55, %broadcast_in_dim3A_648], %exp3A_646 : memref<80x8xf32, #tpu.memory_space<vmem>>[vector<16xi32>, vector<16xi32>], vector<16xf32>,
        %broadcast_in_dim3A_649 = arith.constant 48 : i32
        %broadcast_in_dim3A_650 = vector.broadcast %broadcast_in_dim3A_649 : i32 to vector<16xi32>
        %gather3A_651 = tpu.vector_load_idx %arg15[%add3A_55, %broadcast_in_dim3A_650] : memref<80x128xf32, #tpu.memory_space<vmem>>[vector<16xi32>, vector<16xi32>], vector<16xf32>,
        %mul3A_652 = arith.mulf %gather3A_651, %exp3A_646 : vector<16xf32>
        tpu.vector_store_idx %arg15[%add3A_55, %broadcast_in_dim3A_650], %mul3A_652 : memref<80x128xf32, #tpu.memory_space<vmem>>[vector<16xi32>, vector<16xi32>], vector<16xf32>,
        %broadcast_in_dim3A_653 = arith.constant 49 : i32
        %broadcast_in_dim3A_654 = vector.broadcast %broadcast_in_dim3A_653 : i32 to vector<16xi32>
        %gather3A_655 = tpu.vector_load_idx %arg15[%add3A_55, %broadcast_in_dim3A_654] : memref<80x128xf32, #tpu.memory_space<vmem>>[vector<16xi32>, vector<16xi32>], vector<16xf32>,
        %mul3A_656 = arith.mulf %gather3A_655, %exp3A_646 : vector<16xf32>
        tpu.vector_store_idx %arg15[%add3A_55, %broadcast_in_dim3A_654], %mul3A_656 : memref<80x128xf32, #tpu.memory_space<vmem>>[vector<16xi32>, vector<16xi32>], vector<16xf32>,
        %broadcast_in_dim3A_657 = arith.constant 50 : i32
        %broadcast_in_dim3A_658 = vector.broadcast %broadcast_in_dim3A_657 : i32 to vector<16xi32>
        %gather3A_659 = tpu.vector_load_idx %arg15[%add3A_55, %broadcast_in_dim3A_658] : memref<80x128xf32, #tpu.memory_space<vmem>>[vector<16xi32>, vector<16xi32>], vector<16xf32>,
        %mul3A_660 = arith.mulf %gather3A_659, %exp3A_646 : vector<16xf32>
        tpu.vector_store_idx %arg15[%add3A_55, %broadcast_in_dim3A_658], %mul3A_660 : memref<80x128xf32, #tpu.memory_space<vmem>>[vector<16xi32>, vector<16xi32>], vector<16xf32>,
        %broadcast_in_dim3A_661 = arith.constant 51 : i32
        %broadcast_in_dim3A_662 = vector.broadcast %broadcast_in_dim3A_661 : i32 to vector<16xi32>
        %gather3A_663 = tpu.vector_load_idx %arg15[%add3A_55, %broadcast_in_dim3A_662] : memref<80x128xf32, #tpu.memory_space<vmem>>[vector<16xi32>, vector<16xi32>], vector<16xf32>,
        %mul3A_664 = arith.mulf %gather3A_663, %exp3A_646 : vector<16xf32>
        tpu.vector_store_idx %arg15[%add3A_55, %broadcast_in_dim3A_662], %mul3A_664 : memref<80x128xf32, #tpu.memory_space<vmem>>[vector<16xi32>, vector<16xi32>], vector<16xf32>,
        %broadcast_in_dim3A_665 = arith.constant 52 : i32
        %broadcast_in_dim3A_666 = vector.broadcast %broadcast_in_dim3A_665 : i32 to vector<16xi32>
        %gather3A_667 = tpu.vector_load_idx %arg15[%add3A_55, %broadcast_in_dim3A_666] : memref<80x128xf32, #tpu.memory_space<vmem>>[vector<16xi32>, vector<16xi32>], vector<16xf32>,
        %mul3A_668 = arith.mulf %gather3A_667, %exp3A_646 : vector<16xf32>
        tpu.vector_store_idx %arg15[%add3A_55, %broadcast_in_dim3A_666], %mul3A_668 : memref<80x128xf32, #tpu.memory_space<vmem>>[vector<16xi32>, vector<16xi32>], vector<16xf32>,
        %broadcast_in_dim3A_669 = arith.constant 53 : i32
        %broadcast_in_dim3A_670 = vector.broadcast %broadcast_in_dim3A_669 : i32 to vector<16xi32>
        %gather3A_671 = tpu.vector_load_idx %arg15[%add3A_55, %broadcast_in_dim3A_670] : memref<80x128xf32, #tpu.memory_space<vmem>>[vector<16xi32>, vector<16xi32>], vector<16xf32>,
        %mul3A_672 = arith.mulf %gather3A_671, %exp3A_646 : vector<16xf32>
        tpu.vector_store_idx %arg15[%add3A_55, %broadcast_in_dim3A_670], %mul3A_672 : memref<80x128xf32, #tpu.memory_space<vmem>>[vector<16xi32>, vector<16xi32>], vector<16xf32>,
        %broadcast_in_dim3A_673 = arith.constant 54 : i32
        %broadcast_in_dim3A_674 = vector.broadcast %broadcast_in_dim3A_673 : i32 to vector<16xi32>
        %gather3A_675 = tpu.vector_load_idx %arg15[%add3A_55, %broadcast_in_dim3A_674] : memref<80x128xf32, #tpu.memory_space<vmem>>[vector<16xi32>, vector<16xi32>], vector<16xf32>,
        %mul3A_676 = arith.mulf %gather3A_675, %exp3A_646 : vector<16xf32>
        tpu.vector_store_idx %arg15[%add3A_55, %broadcast_in_dim3A_674], %mul3A_676 : memref<80x128xf32, #tpu.memory_space<vmem>>[vector<16xi32>, vector<16xi32>], vector<16xf32>,
        %broadcast_in_dim3A_677 = arith.constant 55 : i32
        %broadcast_in_dim3A_678 = vector.broadcast %broadcast_in_dim3A_677 : i32 to vector<16xi32>
        %gather3A_679 = tpu.vector_load_idx %arg15[%add3A_55, %broadcast_in_dim3A_678] : memref<80x128xf32, #tpu.memory_space<vmem>>[vector<16xi32>, vector<16xi32>], vector<16xf32>,
        %mul3A_680 = arith.mulf %gather3A_679, %exp3A_646 : vector<16xf32>
        tpu.vector_store_idx %arg15[%add3A_55, %broadcast_in_dim3A_678], %mul3A_680 : memref<80x128xf32, #tpu.memory_space<vmem>>[vector<16xi32>, vector<16xi32>], vector<16xf32>,
        %broadcast_in_dim3A_681 = arith.constant 56 : i32
        %broadcast_in_dim3A_682 = vector.broadcast %broadcast_in_dim3A_681 : i32 to vector<16xi32>
        %gather3A_683 = tpu.vector_load_idx %arg15[%add3A_55, %broadcast_in_dim3A_682] : memref<80x128xf32, #tpu.memory_space<vmem>>[vector<16xi32>, vector<16xi32>], vector<16xf32>,
        %mul3A_684 = arith.mulf %gather3A_683, %exp3A_646 : vector<16xf32>
        tpu.vector_store_idx %arg15[%add3A_55, %broadcast_in_dim3A_682], %mul3A_684 : memref<80x128xf32, #tpu.memory_space<vmem>>[vector<16xi32>, vector<16xi32>], vector<16xf32>,
        %broadcast_in_dim3A_685 = arith.constant 57 : i32
        %broadcast_in_dim3A_686 = vector.broadcast %broadcast_in_dim3A_685 : i32 to vector<16xi32>
        %gather3A_687 = tpu.vector_load_idx %arg15[%add3A_55, %broadcast_in_dim3A_686] : memref<80x128xf32, #tpu.memory_space<vmem>>[vector<16xi32>, vector<16xi32>], vector<16xf32>,
        %mul3A_688 = arith.mulf %gather3A_687, %exp3A_646 : vector<16xf32>
        tpu.vector_store_idx %arg15[%add3A_55, %broadcast_in_dim3A_686], %mul3A_688 : memref<80x128xf32, #tpu.memory_space<vmem>>[vector<16xi32>, vector<16xi32>], vector<16xf32>,
        %broadcast_in_dim3A_689 = arith.constant 58 : i32
        %broadcast_in_dim3A_690 = vector.broadcast %broadcast_in_dim3A_689 : i32 to vector<16xi32>
        %gather3A_691 = tpu.vector_load_idx %arg15[%add3A_55, %broadcast_in_dim3A_690] : memref<80x128xf32, #tpu.memory_space<vmem>>[vector<16xi32>, vector<16xi32>], vector<16xf32>,
        %mul3A_692 = arith.mulf %gather3A_691, %exp3A_646 : vector<16xf32>
        tpu.vector_store_idx %arg15[%add3A_55, %broadcast_in_dim3A_690], %mul3A_692 : memref<80x128xf32, #tpu.memory_space<vmem>>[vector<16xi32>, vector<16xi32>], vector<16xf32>,
        %broadcast_in_dim3A_693 = arith.constant 59 : i32
        %broadcast_in_dim3A_694 = vector.broadcast %broadcast_in_dim3A_693 : i32 to vector<16xi32>
        %gather3A_695 = tpu.vector_load_idx %arg15[%add3A_55, %broadcast_in_dim3A_694] : memref<80x128xf32, #tpu.memory_space<vmem>>[vector<16xi32>, vector<16xi32>], vector<16xf32>,
        %mul3A_696 = arith.mulf %gather3A_695, %exp3A_646 : vector<16xf32>
        tpu.vector_store_idx %arg15[%add3A_55, %broadcast_in_dim3A_694], %mul3A_696 : memref<80x128xf32, #tpu.memory_space<vmem>>[vector<16xi32>, vector<16xi32>], vector<16xf32>,
        %broadcast_in_dim3A_697 = arith.constant 60 : i32
        %broadcast_in_dim3A_698 = vector.broadcast %broadcast_in_dim3A_697 : i32 to vector<16xi32>
        %gather3A_699 = tpu.vector_load_idx %arg15[%add3A_55, %broadcast_in_dim3A_698] : memref<80x128xf32, #tpu.memory_space<vmem>>[vector<16xi32>, vector<16xi32>], vector<16xf32>,
        %mul3A_700 = arith.mulf %gather3A_699, %exp3A_646 : vector<16xf32>
        tpu.vector_store_idx %arg15[%add3A_55, %broadcast_in_dim3A_698], %mul3A_700 : memref<80x128xf32, #tpu.memory_space<vmem>>[vector<16xi32>, vector<16xi32>], vector<16xf32>,
        %broadcast_in_dim3A_701 = arith.constant 61 : i32
        %broadcast_in_dim3A_702 = vector.broadcast %broadcast_in_dim3A_701 : i32 to vector<16xi32>
        %gather3A_703 = tpu.vector_load_idx %arg15[%add3A_55, %broadcast_in_dim3A_702] : memref<80x128xf32, #tpu.memory_space<vmem>>[vector<16xi32>, vector<16xi32>], vector<16xf32>,
        %mul3A_704 = arith.mulf %gather3A_703, %exp3A_646 : vector<16xf32>
        tpu.vector_store_idx %arg15[%add3A_55, %broadcast_in_dim3A_702], %mul3A_704 : memref<80x128xf32, #tpu.memory_space<vmem>>[vector<16xi32>, vector<16xi32>], vector<16xf32>,
        %broadcast_in_dim3A_705 = arith.constant 62 : i32
        %broadcast_in_dim3A_706 = vector.broadcast %broadcast_in_dim3A_705 : i32 to vector<16xi32>
        %gather3A_707 = tpu.vector_load_idx %arg15[%add3A_55, %broadcast_in_dim3A_706] : memref<80x128xf32, #tpu.memory_space<vmem>>[vector<16xi32>, vector<16xi32>], vector<16xf32>,
        %mul3A_708 = arith.mulf %gather3A_707, %exp3A_646 : vector<16xf32>
        tpu.vector_store_idx %arg15[%add3A_55, %broadcast_in_dim3A_706], %mul3A_708 : memref<80x128xf32, #tpu.memory_space<vmem>>[vector<16xi32>, vector<16xi32>], vector<16xf32>,
        %broadcast_in_dim3A_709 = arith.constant 63 : i32
        %broadcast_in_dim3A_710 = vector.broadcast %broadcast_in_dim3A_709 : i32 to vector<16xi32>
        %gather3A_711 = tpu.vector_load_idx %arg15[%add3A_55, %broadcast_in_dim3A_710] : memref<80x128xf32, #tpu.memory_space<vmem>>[vector<16xi32>, vector<16xi32>], vector<16xf32>,
        %mul3A_712 = arith.mulf %gather3A_711, %exp3A_646 : vector<16xf32>
        tpu.vector_store_idx %arg15[%add3A_55, %broadcast_in_dim3A_710], %mul3A_712 : memref<80x128xf32, #tpu.memory_space<vmem>>[vector<16xi32>, vector<16xi32>], vector<16xf32>,
        %broadcast_in_dim3A_713 = arith.constant 0.000000e+00 : f32
        %broadcast_in_dim3A_714 = vector.broadcast %broadcast_in_dim3A_713 : f32 to vector<16xf32>
        %broadcast_in_dim3A_715 = arith.constant 64 : i32
        %broadcast_in_dim3A_716 = vector.broadcast %broadcast_in_dim3A_715 : i32 to vector<16xi32>
        %gather3A_717 = tpu.vector_load_idx %arg13[%add3A_55, %broadcast_in_dim3A_716] : memref<80x128xf32, #tpu.memory_space<vmem>>[vector<16xi32>, vector<16xi32>], vector<16xf32>,
        %gather3A_718 = tpu.vector_load_idx %arg14[%add3A_55, %broadcast_in_dim3A_716] : memref<80x128xf32, #tpu.memory_space<vmem>>[vector<16xi32>, vector<16xi32>], vector<16xf32>,
        %mul3A_719 = arith.mulf %gather3A_717, %gather3A_718 : vector<16xf32>
        %add3A_720 = arith.addf %broadcast_in_dim3A_714, %mul3A_719 : vector<16xf32>
        %broadcast_in_dim3A_721 = arith.constant 65 : i32
        %broadcast_in_dim3A_722 = vector.broadcast %broadcast_in_dim3A_721 : i32 to vector<16xi32>
        %gather3A_723 = tpu.vector_load_idx %arg13[%add3A_55, %broadcast_in_dim3A_722] : memref<80x128xf32, #tpu.memory_space<vmem>>[vector<16xi32>, vector<16xi32>], vector<16xf32>,
        %gather3A_724 = tpu.vector_load_idx %arg14[%add3A_55, %broadcast_in_dim3A_722] : memref<80x128xf32, #tpu.memory_space<vmem>>[vector<16xi32>, vector<16xi32>], vector<16xf32>,
        %mul3A_725 = arith.mulf %gather3A_723, %gather3A_724 : vector<16xf32>
        %add3A_726 = arith.addf %add3A_720, %mul3A_725 : vector<16xf32>
        %broadcast_in_dim3A_727 = arith.constant 66 : i32
        %broadcast_in_dim3A_728 = vector.broadcast %broadcast_in_dim3A_727 : i32 to vector<16xi32>
        %gather3A_729 = tpu.vector_load_idx %arg13[%add3A_55, %broadcast_in_dim3A_728] : memref<80x128xf32, #tpu.memory_space<vmem>>[vector<16xi32>, vector<16xi32>], vector<16xf32>,
        %gather3A_730 = tpu.vector_load_idx %arg14[%add3A_55, %broadcast_in_dim3A_728] : memref<80x128xf32, #tpu.memory_space<vmem>>[vector<16xi32>, vector<16xi32>], vector<16xf32>,
        %mul3A_731 = arith.mulf %gather3A_729, %gather3A_730 : vector<16xf32>
        %add3A_732 = arith.addf %add3A_726, %mul3A_731 : vector<16xf32>
        %broadcast_in_dim3A_733 = arith.constant 67 : i32
        %broadcast_in_dim3A_734 = vector.broadcast %broadcast_in_dim3A_733 : i32 to vector<16xi32>
        %gather3A_735 = tpu.vector_load_idx %arg13[%add3A_55, %broadcast_in_dim3A_734] : memref<80x128xf32, #tpu.memory_space<vmem>>[vector<16xi32>, vector<16xi32>], vector<16xf32>,
        %gather3A_736 = tpu.vector_load_idx %arg14[%add3A_55, %broadcast_in_dim3A_734] : memref<80x128xf32, #tpu.memory_space<vmem>>[vector<16xi32>, vector<16xi32>], vector<16xf32>,
        %mul3A_737 = arith.mulf %gather3A_735, %gather3A_736 : vector<16xf32>
        %add3A_738 = arith.addf %add3A_732, %mul3A_737 : vector<16xf32>
        %broadcast_in_dim3A_739 = arith.constant 68 : i32
        %broadcast_in_dim3A_740 = vector.broadcast %broadcast_in_dim3A_739 : i32 to vector<16xi32>
        %gather3A_741 = tpu.vector_load_idx %arg13[%add3A_55, %broadcast_in_dim3A_740] : memref<80x128xf32, #tpu.memory_space<vmem>>[vector<16xi32>, vector<16xi32>], vector<16xf32>,
        %gather3A_742 = tpu.vector_load_idx %arg14[%add3A_55, %broadcast_in_dim3A_740] : memref<80x128xf32, #tpu.memory_space<vmem>>[vector<16xi32>, vector<16xi32>], vector<16xf32>,
        %mul3A_743 = arith.mulf %gather3A_741, %gather3A_742 : vector<16xf32>
        %add3A_744 = arith.addf %add3A_738, %mul3A_743 : vector<16xf32>
        %broadcast_in_dim3A_745 = arith.constant 69 : i32
        %broadcast_in_dim3A_746 = vector.broadcast %broadcast_in_dim3A_745 : i32 to vector<16xi32>
        %gather3A_747 = tpu.vector_load_idx %arg13[%add3A_55, %broadcast_in_dim3A_746] : memref<80x128xf32, #tpu.memory_space<vmem>>[vector<16xi32>, vector<16xi32>], vector<16xf32>,
        %gather3A_748 = tpu.vector_load_idx %arg14[%add3A_55, %broadcast_in_dim3A_746] : memref<80x128xf32, #tpu.memory_space<vmem>>[vector<16xi32>, vector<16xi32>], vector<16xf32>,
        %mul3A_749 = arith.mulf %gather3A_747, %gather3A_748 : vector<16xf32>
        %add3A_750 = arith.addf %add3A_744, %mul3A_749 : vector<16xf32>
        %broadcast_in_dim3A_751 = arith.constant 70 : i32
        %broadcast_in_dim3A_752 = vector.broadcast %broadcast_in_dim3A_751 : i32 to vector<16xi32>
        %gather3A_753 = tpu.vector_load_idx %arg13[%add3A_55, %broadcast_in_dim3A_752] : memref<80x128xf32, #tpu.memory_space<vmem>>[vector<16xi32>, vector<16xi32>], vector<16xf32>,
        %gather3A_754 = tpu.vector_load_idx %arg14[%add3A_55, %broadcast_in_dim3A_752] : memref<80x128xf32, #tpu.memory_space<vmem>>[vector<16xi32>, vector<16xi32>], vector<16xf32>,
        %mul3A_755 = arith.mulf %gather3A_753, %gather3A_754 : vector<16xf32>
        %add3A_756 = arith.addf %add3A_750, %mul3A_755 : vector<16xf32>
        %broadcast_in_dim3A_757 = arith.constant 71 : i32
        %broadcast_in_dim3A_758 = vector.broadcast %broadcast_in_dim3A_757 : i32 to vector<16xi32>
        %gather3A_759 = tpu.vector_load_idx %arg13[%add3A_55, %broadcast_in_dim3A_758] : memref<80x128xf32, #tpu.memory_space<vmem>>[vector<16xi32>, vector<16xi32>], vector<16xf32>,
        %gather3A_760 = tpu.vector_load_idx %arg14[%add3A_55, %broadcast_in_dim3A_758] : memref<80x128xf32, #tpu.memory_space<vmem>>[vector<16xi32>, vector<16xi32>], vector<16xf32>,
        %mul3A_761 = arith.mulf %gather3A_759, %gather3A_760 : vector<16xf32>
        %add3A_762 = arith.addf %add3A_756, %mul3A_761 : vector<16xf32>
        %broadcast_in_dim3A_763 = arith.constant 72 : i32
        %broadcast_in_dim3A_764 = vector.broadcast %broadcast_in_dim3A_763 : i32 to vector<16xi32>
        %gather3A_765 = tpu.vector_load_idx %arg13[%add3A_55, %broadcast_in_dim3A_764] : memref<80x128xf32, #tpu.memory_space<vmem>>[vector<16xi32>, vector<16xi32>], vector<16xf32>,
        %gather3A_766 = tpu.vector_load_idx %arg14[%add3A_55, %broadcast_in_dim3A_764] : memref<80x128xf32, #tpu.memory_space<vmem>>[vector<16xi32>, vector<16xi32>], vector<16xf32>,
        %mul3A_767 = arith.mulf %gather3A_765, %gather3A_766 : vector<16xf32>
        %add3A_768 = arith.addf %add3A_762, %mul3A_767 : vector<16xf32>
        %broadcast_in_dim3A_769 = arith.constant 73 : i32
        %broadcast_in_dim3A_770 = vector.broadcast %broadcast_in_dim3A_769 : i32 to vector<16xi32>
        %gather3A_771 = tpu.vector_load_idx %arg13[%add3A_55, %broadcast_in_dim3A_770] : memref<80x128xf32, #tpu.memory_space<vmem>>[vector<16xi32>, vector<16xi32>], vector<16xf32>,
        %gather3A_772 = tpu.vector_load_idx %arg14[%add3A_55, %broadcast_in_dim3A_770] : memref<80x128xf32, #tpu.memory_space<vmem>>[vector<16xi32>, vector<16xi32>], vector<16xf32>,
        %mul3A_773 = arith.mulf %gather3A_771, %gather3A_772 : vector<16xf32>
        %add3A_774 = arith.addf %add3A_768, %mul3A_773 : vector<16xf32>
        %broadcast_in_dim3A_775 = arith.constant 74 : i32
        %broadcast_in_dim3A_776 = vector.broadcast %broadcast_in_dim3A_775 : i32 to vector<16xi32>
        %gather3A_777 = tpu.vector_load_idx %arg13[%add3A_55, %broadcast_in_dim3A_776] : memref<80x128xf32, #tpu.memory_space<vmem>>[vector<16xi32>, vector<16xi32>], vector<16xf32>,
        %gather3A_778 = tpu.vector_load_idx %arg14[%add3A_55, %broadcast_in_dim3A_776] : memref<80x128xf32, #tpu.memory_space<vmem>>[vector<16xi32>, vector<16xi32>], vector<16xf32>,
        %mul3A_779 = arith.mulf %gather3A_777, %gather3A_778 : vector<16xf32>
        %add3A_780 = arith.addf %add3A_774, %mul3A_779 : vector<16xf32>
        %broadcast_in_dim3A_781 = arith.constant 75 : i32
        %broadcast_in_dim3A_782 = vector.broadcast %broadcast_in_dim3A_781 : i32 to vector<16xi32>
        %gather3A_783 = tpu.vector_load_idx %arg13[%add3A_55, %broadcast_in_dim3A_782] : memref<80x128xf32, #tpu.memory_space<vmem>>[vector<16xi32>, vector<16xi32>], vector<16xf32>,
        %gather3A_784 = tpu.vector_load_idx %arg14[%add3A_55, %broadcast_in_dim3A_782] : memref<80x128xf32, #tpu.memory_space<vmem>>[vector<16xi32>, vector<16xi32>], vector<16xf32>,
        %mul3A_785 = arith.mulf %gather3A_783, %gather3A_784 : vector<16xf32>
        %add3A_786 = arith.addf %add3A_780, %mul3A_785 : vector<16xf32>
        %broadcast_in_dim3A_787 = arith.constant 76 : i32
        %broadcast_in_dim3A_788 = vector.broadcast %broadcast_in_dim3A_787 : i32 to vector<16xi32>
        %gather3A_789 = tpu.vector_load_idx %arg13[%add3A_55, %broadcast_in_dim3A_788] : memref<80x128xf32, #tpu.memory_space<vmem>>[vector<16xi32>, vector<16xi32>], vector<16xf32>,
        %gather3A_790 = tpu.vector_load_idx %arg14[%add3A_55, %broadcast_in_dim3A_788] : memref<80x128xf32, #tpu.memory_space<vmem>>[vector<16xi32>, vector<16xi32>], vector<16xf32>,
        %mul3A_791 = arith.mulf %gather3A_789, %gather3A_790 : vector<16xf32>
        %add3A_792 = arith.addf %add3A_786, %mul3A_791 : vector<16xf32>
        %broadcast_in_dim3A_793 = arith.constant 77 : i32
        %broadcast_in_dim3A_794 = vector.broadcast %broadcast_in_dim3A_793 : i32 to vector<16xi32>
        %gather3A_795 = tpu.vector_load_idx %arg13[%add3A_55, %broadcast_in_dim3A_794] : memref<80x128xf32, #tpu.memory_space<vmem>>[vector<16xi32>, vector<16xi32>], vector<16xf32>,
        %gather3A_796 = tpu.vector_load_idx %arg14[%add3A_55, %broadcast_in_dim3A_794] : memref<80x128xf32, #tpu.memory_space<vmem>>[vector<16xi32>, vector<16xi32>], vector<16xf32>,
        %mul3A_797 = arith.mulf %gather3A_795, %gather3A_796 : vector<16xf32>
        %add3A_798 = arith.addf %add3A_792, %mul3A_797 : vector<16xf32>
        %broadcast_in_dim3A_799 = arith.constant 78 : i32
        %broadcast_in_dim3A_800 = vector.broadcast %broadcast_in_dim3A_799 : i32 to vector<16xi32>
        %gather3A_801 = tpu.vector_load_idx %arg13[%add3A_55, %broadcast_in_dim3A_800] : memref<80x128xf32, #tpu.memory_space<vmem>>[vector<16xi32>, vector<16xi32>], vector<16xf32>,
        %gather3A_802 = tpu.vector_load_idx %arg14[%add3A_55, %broadcast_in_dim3A_800] : memref<80x128xf32, #tpu.memory_space<vmem>>[vector<16xi32>, vector<16xi32>], vector<16xf32>,
        %mul3A_803 = arith.mulf %gather3A_801, %gather3A_802 : vector<16xf32>
        %add3A_804 = arith.addf %add3A_798, %mul3A_803 : vector<16xf32>
        %broadcast_in_dim3A_805 = arith.constant 79 : i32
        %broadcast_in_dim3A_806 = vector.broadcast %broadcast_in_dim3A_805 : i32 to vector<16xi32>
        %gather3A_807 = tpu.vector_load_idx %arg13[%add3A_55, %broadcast_in_dim3A_806] : memref<80x128xf32, #tpu.memory_space<vmem>>[vector<16xi32>, vector<16xi32>], vector<16xf32>,
        %gather3A_808 = tpu.vector_load_idx %arg14[%add3A_55, %broadcast_in_dim3A_806] : memref<80x128xf32, #tpu.memory_space<vmem>>[vector<16xi32>, vector<16xi32>], vector<16xf32>,
        %mul3A_809 = arith.mulf %gather3A_807, %gather3A_808 : vector<16xf32>
        %add3A_810 = arith.addf %add3A_804, %mul3A_809 : vector<16xf32>
        %exp3A_811 = math.exp %add3A_810 : vector<16xf32>
        %broadcast_in_dim3A_812 = arith.constant 4 : i32
        %broadcast_in_dim3A_813 = vector.broadcast %broadcast_in_dim3A_812 : i32 to vector<16xi32>
        tpu.vector_store_idx %arg16[%add3A_55, %broadcast_in_dim3A_813], %exp3A_811 : memref<80x8xf32, #tpu.memory_space<vmem>>[vector<16xi32>, vector<16xi32>], vector<16xf32>,
        %broadcast_in_dim3A_814 = arith.constant 64 : i32
        %broadcast_in_dim3A_815 = vector.broadcast %broadcast_in_dim3A_814 : i32 to vector<16xi32>
        %gather3A_816 = tpu.vector_load_idx %arg15[%add3A_55, %broadcast_in_dim3A_815] : memref<80x128xf32, #tpu.memory_space<vmem>>[vector<16xi32>, vector<16xi32>], vector<16xf32>,
        %mul3A_817 = arith.mulf %gather3A_816, %exp3A_811 : vector<16xf32>
        tpu.vector_store_idx %arg15[%add3A_55, %broadcast_in_dim3A_815], %mul3A_817 : memref<80x128xf32, #tpu.memory_space<vmem>>[vector<16xi32>, vector<16xi32>], vector<16xf32>,
        %broadcast_in_dim3A_818 = arith.constant 65 : i32
        %broadcast_in_dim3A_819 = vector.broadcast %broadcast_in_dim3A_818 : i32 to vector<16xi32>
        %gather3A_820 = tpu.vector_load_idx %arg15[%add3A_55, %broadcast_in_dim3A_819] : memref<80x128xf32, #tpu.memory_space<vmem>>[vector<16xi32>, vector<16xi32>], vector<16xf32>,
        %mul3A_821 = arith.mulf %gather3A_820, %exp3A_811 : vector<16xf32>
        tpu.vector_store_idx %arg15[%add3A_55, %broadcast_in_dim3A_819], %mul3A_821 : memref<80x128xf32, #tpu.memory_space<vmem>>[vector<16xi32>, vector<16xi32>], vector<16xf32>,
        %broadcast_in_dim3A_822 = arith.constant 66 : i32
        %broadcast_in_dim3A_823 = vector.broadcast %broadcast_in_dim3A_822 : i32 to vector<16xi32>
        %gather3A_824 = tpu.vector_load_idx %arg15[%add3A_55, %broadcast_in_dim3A_823] : memref<80x128xf32, #tpu.memory_space<vmem>>[vector<16xi32>, vector<16xi32>], vector<16xf32>,
        %mul3A_825 = arith.mulf %gather3A_824, %exp3A_811 : vector<16xf32>
        tpu.vector_store_idx %arg15[%add3A_55, %broadcast_in_dim3A_823], %mul3A_825 : memref<80x128xf32, #tpu.memory_space<vmem>>[vector<16xi32>, vector<16xi32>], vector<16xf32>,
        %broadcast_in_dim3A_826 = arith.constant 67 : i32
        %broadcast_in_dim3A_827 = vector.broadcast %broadcast_in_dim3A_826 : i32 to vector<16xi32>
        %gather3A_828 = tpu.vector_load_idx %arg15[%add3A_55, %broadcast_in_dim3A_827] : memref<80x128xf32, #tpu.memory_space<vmem>>[vector<16xi32>, vector<16xi32>], vector<16xf32>,
        %mul3A_829 = arith.mulf %gather3A_828, %exp3A_811 : vector<16xf32>
        tpu.vector_store_idx %arg15[%add3A_55, %broadcast_in_dim3A_827], %mul3A_829 : memref<80x128xf32, #tpu.memory_space<vmem>>[vector<16xi32>, vector<16xi32>], vector<16xf32>,
        %broadcast_in_dim3A_830 = arith.constant 68 : i32
        %broadcast_in_dim3A_831 = vector.broadcast %broadcast_in_dim3A_830 : i32 to vector<16xi32>
        %gather3A_832 = tpu.vector_load_idx %arg15[%add3A_55, %broadcast_in_dim3A_831] : memref<80x128xf32, #tpu.memory_space<vmem>>[vector<16xi32>, vector<16xi32>], vector<16xf32>,
        %mul3A_833 = arith.mulf %gather3A_832, %exp3A_811 : vector<16xf32>
        tpu.vector_store_idx %arg15[%add3A_55, %broadcast_in_dim3A_831], %mul3A_833 : memref<80x128xf32, #tpu.memory_space<vmem>>[vector<16xi32>, vector<16xi32>], vector<16xf32>,
        %broadcast_in_dim3A_834 = arith.constant 69 : i32
        %broadcast_in_dim3A_835 = vector.broadcast %broadcast_in_dim3A_834 : i32 to vector<16xi32>
        %gather3A_836 = tpu.vector_load_idx %arg15[%add3A_55, %broadcast_in_dim3A_835] : memref<80x128xf32, #tpu.memory_space<vmem>>[vector<16xi32>, vector<16xi32>], vector<16xf32>,
        %mul3A_837 = arith.mulf %gather3A_836, %exp3A_811 : vector<16xf32>
        tpu.vector_store_idx %arg15[%add3A_55, %broadcast_in_dim3A_835], %mul3A_837 : memref<80x128xf32, #tpu.memory_space<vmem>>[vector<16xi32>, vector<16xi32>], vector<16xf32>,
        %broadcast_in_dim3A_838 = arith.constant 70 : i32
        %broadcast_in_dim3A_839 = vector.broadcast %broadcast_in_dim3A_838 : i32 to vector<16xi32>
        %gather3A_840 = tpu.vector_load_idx %arg15[%add3A_55, %broadcast_in_dim3A_839] : memref<80x128xf32, #tpu.memory_space<vmem>>[vector<16xi32>, vector<16xi32>], vector<16xf32>,
        %mul3A_841 = arith.mulf %gather3A_840, %exp3A_811 : vector<16xf32>
        tpu.vector_store_idx %arg15[%add3A_55, %broadcast_in_dim3A_839], %mul3A_841 : memref<80x128xf32, #tpu.memory_space<vmem>>[vector<16xi32>, vector<16xi32>], vector<16xf32>,
        %broadcast_in_dim3A_842 = arith.constant 71 : i32
        %broadcast_in_dim3A_843 = vector.broadcast %broadcast_in_dim3A_842 : i32 to vector<16xi32>
        %gather3A_844 = tpu.vector_load_idx %arg15[%add3A_55, %broadcast_in_dim3A_843] : memref<80x128xf32, #tpu.memory_space<vmem>>[vector<16xi32>, vector<16xi32>], vector<16xf32>,
        %mul3A_845 = arith.mulf %gather3A_844, %exp3A_811 : vector<16xf32>
        tpu.vector_store_idx %arg15[%add3A_55, %broadcast_in_dim3A_843], %mul3A_845 : memref<80x128xf32, #tpu.memory_space<vmem>>[vector<16xi32>, vector<16xi32>], vector<16xf32>,
        %broadcast_in_dim3A_846 = arith.constant 72 : i32
        %broadcast_in_dim3A_847 = vector.broadcast %broadcast_in_dim3A_846 : i32 to vector<16xi32>
        %gather3A_848 = tpu.vector_load_idx %arg15[%add3A_55, %broadcast_in_dim3A_847] : memref<80x128xf32, #tpu.memory_space<vmem>>[vector<16xi32>, vector<16xi32>], vector<16xf32>,
        %mul3A_849 = arith.mulf %gather3A_848, %exp3A_811 : vector<16xf32>
        tpu.vector_store_idx %arg15[%add3A_55, %broadcast_in_dim3A_847], %mul3A_849 : memref<80x128xf32, #tpu.memory_space<vmem>>[vector<16xi32>, vector<16xi32>], vector<16xf32>,
        %broadcast_in_dim3A_850 = arith.constant 73 : i32
        %broadcast_in_dim3A_851 = vector.broadcast %broadcast_in_dim3A_850 : i32 to vector<16xi32>
        %gather3A_852 = tpu.vector_load_idx %arg15[%add3A_55, %broadcast_in_dim3A_851] : memref<80x128xf32, #tpu.memory_space<vmem>>[vector<16xi32>, vector<16xi32>], vector<16xf32>,
        %mul3A_853 = arith.mulf %gather3A_852, %exp3A_811 : vector<16xf32>
        tpu.vector_store_idx %arg15[%add3A_55, %broadcast_in_dim3A_851], %mul3A_853 : memref<80x128xf32, #tpu.memory_space<vmem>>[vector<16xi32>, vector<16xi32>], vector<16xf32>,
        %broadcast_in_dim3A_854 = arith.constant 74 : i32
        %broadcast_in_dim3A_855 = vector.broadcast %broadcast_in_dim3A_854 : i32 to vector<16xi32>
        %gather3A_856 = tpu.vector_load_idx %arg15[%add3A_55, %broadcast_in_dim3A_855] : memref<80x128xf32, #tpu.memory_space<vmem>>[vector<16xi32>, vector<16xi32>], vector<16xf32>,
        %mul3A_857 = arith.mulf %gather3A_856, %exp3A_811 : vector<16xf32>
        tpu.vector_store_idx %arg15[%add3A_55, %broadcast_in_dim3A_855], %mul3A_857 : memref<80x128xf32, #tpu.memory_space<vmem>>[vector<16xi32>, vector<16xi32>], vector<16xf32>,
        %broadcast_in_dim3A_858 = arith.constant 75 : i32
        %broadcast_in_dim3A_859 = vector.broadcast %broadcast_in_dim3A_858 : i32 to vector<16xi32>
        %gather3A_860 = tpu.vector_load_idx %arg15[%add3A_55, %broadcast_in_dim3A_859] : memref<80x128xf32, #tpu.memory_space<vmem>>[vector<16xi32>, vector<16xi32>], vector<16xf32>,
        %mul3A_861 = arith.mulf %gather3A_860, %exp3A_811 : vector<16xf32>
        tpu.vector_store_idx %arg15[%add3A_55, %broadcast_in_dim3A_859], %mul3A_861 : memref<80x128xf32, #tpu.memory_space<vmem>>[vector<16xi32>, vector<16xi32>], vector<16xf32>,
        %broadcast_in_dim3A_862 = arith.constant 76 : i32
        %broadcast_in_dim3A_863 = vector.broadcast %broadcast_in_dim3A_862 : i32 to vector<16xi32>
        %gather3A_864 = tpu.vector_load_idx %arg15[%add3A_55, %broadcast_in_dim3A_863] : memref<80x128xf32, #tpu.memory_space<vmem>>[vector<16xi32>, vector<16xi32>], vector<16xf32>,
        %mul3A_865 = arith.mulf %gather3A_864, %exp3A_811 : vector<16xf32>
        tpu.vector_store_idx %arg15[%add3A_55, %broadcast_in_dim3A_863], %mul3A_865 : memref<80x128xf32, #tpu.memory_space<vmem>>[vector<16xi32>, vector<16xi32>], vector<16xf32>,
        %broadcast_in_dim3A_866 = arith.constant 77 : i32
        %broadcast_in_dim3A_867 = vector.broadcast %broadcast_in_dim3A_866 : i32 to vector<16xi32>
        %gather3A_868 = tpu.vector_load_idx %arg15[%add3A_55, %broadcast_in_dim3A_867] : memref<80x128xf32, #tpu.memory_space<vmem>>[vector<16xi32>, vector<16xi32>], vector<16xf32>,
        %mul3A_869 = arith.mulf %gather3A_868, %exp3A_811 : vector<16xf32>
        tpu.vector_store_idx %arg15[%add3A_55, %broadcast_in_dim3A_867], %mul3A_869 : memref<80x128xf32, #tpu.memory_space<vmem>>[vector<16xi32>, vector<16xi32>], vector<16xf32>,
        %broadcast_in_dim3A_870 = arith.constant 78 : i32
        %broadcast_in_dim3A_871 = vector.broadcast %broadcast_in_dim3A_870 : i32 to vector<16xi32>
        %gather3A_872 = tpu.vector_load_idx %arg15[%add3A_55, %broadcast_in_dim3A_871] : memref<80x128xf32, #tpu.memory_space<vmem>>[vector<16xi32>, vector<16xi32>], vector<16xf32>,
        %mul3A_873 = arith.mulf %gather3A_872, %exp3A_811 : vector<16xf32>
        tpu.vector_store_idx %arg15[%add3A_55, %broadcast_in_dim3A_871], %mul3A_873 : memref<80x128xf32, #tpu.memory_space<vmem>>[vector<16xi32>, vector<16xi32>], vector<16xf32>,
        %broadcast_in_dim3A_874 = arith.constant 79 : i32
        %broadcast_in_dim3A_875 = vector.broadcast %broadcast_in_dim3A_874 : i32 to vector<16xi32>
        %gather3A_876 = tpu.vector_load_idx %arg15[%add3A_55, %broadcast_in_dim3A_875] : memref<80x128xf32, #tpu.memory_space<vmem>>[vector<16xi32>, vector<16xi32>], vector<16xf32>,
        %mul3A_877 = arith.mulf %gather3A_876, %exp3A_811 : vector<16xf32>
        tpu.vector_store_idx %arg15[%add3A_55, %broadcast_in_dim3A_875], %mul3A_877 : memref<80x128xf32, #tpu.memory_space<vmem>>[vector<16xi32>, vector<16xi32>], vector<16xf32>,
        %broadcast_in_dim3A_878 = arith.constant 0.000000e+00 : f32
        %broadcast_in_dim3A_879 = vector.broadcast %broadcast_in_dim3A_878 : f32 to vector<16xf32>
        %broadcast_in_dim3A_880 = arith.constant 80 : i32
        %broadcast_in_dim3A_881 = vector.broadcast %broadcast_in_dim3A_880 : i32 to vector<16xi32>
        %gather3A_882 = tpu.vector_load_idx %arg13[%add3A_55, %broadcast_in_dim3A_881] : memref<80x128xf32, #tpu.memory_space<vmem>>[vector<16xi32>, vector<16xi32>], vector<16xf32>,
        %gather3A_883 = tpu.vector_load_idx %arg14[%add3A_55, %broadcast_in_dim3A_881] : memref<80x128xf32, #tpu.memory_space<vmem>>[vector<16xi32>, vector<16xi32>], vector<16xf32>,
        %mul3A_884 = arith.mulf %gather3A_882, %gather3A_883 : vector<16xf32>
        %add3A_885 = arith.addf %broadcast_in_dim3A_879, %mul3A_884 : vector<16xf32>
        %broadcast_in_dim3A_886 = arith.constant 81 : i32
        %broadcast_in_dim3A_887 = vector.broadcast %broadcast_in_dim3A_886 : i32 to vector<16xi32>
        %gather3A_888 = tpu.vector_load_idx %arg13[%add3A_55, %broadcast_in_dim3A_887] : memref<80x128xf32, #tpu.memory_space<vmem>>[vector<16xi32>, vector<16xi32>], vector<16xf32>,
        %gather3A_889 = tpu.vector_load_idx %arg14[%add3A_55, %broadcast_in_dim3A_887] : memref<80x128xf32, #tpu.memory_space<vmem>>[vector<16xi32>, vector<16xi32>], vector<16xf32>,
        %mul3A_890 = arith.mulf %gather3A_888, %gather3A_889 : vector<16xf32>
        %add3A_891 = arith.addf %add3A_885, %mul3A_890 : vector<16xf32>
        %broadcast_in_dim3A_892 = arith.constant 82 : i32
        %broadcast_in_dim3A_893 = vector.broadcast %broadcast_in_dim3A_892 : i32 to vector<16xi32>
        %gather3A_894 = tpu.vector_load_idx %arg13[%add3A_55, %broadcast_in_dim3A_893] : memref<80x128xf32, #tpu.memory_space<vmem>>[vector<16xi32>, vector<16xi32>], vector<16xf32>,
        %gather3A_895 = tpu.vector_load_idx %arg14[%add3A_55, %broadcast_in_dim3A_893] : memref<80x128xf32, #tpu.memory_space<vmem>>[vector<16xi32>, vector<16xi32>], vector<16xf32>,
        %mul3A_896 = arith.mulf %gather3A_894, %gather3A_895 : vector<16xf32>
        %add3A_897 = arith.addf %add3A_891, %mul3A_896 : vector<16xf32>
        %broadcast_in_dim3A_898 = arith.constant 83 : i32
        %broadcast_in_dim3A_899 = vector.broadcast %broadcast_in_dim3A_898 : i32 to vector<16xi32>
        %gather3A_900 = tpu.vector_load_idx %arg13[%add3A_55, %broadcast_in_dim3A_899] : memref<80x128xf32, #tpu.memory_space<vmem>>[vector<16xi32>, vector<16xi32>], vector<16xf32>,
        %gather3A_901 = tpu.vector_load_idx %arg14[%add3A_55, %broadcast_in_dim3A_899] : memref<80x128xf32, #tpu.memory_space<vmem>>[vector<16xi32>, vector<16xi32>], vector<16xf32>,
        %mul3A_902 = arith.mulf %gather3A_900, %gather3A_901 : vector<16xf32>
        %add3A_903 = arith.addf %add3A_897, %mul3A_902 : vector<16xf32>
        %broadcast_in_dim3A_904 = arith.constant 84 : i32
        %broadcast_in_dim3A_905 = vector.broadcast %broadcast_in_dim3A_904 : i32 to vector<16xi32>
        %gather3A_906 = tpu.vector_load_idx %arg13[%add3A_55, %broadcast_in_dim3A_905] : memref<80x128xf32, #tpu.memory_space<vmem>>[vector<16xi32>, vector<16xi32>], vector<16xf32>,
        %gather3A_907 = tpu.vector_load_idx %arg14[%add3A_55, %broadcast_in_dim3A_905] : memref<80x128xf32, #tpu.memory_space<vmem>>[vector<16xi32>, vector<16xi32>], vector<16xf32>,
        %mul3A_908 = arith.mulf %gather3A_906, %gather3A_907 : vector<16xf32>
        %add3A_909 = arith.addf %add3A_903, %mul3A_908 : vector<16xf32>
        %broadcast_in_dim3A_910 = arith.constant 85 : i32
        %broadcast_in_dim3A_911 = vector.broadcast %broadcast_in_dim3A_910 : i32 to vector<16xi32>
        %gather3A_912 = tpu.vector_load_idx %arg13[%add3A_55, %broadcast_in_dim3A_911] : memref<80x128xf32, #tpu.memory_space<vmem>>[vector<16xi32>, vector<16xi32>], vector<16xf32>,
        %gather3A_913 = tpu.vector_load_idx %arg14[%add3A_55, %broadcast_in_dim3A_911] : memref<80x128xf32, #tpu.memory_space<vmem>>[vector<16xi32>, vector<16xi32>], vector<16xf32>,
        %mul3A_914 = arith.mulf %gather3A_912, %gather3A_913 : vector<16xf32>
        %add3A_915 = arith.addf %add3A_909, %mul3A_914 : vector<16xf32>
        %broadcast_in_dim3A_916 = arith.constant 86 : i32
        %broadcast_in_dim3A_917 = vector.broadcast %broadcast_in_dim3A_916 : i32 to vector<16xi32>
        %gather3A_918 = tpu.vector_load_idx %arg13[%add3A_55, %broadcast_in_dim3A_917] : memref<80x128xf32, #tpu.memory_space<vmem>>[vector<16xi32>, vector<16xi32>], vector<16xf32>,
        %gather3A_919 = tpu.vector_load_idx %arg14[%add3A_55, %broadcast_in_dim3A_917] : memref<80x128xf32, #tpu.memory_space<vmem>>[vector<16xi32>, vector<16xi32>], vector<16xf32>,
        %mul3A_920 = arith.mulf %gather3A_918, %gather3A_919 : vector<16xf32>
        %add3A_921 = arith.addf %add3A_915, %mul3A_920 : vector<16xf32>
        %broadcast_in_dim3A_922 = arith.constant 87 : i32
        %broadcast_in_dim3A_923 = vector.broadcast %broadcast_in_dim3A_922 : i32 to vector<16xi32>
        %gather3A_924 = tpu.vector_load_idx %arg13[%add3A_55, %broadcast_in_dim3A_923] : memref<80x128xf32, #tpu.memory_space<vmem>>[vector<16xi32>, vector<16xi32>], vector<16xf32>,
        %gather3A_925 = tpu.vector_load_idx %arg14[%add3A_55, %broadcast_in_dim3A_923] : memref<80x128xf32, #tpu.memory_space<vmem>>[vector<16xi32>, vector<16xi32>], vector<16xf32>,
        %mul3A_926 = arith.mulf %gather3A_924, %gather3A_925 : vector<16xf32>
        %add3A_927 = arith.addf %add3A_921, %mul3A_926 : vector<16xf32>
        %broadcast_in_dim3A_928 = arith.constant 88 : i32
        %broadcast_in_dim3A_929 = vector.broadcast %broadcast_in_dim3A_928 : i32 to vector<16xi32>
        %gather3A_930 = tpu.vector_load_idx %arg13[%add3A_55, %broadcast_in_dim3A_929] : memref<80x128xf32, #tpu.memory_space<vmem>>[vector<16xi32>, vector<16xi32>], vector<16xf32>,
        %gather3A_931 = tpu.vector_load_idx %arg14[%add3A_55, %broadcast_in_dim3A_929] : memref<80x128xf32, #tpu.memory_space<vmem>>[vector<16xi32>, vector<16xi32>], vector<16xf32>,
        %mul3A_932 = arith.mulf %gather3A_930, %gather3A_931 : vector<16xf32>
        %add3A_933 = arith.addf %add3A_927, %mul3A_932 : vector<16xf32>
        %broadcast_in_dim3A_934 = arith.constant 89 : i32
        %broadcast_in_dim3A_935 = vector.broadcast %broadcast_in_dim3A_934 : i32 to vector<16xi32>
        %gather3A_936 = tpu.vector_load_idx %arg13[%add3A_55, %broadcast_in_dim3A_935] : memref<80x128xf32, #tpu.memory_space<vmem>>[vector<16xi32>, vector<16xi32>], vector<16xf32>,
        %gather3A_937 = tpu.vector_load_idx %arg14[%add3A_55, %broadcast_in_dim3A_935] : memref<80x128xf32, #tpu.memory_space<vmem>>[vector<16xi32>, vector<16xi32>], vector<16xf32>,
        %mul3A_938 = arith.mulf %gather3A_936, %gather3A_937 : vector<16xf32>
        %add3A_939 = arith.addf %add3A_933, %mul3A_938 : vector<16xf32>
        %broadcast_in_dim3A_940 = arith.constant 90 : i32
        %broadcast_in_dim3A_941 = vector.broadcast %broadcast_in_dim3A_940 : i32 to vector<16xi32>
        %gather3A_942 = tpu.vector_load_idx %arg13[%add3A_55, %broadcast_in_dim3A_941] : memref<80x128xf32, #tpu.memory_space<vmem>>[vector<16xi32>, vector<16xi32>], vector<16xf32>,
        %gather3A_943 = tpu.vector_load_idx %arg14[%add3A_55, %broadcast_in_dim3A_941] : memref<80x128xf32, #tpu.memory_space<vmem>>[vector<16xi32>, vector<16xi32>], vector<16xf32>,
        %mul3A_944 = arith.mulf %gather3A_942, %gather3A_943 : vector<16xf32>
        %add3A_945 = arith.addf %add3A_939, %mul3A_944 : vector<16xf32>
        %broadcast_in_dim3A_946 = arith.constant 91 : i32
        %broadcast_in_dim3A_947 = vector.broadcast %broadcast_in_dim3A_946 : i32 to vector<16xi32>
        %gather3A_948 = tpu.vector_load_idx %arg13[%add3A_55, %broadcast_in_dim3A_947] : memref<80x128xf32, #tpu.memory_space<vmem>>[vector<16xi32>, vector<16xi32>], vector<16xf32>,
        %gather3A_949 = tpu.vector_load_idx %arg14[%add3A_55, %broadcast_in_dim3A_947] : memref<80x128xf32, #tpu.memory_space<vmem>>[vector<16xi32>, vector<16xi32>], vector<16xf32>,
        %mul3A_950 = arith.mulf %gather3A_948, %gather3A_949 : vector<16xf32>
        %add3A_951 = arith.addf %add3A_945, %mul3A_950 : vector<16xf32>
        %broadcast_in_dim3A_952 = arith.constant 92 : i32
        %broadcast_in_dim3A_953 = vector.broadcast %broadcast_in_dim3A_952 : i32 to vector<16xi32>
        %gather3A_954 = tpu.vector_load_idx %arg13[%add3A_55, %broadcast_in_dim3A_953] : memref<80x128xf32, #tpu.memory_space<vmem>>[vector<16xi32>, vector<16xi32>], vector<16xf32>,
        %gather3A_955 = tpu.vector_load_idx %arg14[%add3A_55, %broadcast_in_dim3A_953] : memref<80x128xf32, #tpu.memory_space<vmem>>[vector<16xi32>, vector<16xi32>], vector<16xf32>,
        %mul3A_956 = arith.mulf %gather3A_954, %gather3A_955 : vector<16xf32>
        %add3A_957 = arith.addf %add3A_951, %mul3A_956 : vector<16xf32>
        %broadcast_in_dim3A_958 = arith.constant 93 : i32
        %broadcast_in_dim3A_959 = vector.broadcast %broadcast_in_dim3A_958 : i32 to vector<16xi32>
        %gather3A_960 = tpu.vector_load_idx %arg13[%add3A_55, %broadcast_in_dim3A_959] : memref<80x128xf32, #tpu.memory_space<vmem>>[vector<16xi32>, vector<16xi32>], vector<16xf32>,
        %gather3A_961 = tpu.vector_load_idx %arg14[%add3A_55, %broadcast_in_dim3A_959] : memref<80x128xf32, #tpu.memory_space<vmem>>[vector<16xi32>, vector<16xi32>], vector<16xf32>,
        %mul3A_962 = arith.mulf %gather3A_960, %gather3A_961 : vector<16xf32>
        %add3A_963 = arith.addf %add3A_957, %mul3A_962 : vector<16xf32>
        %broadcast_in_dim3A_964 = arith.constant 94 : i32
        %broadcast_in_dim3A_965 = vector.broadcast %broadcast_in_dim3A_964 : i32 to vector<16xi32>
        %gather3A_966 = tpu.vector_load_idx %arg13[%add3A_55, %broadcast_in_dim3A_965] : memref<80x128xf32, #tpu.memory_space<vmem>>[vector<16xi32>, vector<16xi32>], vector<16xf32>,
        %gather3A_967 = tpu.vector_load_idx %arg14[%add3A_55, %broadcast_in_dim3A_965] : memref<80x128xf32, #tpu.memory_space<vmem>>[vector<16xi32>, vector<16xi32>], vector<16xf32>,
        %mul3A_968 = arith.mulf %gather3A_966, %gather3A_967 : vector<16xf32>
        %add3A_969 = arith.addf %add3A_963, %mul3A_968 : vector<16xf32>
        %broadcast_in_dim3A_970 = arith.constant 95 : i32
        %broadcast_in_dim3A_971 = vector.broadcast %broadcast_in_dim3A_970 : i32 to vector<16xi32>
        %gather3A_972 = tpu.vector_load_idx %arg13[%add3A_55, %broadcast_in_dim3A_971] : memref<80x128xf32, #tpu.memory_space<vmem>>[vector<16xi32>, vector<16xi32>], vector<16xf32>,
        %gather3A_973 = tpu.vector_load_idx %arg14[%add3A_55, %broadcast_in_dim3A_971] : memref<80x128xf32, #tpu.memory_space<vmem>>[vector<16xi32>, vector<16xi32>], vector<16xf32>,
        %mul3A_974 = arith.mulf %gather3A_972, %gather3A_973 : vector<16xf32>
        %add3A_975 = arith.addf %add3A_969, %mul3A_974 : vector<16xf32>
        %exp3A_976 = math.exp %add3A_975 : vector<16xf32>
        %broadcast_in_dim3A_977 = arith.constant 5 : i32
        %broadcast_in_dim3A_978 = vector.broadcast %broadcast_in_dim3A_977 : i32 to vector<16xi32>
        tpu.vector_store_idx %arg16[%add3A_55, %broadcast_in_dim3A_978], %exp3A_976 : memref<80x8xf32, #tpu.memory_space<vmem>>[vector<16xi32>, vector<16xi32>], vector<16xf32>,
        %broadcast_in_dim3A_979 = arith.constant 80 : i32
        %broadcast_in_dim3A_980 = vector.broadcast %broadcast_in_dim3A_979 : i32 to vector<16xi32>
        %gather3A_981 = tpu.vector_load_idx %arg15[%add3A_55, %broadcast_in_dim3A_980] : memref<80x128xf32, #tpu.memory_space<vmem>>[vector<16xi32>, vector<16xi32>], vector<16xf32>,
        %mul3A_982 = arith.mulf %gather3A_981, %exp3A_976 : vector<16xf32>
        tpu.vector_store_idx %arg15[%add3A_55, %broadcast_in_dim3A_980], %mul3A_982 : memref<80x128xf32, #tpu.memory_space<vmem>>[vector<16xi32>, vector<16xi32>], vector<16xf32>,
        %broadcast_in_dim3A_983 = arith.constant 81 : i32
        %broadcast_in_dim3A_984 = vector.broadcast %broadcast_in_dim3A_983 : i32 to vector<16xi32>
        %gather3A_985 = tpu.vector_load_idx %arg15[%add3A_55, %broadcast_in_dim3A_984] : memref<80x128xf32, #tpu.memory_space<vmem>>[vector<16xi32>, vector<16xi32>], vector<16xf32>,
        %mul3A_986 = arith.mulf %gather3A_985, %exp3A_976 : vector<16xf32>
        tpu.vector_store_idx %arg15[%add3A_55, %broadcast_in_dim3A_984], %mul3A_986 : memref<80x128xf32, #tpu.memory_space<vmem>>[vector<16xi32>, vector<16xi32>], vector<16xf32>,
        %broadcast_in_dim3A_987 = arith.constant 82 : i32
        %broadcast_in_dim3A_988 = vector.broadcast %broadcast_in_dim3A_987 : i32 to vector<16xi32>
        %gather3A_989 = tpu.vector_load_idx %arg15[%add3A_55, %broadcast_in_dim3A_988] : memref<80x128xf32, #tpu.memory_space<vmem>>[vector<16xi32>, vector<16xi32>], vector<16xf32>,
        %mul3A_990 = arith.mulf %gather3A_989, %exp3A_976 : vector<16xf32>
        tpu.vector_store_idx %arg15[%add3A_55, %broadcast_in_dim3A_988], %mul3A_990 : memref<80x128xf32, #tpu.memory_space<vmem>>[vector<16xi32>, vector<16xi32>], vector<16xf32>,
        %broadcast_in_dim3A_991 = arith.constant 83 : i32
        %broadcast_in_dim3A_992 = vector.broadcast %broadcast_in_dim3A_991 : i32 to vector<16xi32>
        %gather3A_993 = tpu.vector_load_idx %arg15[%add3A_55, %broadcast_in_dim3A_992] : memref<80x128xf32, #tpu.memory_space<vmem>>[vector<16xi32>, vector<16xi32>], vector<16xf32>,
        %mul3A_994 = arith.mulf %gather3A_993, %exp3A_976 : vector<16xf32>
        tpu.vector_store_idx %arg15[%add3A_55, %broadcast_in_dim3A_992], %mul3A_994 : memref<80x128xf32, #tpu.memory_space<vmem>>[vector<16xi32>, vector<16xi32>], vector<16xf32>,
        %broadcast_in_dim3A_995 = arith.constant 84 : i32
        %broadcast_in_dim3A_996 = vector.broadcast %broadcast_in_dim3A_995 : i32 to vector<16xi32>
        %gather3A_997 = tpu.vector_load_idx %arg15[%add3A_55, %broadcast_in_dim3A_996] : memref<80x128xf32, #tpu.memory_space<vmem>>[vector<16xi32>, vector<16xi32>], vector<16xf32>,
        %mul3A_998 = arith.mulf %gather3A_997, %exp3A_976 : vector<16xf32>
        tpu.vector_store_idx %arg15[%add3A_55, %broadcast_in_dim3A_996], %mul3A_998 : memref<80x128xf32, #tpu.memory_space<vmem>>[vector<16xi32>, vector<16xi32>], vector<16xf32>,
        %broadcast_in_dim3A_999 = arith.constant 85 : i32
        %broadcast_in_dim3A_1000 = vector.broadcast %broadcast_in_dim3A_999 : i32 to vector<16xi32>
        %gather3A_1001 = tpu.vector_load_idx %arg15[%add3A_55, %broadcast_in_dim3A_1000] : memref<80x128xf32, #tpu.memory_space<vmem>>[vector<16xi32>, vector<16xi32>], vector<16xf32>,
        %mul3A_1002 = arith.mulf %gather3A_1001, %exp3A_976 : vector<16xf32>
        tpu.vector_store_idx %arg15[%add3A_55, %broadcast_in_dim3A_1000], %mul3A_1002 : memref<80x128xf32, #tpu.memory_space<vmem>>[vector<16xi32>, vector<16xi32>], vector<16xf32>,
        %broadcast_in_dim3A_1003 = arith.constant 86 : i32
        %broadcast_in_dim3A_1004 = vector.broadcast %broadcast_in_dim3A_1003 : i32 to vector<16xi32>
        %gather3A_1005 = tpu.vector_load_idx %arg15[%add3A_55, %broadcast_in_dim3A_1004] : memref<80x128xf32, #tpu.memory_space<vmem>>[vector<16xi32>, vector<16xi32>], vector<16xf32>,
        %mul3A_1006 = arith.mulf %gather3A_1005, %exp3A_976 : vector<16xf32>
        tpu.vector_store_idx %arg15[%add3A_55, %broadcast_in_dim3A_1004], %mul3A_1006 : memref<80x128xf32, #tpu.memory_space<vmem>>[vector<16xi32>, vector<16xi32>], vector<16xf32>,
        %broadcast_in_dim3A_1007 = arith.constant 87 : i32
        %broadcast_in_dim3A_1008 = vector.broadcast %broadcast_in_dim3A_1007 : i32 to vector<16xi32>
        %gather3A_1009 = tpu.vector_load_idx %arg15[%add3A_55, %broadcast_in_dim3A_1008] : memref<80x128xf32, #tpu.memory_space<vmem>>[vector<16xi32>, vector<16xi32>], vector<16xf32>,
        %mul3A_1010 = arith.mulf %gather3A_1009, %exp3A_976 : vector<16xf32>
        tpu.vector_store_idx %arg15[%add3A_55, %broadcast_in_dim3A_1008], %mul3A_1010 : memref<80x128xf32, #tpu.memory_space<vmem>>[vector<16xi32>, vector<16xi32>], vector<16xf32>,
        %broadcast_in_dim3A_1011 = arith.constant 88 : i32
        %broadcast_in_dim3A_1012 = vector.broadcast %broadcast_in_dim3A_1011 : i32 to vector<16xi32>
        %gather3A_1013 = tpu.vector_load_idx %arg15[%add3A_55, %broadcast_in_dim3A_1012] : memref<80x128xf32, #tpu.memory_space<vmem>>[vector<16xi32>, vector<16xi32>], vector<16xf32>,
        %mul3A_1014 = arith.mulf %gather3A_1013, %exp3A_976 : vector<16xf32>
        tpu.vector_store_idx %arg15[%add3A_55, %broadcast_in_dim3A_1012], %mul3A_1014 : memref<80x128xf32, #tpu.memory_space<vmem>>[vector<16xi32>, vector<16xi32>], vector<16xf32>,
        %broadcast_in_dim3A_1015 = arith.constant 89 : i32
        %broadcast_in_dim3A_1016 = vector.broadcast %broadcast_in_dim3A_1015 : i32 to vector<16xi32>
        %gather3A_1017 = tpu.vector_load_idx %arg15[%add3A_55, %broadcast_in_dim3A_1016] : memref<80x128xf32, #tpu.memory_space<vmem>>[vector<16xi32>, vector<16xi32>], vector<16xf32>,
        %mul3A_1018 = arith.mulf %gather3A_1017, %exp3A_976 : vector<16xf32>
        tpu.vector_store_idx %arg15[%add3A_55, %broadcast_in_dim3A_1016], %mul3A_1018 : memref<80x128xf32, #tpu.memory_space<vmem>>[vector<16xi32>, vector<16xi32>], vector<16xf32>,
        %broadcast_in_dim3A_1019 = arith.constant 90 : i32
        %broadcast_in_dim3A_1020 = vector.broadcast %broadcast_in_dim3A_1019 : i32 to vector<16xi32>
        %gather3A_1021 = tpu.vector_load_idx %arg15[%add3A_55, %broadcast_in_dim3A_1020] : memref<80x128xf32, #tpu.memory_space<vmem>>[vector<16xi32>, vector<16xi32>], vector<16xf32>,
        %mul3A_1022 = arith.mulf %gather3A_1021, %exp3A_976 : vector<16xf32>
        tpu.vector_store_idx %arg15[%add3A_55, %broadcast_in_dim3A_1020], %mul3A_1022 : memref<80x128xf32, #tpu.memory_space<vmem>>[vector<16xi32>, vector<16xi32>], vector<16xf32>,
        %broadcast_in_dim3A_1023 = arith.constant 91 : i32
        %broadcast_in_dim3A_1024 = vector.broadcast %broadcast_in_dim3A_1023 : i32 to vector<16xi32>
        %gather3A_1025 = tpu.vector_load_idx %arg15[%add3A_55, %broadcast_in_dim3A_1024] : memref<80x128xf32, #tpu.memory_space<vmem>>[vector<16xi32>, vector<16xi32>], vector<16xf32>,
        %mul3A_1026 = arith.mulf %gather3A_1025, %exp3A_976 : vector<16xf32>
        tpu.vector_store_idx %arg15[%add3A_55, %broadcast_in_dim3A_1024], %mul3A_1026 : memref<80x128xf32, #tpu.memory_space<vmem>>[vector<16xi32>, vector<16xi32>], vector<16xf32>,
        %broadcast_in_dim3A_1027 = arith.constant 92 : i32
        %broadcast_in_dim3A_1028 = vector.broadcast %broadcast_in_dim3A_1027 : i32 to vector<16xi32>
        %gather3A_1029 = tpu.vector_load_idx %arg15[%add3A_55, %broadcast_in_dim3A_1028] : memref<80x128xf32, #tpu.memory_space<vmem>>[vector<16xi32>, vector<16xi32>], vector<16xf32>,
        %mul3A_1030 = arith.mulf %gather3A_1029, %exp3A_976 : vector<16xf32>
        tpu.vector_store_idx %arg15[%add3A_55, %broadcast_in_dim3A_1028], %mul3A_1030 : memref<80x128xf32, #tpu.memory_space<vmem>>[vector<16xi32>, vector<16xi32>], vector<16xf32>,
        %broadcast_in_dim3A_1031 = arith.constant 93 : i32
        %broadcast_in_dim3A_1032 = vector.broadcast %broadcast_in_dim3A_1031 : i32 to vector<16xi32>
        %gather3A_1033 = tpu.vector_load_idx %arg15[%add3A_55, %broadcast_in_dim3A_1032] : memref<80x128xf32, #tpu.memory_space<vmem>>[vector<16xi32>, vector<16xi32>], vector<16xf32>,
        %mul3A_1034 = arith.mulf %gather3A_1033, %exp3A_976 : vector<16xf32>
        tpu.vector_store_idx %arg15[%add3A_55, %broadcast_in_dim3A_1032], %mul3A_1034 : memref<80x128xf32, #tpu.memory_space<vmem>>[vector<16xi32>, vector<16xi32>], vector<16xf32>,
        %broadcast_in_dim3A_1035 = arith.constant 94 : i32
        %broadcast_in_dim3A_1036 = vector.broadcast %broadcast_in_dim3A_1035 : i32 to vector<16xi32>
        %gather3A_1037 = tpu.vector_load_idx %arg15[%add3A_55, %broadcast_in_dim3A_1036] : memref<80x128xf32, #tpu.memory_space<vmem>>[vector<16xi32>, vector<16xi32>], vector<16xf32>,
        %mul3A_1038 = arith.mulf %gather3A_1037, %exp3A_976 : vector<16xf32>
        tpu.vector_store_idx %arg15[%add3A_55, %broadcast_in_dim3A_1036], %mul3A_1038 : memref<80x128xf32, #tpu.memory_space<vmem>>[vector<16xi32>, vector<16xi32>], vector<16xf32>,
        %broadcast_in_dim3A_1039 = arith.constant 95 : i32
        %broadcast_in_dim3A_1040 = vector.broadcast %broadcast_in_dim3A_1039 : i32 to vector<16xi32>
        %gather3A_1041 = tpu.vector_load_idx %arg15[%add3A_55, %broadcast_in_dim3A_1040] : memref<80x128xf32, #tpu.memory_space<vmem>>[vector<16xi32>, vector<16xi32>], vector<16xf32>,
        %mul3A_1042 = arith.mulf %gather3A_1041, %exp3A_976 : vector<16xf32>
        tpu.vector_store_idx %arg15[%add3A_55, %broadcast_in_dim3A_1040], %mul3A_1042 : memref<80x128xf32, #tpu.memory_space<vmem>>[vector<16xi32>, vector<16xi32>], vector<16xf32>,
        %broadcast_in_dim3A_1043 = arith.constant 0.000000e+00 : f32
        %broadcast_in_dim3A_1044 = vector.broadcast %broadcast_in_dim3A_1043 : f32 to vector<16xf32>
        %broadcast_in_dim3A_1045 = arith.constant 96 : i32
        %broadcast_in_dim3A_1046 = vector.broadcast %broadcast_in_dim3A_1045 : i32 to vector<16xi32>
        %gather3A_1047 = tpu.vector_load_idx %arg13[%add3A_55, %broadcast_in_dim3A_1046] : memref<80x128xf32, #tpu.memory_space<vmem>>[vector<16xi32>, vector<16xi32>], vector<16xf32>,
        %gather3A_1048 = tpu.vector_load_idx %arg14[%add3A_55, %broadcast_in_dim3A_1046] : memref<80x128xf32, #tpu.memory_space<vmem>>[vector<16xi32>, vector<16xi32>], vector<16xf32>,
        %mul3A_1049 = arith.mulf %gather3A_1047, %gather3A_1048 : vector<16xf32>
        %add3A_1050 = arith.addf %broadcast_in_dim3A_1044, %mul3A_1049 : vector<16xf32>
        %broadcast_in_dim3A_1051 = arith.constant 97 : i32
        %broadcast_in_dim3A_1052 = vector.broadcast %broadcast_in_dim3A_1051 : i32 to vector<16xi32>
        %gather3A_1053 = tpu.vector_load_idx %arg13[%add3A_55, %broadcast_in_dim3A_1052] : memref<80x128xf32, #tpu.memory_space<vmem>>[vector<16xi32>, vector<16xi32>], vector<16xf32>,
        %gather3A_1054 = tpu.vector_load_idx %arg14[%add3A_55, %broadcast_in_dim3A_1052] : memref<80x128xf32, #tpu.memory_space<vmem>>[vector<16xi32>, vector<16xi32>], vector<16xf32>,
        %mul3A_1055 = arith.mulf %gather3A_1053, %gather3A_1054 : vector<16xf32>
        %add3A_1056 = arith.addf %add3A_1050, %mul3A_1055 : vector<16xf32>
        %broadcast_in_dim3A_1057 = arith.constant 98 : i32
        %broadcast_in_dim3A_1058 = vector.broadcast %broadcast_in_dim3A_1057 : i32 to vector<16xi32>
        %gather3A_1059 = tpu.vector_load_idx %arg13[%add3A_55, %broadcast_in_dim3A_1058] : memref<80x128xf32, #tpu.memory_space<vmem>>[vector<16xi32>, vector<16xi32>], vector<16xf32>,
        %gather3A_1060 = tpu.vector_load_idx %arg14[%add3A_55, %broadcast_in_dim3A_1058] : memref<80x128xf32, #tpu.memory_space<vmem>>[vector<16xi32>, vector<16xi32>], vector<16xf32>,
        %mul3A_1061 = arith.mulf %gather3A_1059, %gather3A_1060 : vector<16xf32>
        %add3A_1062 = arith.addf %add3A_1056, %mul3A_1061 : vector<16xf32>
        %broadcast_in_dim3A_1063 = arith.constant 99 : i32
        %broadcast_in_dim3A_1064 = vector.broadcast %broadcast_in_dim3A_1063 : i32 to vector<16xi32>
        %gather3A_1065 = tpu.vector_load_idx %arg13[%add3A_55, %broadcast_in_dim3A_1064] : memref<80x128xf32, #tpu.memory_space<vmem>>[vector<16xi32>, vector<16xi32>], vector<16xf32>,
        %gather3A_1066 = tpu.vector_load_idx %arg14[%add3A_55, %broadcast_in_dim3A_1064] : memref<80x128xf32, #tpu.memory_space<vmem>>[vector<16xi32>, vector<16xi32>], vector<16xf32>,
        %mul3A_1067 = arith.mulf %gather3A_1065, %gather3A_1066 : vector<16xf32>
        %add3A_1068 = arith.addf %add3A_1062, %mul3A_1067 : vector<16xf32>
        %broadcast_in_dim3A_1069 = arith.constant 100 : i32
        %broadcast_in_dim3A_1070 = vector.broadcast %broadcast_in_dim3A_1069 : i32 to vector<16xi32>
        %gather3A_1071 = tpu.vector_load_idx %arg13[%add3A_55, %broadcast_in_dim3A_1070] : memref<80x128xf32, #tpu.memory_space<vmem>>[vector<16xi32>, vector<16xi32>], vector<16xf32>,
        %gather3A_1072 = tpu.vector_load_idx %arg14[%add3A_55, %broadcast_in_dim3A_1070] : memref<80x128xf32, #tpu.memory_space<vmem>>[vector<16xi32>, vector<16xi32>], vector<16xf32>,
        %mul3A_1073 = arith.mulf %gather3A_1071, %gather3A_1072 : vector<16xf32>
        %add3A_1074 = arith.addf %add3A_1068, %mul3A_1073 : vector<16xf32>
        %broadcast_in_dim3A_1075 = arith.constant 101 : i32
        %broadcast_in_dim3A_1076 = vector.broadcast %broadcast_in_dim3A_1075 : i32 to vector<16xi32>
        %gather3A_1077 = tpu.vector_load_idx %arg13[%add3A_55, %broadcast_in_dim3A_1076] : memref<80x128xf32, #tpu.memory_space<vmem>>[vector<16xi32>, vector<16xi32>], vector<16xf32>,
        %gather3A_1078 = tpu.vector_load_idx %arg14[%add3A_55, %broadcast_in_dim3A_1076] : memref<80x128xf32, #tpu.memory_space<vmem>>[vector<16xi32>, vector<16xi32>], vector<16xf32>,
        %mul3A_1079 = arith.mulf %gather3A_1077, %gather3A_1078 : vector<16xf32>
        %add3A_1080 = arith.addf %add3A_1074, %mul3A_1079 : vector<16xf32>
        %broadcast_in_dim3A_1081 = arith.constant 102 : i32
        %broadcast_in_dim3A_1082 = vector.broadcast %broadcast_in_dim3A_1081 : i32 to vector<16xi32>
        %gather3A_1083 = tpu.vector_load_idx %arg13[%add3A_55, %broadcast_in_dim3A_1082] : memref<80x128xf32, #tpu.memory_space<vmem>>[vector<16xi32>, vector<16xi32>], vector<16xf32>,
        %gather3A_1084 = tpu.vector_load_idx %arg14[%add3A_55, %broadcast_in_dim3A_1082] : memref<80x128xf32, #tpu.memory_space<vmem>>[vector<16xi32>, vector<16xi32>], vector<16xf32>,
        %mul3A_1085 = arith.mulf %gather3A_1083, %gather3A_1084 : vector<16xf32>
        %add3A_1086 = arith.addf %add3A_1080, %mul3A_1085 : vector<16xf32>
        %broadcast_in_dim3A_1087 = arith.constant 103 : i32
        %broadcast_in_dim3A_1088 = vector.broadcast %broadcast_in_dim3A_1087 : i32 to vector<16xi32>
        %gather3A_1089 = tpu.vector_load_idx %arg13[%add3A_55, %broadcast_in_dim3A_1088] : memref<80x128xf32, #tpu.memory_space<vmem>>[vector<16xi32>, vector<16xi32>], vector<16xf32>,
        %gather3A_1090 = tpu.vector_load_idx %arg14[%add3A_55, %broadcast_in_dim3A_1088] : memref<80x128xf32, #tpu.memory_space<vmem>>[vector<16xi32>, vector<16xi32>], vector<16xf32>,
        %mul3A_1091 = arith.mulf %gather3A_1089, %gather3A_1090 : vector<16xf32>
        %add3A_1092 = arith.addf %add3A_1086, %mul3A_1091 : vector<16xf32>
        %broadcast_in_dim3A_1093 = arith.constant 104 : i32
        %broadcast_in_dim3A_1094 = vector.broadcast %broadcast_in_dim3A_1093 : i32 to vector<16xi32>
        %gather3A_1095 = tpu.vector_load_idx %arg13[%add3A_55, %broadcast_in_dim3A_1094] : memref<80x128xf32, #tpu.memory_space<vmem>>[vector<16xi32>, vector<16xi32>], vector<16xf32>,
        %gather3A_1096 = tpu.vector_load_idx %arg14[%add3A_55, %broadcast_in_dim3A_1094] : memref<80x128xf32, #tpu.memory_space<vmem>>[vector<16xi32>, vector<16xi32>], vector<16xf32>,
        %mul3A_1097 = arith.mulf %gather3A_1095, %gather3A_1096 : vector<16xf32>
        %add3A_1098 = arith.addf %add3A_1092, %mul3A_1097 : vector<16xf32>
        %broadcast_in_dim3A_1099 = arith.constant 105 : i32
        %broadcast_in_dim3A_1100 = vector.broadcast %broadcast_in_dim3A_1099 : i32 to vector<16xi32>
        %gather3A_1101 = tpu.vector_load_idx %arg13[%add3A_55, %broadcast_in_dim3A_1100] : memref<80x128xf32, #tpu.memory_space<vmem>>[vector<16xi32>, vector<16xi32>], vector<16xf32>,
        %gather3A_1102 = tpu.vector_load_idx %arg14[%add3A_55, %broadcast_in_dim3A_1100] : memref<80x128xf32, #tpu.memory_space<vmem>>[vector<16xi32>, vector<16xi32>], vector<16xf32>,
        %mul3A_1103 = arith.mulf %gather3A_1101, %gather3A_1102 : vector<16xf32>
        %add3A_1104 = arith.addf %add3A_1098, %mul3A_1103 : vector<16xf32>
        %broadcast_in_dim3A_1105 = arith.constant 106 : i32
        %broadcast_in_dim3A_1106 = vector.broadcast %broadcast_in_dim3A_1105 : i32 to vector<16xi32>
        %gather3A_1107 = tpu.vector_load_idx %arg13[%add3A_55, %broadcast_in_dim3A_1106] : memref<80x128xf32, #tpu.memory_space<vmem>>[vector<16xi32>, vector<16xi32>], vector<16xf32>,
        %gather3A_1108 = tpu.vector_load_idx %arg14[%add3A_55, %broadcast_in_dim3A_1106] : memref<80x128xf32, #tpu.memory_space<vmem>>[vector<16xi32>, vector<16xi32>], vector<16xf32>,
        %mul3A_1109 = arith.mulf %gather3A_1107, %gather3A_1108 : vector<16xf32>
        %add3A_1110 = arith.addf %add3A_1104, %mul3A_1109 : vector<16xf32>
        %broadcast_in_dim3A_1111 = arith.constant 107 : i32
        %broadcast_in_dim3A_1112 = vector.broadcast %broadcast_in_dim3A_1111 : i32 to vector<16xi32>
        %gather3A_1113 = tpu.vector_load_idx %arg13[%add3A_55, %broadcast_in_dim3A_1112] : memref<80x128xf32, #tpu.memory_space<vmem>>[vector<16xi32>, vector<16xi32>], vector<16xf32>,
        %gather3A_1114 = tpu.vector_load_idx %arg14[%add3A_55, %broadcast_in_dim3A_1112] : memref<80x128xf32, #tpu.memory_space<vmem>>[vector<16xi32>, vector<16xi32>], vector<16xf32>,
        %mul3A_1115 = arith.mulf %gather3A_1113, %gather3A_1114 : vector<16xf32>
        %add3A_1116 = arith.addf %add3A_1110, %mul3A_1115 : vector<16xf32>
        %broadcast_in_dim3A_1117 = arith.constant 108 : i32
        %broadcast_in_dim3A_1118 = vector.broadcast %broadcast_in_dim3A_1117 : i32 to vector<16xi32>
        %gather3A_1119 = tpu.vector_load_idx %arg13[%add3A_55, %broadcast_in_dim3A_1118] : memref<80x128xf32, #tpu.memory_space<vmem>>[vector<16xi32>, vector<16xi32>], vector<16xf32>,
        %gather3A_1120 = tpu.vector_load_idx %arg14[%add3A_55, %broadcast_in_dim3A_1118] : memref<80x128xf32, #tpu.memory_space<vmem>>[vector<16xi32>, vector<16xi32>], vector<16xf32>,
        %mul3A_1121 = arith.mulf %gather3A_1119, %gather3A_1120 : vector<16xf32>
        %add3A_1122 = arith.addf %add3A_1116, %mul3A_1121 : vector<16xf32>
        %broadcast_in_dim3A_1123 = arith.constant 109 : i32
        %broadcast_in_dim3A_1124 = vector.broadcast %broadcast_in_dim3A_1123 : i32 to vector<16xi32>
        %gather3A_1125 = tpu.vector_load_idx %arg13[%add3A_55, %broadcast_in_dim3A_1124] : memref<80x128xf32, #tpu.memory_space<vmem>>[vector<16xi32>, vector<16xi32>], vector<16xf32>,
        %gather3A_1126 = tpu.vector_load_idx %arg14[%add3A_55, %broadcast_in_dim3A_1124] : memref<80x128xf32, #tpu.memory_space<vmem>>[vector<16xi32>, vector<16xi32>], vector<16xf32>,
        %mul3A_1127 = arith.mulf %gather3A_1125, %gather3A_1126 : vector<16xf32>
        %add3A_1128 = arith.addf %add3A_1122, %mul3A_1127 : vector<16xf32>
        %broadcast_in_dim3A_1129 = arith.constant 110 : i32
        %broadcast_in_dim3A_1130 = vector.broadcast %broadcast_in_dim3A_1129 : i32 to vector<16xi32>
        %gather3A_1131 = tpu.vector_load_idx %arg13[%add3A_55, %broadcast_in_dim3A_1130] : memref<80x128xf32, #tpu.memory_space<vmem>>[vector<16xi32>, vector<16xi32>], vector<16xf32>,
        %gather3A_1132 = tpu.vector_load_idx %arg14[%add3A_55, %broadcast_in_dim3A_1130] : memref<80x128xf32, #tpu.memory_space<vmem>>[vector<16xi32>, vector<16xi32>], vector<16xf32>,
        %mul3A_1133 = arith.mulf %gather3A_1131, %gather3A_1132 : vector<16xf32>
        %add3A_1134 = arith.addf %add3A_1128, %mul3A_1133 : vector<16xf32>
        %broadcast_in_dim3A_1135 = arith.constant 111 : i32
        %broadcast_in_dim3A_1136 = vector.broadcast %broadcast_in_dim3A_1135 : i32 to vector<16xi32>
        %gather3A_1137 = tpu.vector_load_idx %arg13[%add3A_55, %broadcast_in_dim3A_1136] : memref<80x128xf32, #tpu.memory_space<vmem>>[vector<16xi32>, vector<16xi32>], vector<16xf32>,
        %gather3A_1138 = tpu.vector_load_idx %arg14[%add3A_55, %broadcast_in_dim3A_1136] : memref<80x128xf32, #tpu.memory_space<vmem>>[vector<16xi32>, vector<16xi32>], vector<16xf32>,
        %mul3A_1139 = arith.mulf %gather3A_1137, %gather3A_1138 : vector<16xf32>
        %add3A_1140 = arith.addf %add3A_1134, %mul3A_1139 : vector<16xf32>
        %exp3A_1141 = math.exp %add3A_1140 : vector<16xf32>
        %broadcast_in_dim3A_1142 = arith.constant 6 : i32
        %broadcast_in_dim3A_1143 = vector.broadcast %broadcast_in_dim3A_1142 : i32 to vector<16xi32>
        tpu.vector_store_idx %arg16[%add3A_55, %broadcast_in_dim3A_1143], %exp3A_1141 : memref<80x8xf32, #tpu.memory_space<vmem>>[vector<16xi32>, vector<16xi32>], vector<16xf32>,
        %broadcast_in_dim3A_1144 = arith.constant 96 : i32
        %broadcast_in_dim3A_1145 = vector.broadcast %broadcast_in_dim3A_1144 : i32 to vector<16xi32>
        %gather3A_1146 = tpu.vector_load_idx %arg15[%add3A_55, %broadcast_in_dim3A_1145] : memref<80x128xf32, #tpu.memory_space<vmem>>[vector<16xi32>, vector<16xi32>], vector<16xf32>,
        %mul3A_1147 = arith.mulf %gather3A_1146, %exp3A_1141 : vector<16xf32>
        tpu.vector_store_idx %arg15[%add3A_55, %broadcast_in_dim3A_1145], %mul3A_1147 : memref<80x128xf32, #tpu.memory_space<vmem>>[vector<16xi32>, vector<16xi32>], vector<16xf32>,
        %broadcast_in_dim3A_1148 = arith.constant 97 : i32
        %broadcast_in_dim3A_1149 = vector.broadcast %broadcast_in_dim3A_1148 : i32 to vector<16xi32>
        %gather3A_1150 = tpu.vector_load_idx %arg15[%add3A_55, %broadcast_in_dim3A_1149] : memref<80x128xf32, #tpu.memory_space<vmem>>[vector<16xi32>, vector<16xi32>], vector<16xf32>,
        %mul3A_1151 = arith.mulf %gather3A_1150, %exp3A_1141 : vector<16xf32>
        tpu.vector_store_idx %arg15[%add3A_55, %broadcast_in_dim3A_1149], %mul3A_1151 : memref<80x128xf32, #tpu.memory_space<vmem>>[vector<16xi32>, vector<16xi32>], vector<16xf32>,
        %broadcast_in_dim3A_1152 = arith.constant 98 : i32
        %broadcast_in_dim3A_1153 = vector.broadcast %broadcast_in_dim3A_1152 : i32 to vector<16xi32>
        %gather3A_1154 = tpu.vector_load_idx %arg15[%add3A_55, %broadcast_in_dim3A_1153] : memref<80x128xf32, #tpu.memory_space<vmem>>[vector<16xi32>, vector<16xi32>], vector<16xf32>,
        %mul3A_1155 = arith.mulf %gather3A_1154, %exp3A_1141 : vector<16xf32>
        tpu.vector_store_idx %arg15[%add3A_55, %broadcast_in_dim3A_1153], %mul3A_1155 : memref<80x128xf32, #tpu.memory_space<vmem>>[vector<16xi32>, vector<16xi32>], vector<16xf32>,
        %broadcast_in_dim3A_1156 = arith.constant 99 : i32
        %broadcast_in_dim3A_1157 = vector.broadcast %broadcast_in_dim3A_1156 : i32 to vector<16xi32>
        %gather3A_1158 = tpu.vector_load_idx %arg15[%add3A_55, %broadcast_in_dim3A_1157] : memref<80x128xf32, #tpu.memory_space<vmem>>[vector<16xi32>, vector<16xi32>], vector<16xf32>,
        %mul3A_1159 = arith.mulf %gather3A_1158, %exp3A_1141 : vector<16xf32>
        tpu.vector_store_idx %arg15[%add3A_55, %broadcast_in_dim3A_1157], %mul3A_1159 : memref<80x128xf32, #tpu.memory_space<vmem>>[vector<16xi32>, vector<16xi32>], vector<16xf32>,
        %broadcast_in_dim3A_1160 = arith.constant 100 : i32
        %broadcast_in_dim3A_1161 = vector.broadcast %broadcast_in_dim3A_1160 : i32 to vector<16xi32>
        %gather3A_1162 = tpu.vector_load_idx %arg15[%add3A_55, %broadcast_in_dim3A_1161] : memref<80x128xf32, #tpu.memory_space<vmem>>[vector<16xi32>, vector<16xi32>], vector<16xf32>,
        %mul3A_1163 = arith.mulf %gather3A_1162, %exp3A_1141 : vector<16xf32>
        tpu.vector_store_idx %arg15[%add3A_55, %broadcast_in_dim3A_1161], %mul3A_1163 : memref<80x128xf32, #tpu.memory_space<vmem>>[vector<16xi32>, vector<16xi32>], vector<16xf32>,
        %broadcast_in_dim3A_1164 = arith.constant 101 : i32
        %broadcast_in_dim3A_1165 = vector.broadcast %broadcast_in_dim3A_1164 : i32 to vector<16xi32>
        %gather3A_1166 = tpu.vector_load_idx %arg15[%add3A_55, %broadcast_in_dim3A_1165] : memref<80x128xf32, #tpu.memory_space<vmem>>[vector<16xi32>, vector<16xi32>], vector<16xf32>,
        %mul3A_1167 = arith.mulf %gather3A_1166, %exp3A_1141 : vector<16xf32>
        tpu.vector_store_idx %arg15[%add3A_55, %broadcast_in_dim3A_1165], %mul3A_1167 : memref<80x128xf32, #tpu.memory_space<vmem>>[vector<16xi32>, vector<16xi32>], vector<16xf32>,
        %broadcast_in_dim3A_1168 = arith.constant 102 : i32
        %broadcast_in_dim3A_1169 = vector.broadcast %broadcast_in_dim3A_1168 : i32 to vector<16xi32>
        %gather3A_1170 = tpu.vector_load_idx %arg15[%add3A_55, %broadcast_in_dim3A_1169] : memref<80x128xf32, #tpu.memory_space<vmem>>[vector<16xi32>, vector<16xi32>], vector<16xf32>,
        %mul3A_1171 = arith.mulf %gather3A_1170, %exp3A_1141 : vector<16xf32>
        tpu.vector_store_idx %arg15[%add3A_55, %broadcast_in_dim3A_1169], %mul3A_1171 : memref<80x128xf32, #tpu.memory_space<vmem>>[vector<16xi32>, vector<16xi32>], vector<16xf32>,
        %broadcast_in_dim3A_1172 = arith.constant 103 : i32
        %broadcast_in_dim3A_1173 = vector.broadcast %broadcast_in_dim3A_1172 : i32 to vector<16xi32>
        %gather3A_1174 = tpu.vector_load_idx %arg15[%add3A_55, %broadcast_in_dim3A_1173] : memref<80x128xf32, #tpu.memory_space<vmem>>[vector<16xi32>, vector<16xi32>], vector<16xf32>,
        %mul3A_1175 = arith.mulf %gather3A_1174, %exp3A_1141 : vector<16xf32>
        tpu.vector_store_idx %arg15[%add3A_55, %broadcast_in_dim3A_1173], %mul3A_1175 : memref<80x128xf32, #tpu.memory_space<vmem>>[vector<16xi32>, vector<16xi32>], vector<16xf32>,
        %broadcast_in_dim3A_1176 = arith.constant 104 : i32
        %broadcast_in_dim3A_1177 = vector.broadcast %broadcast_in_dim3A_1176 : i32 to vector<16xi32>
        %gather3A_1178 = tpu.vector_load_idx %arg15[%add3A_55, %broadcast_in_dim3A_1177] : memref<80x128xf32, #tpu.memory_space<vmem>>[vector<16xi32>, vector<16xi32>], vector<16xf32>,
        %mul3A_1179 = arith.mulf %gather3A_1178, %exp3A_1141 : vector<16xf32>
        tpu.vector_store_idx %arg15[%add3A_55, %broadcast_in_dim3A_1177], %mul3A_1179 : memref<80x128xf32, #tpu.memory_space<vmem>>[vector<16xi32>, vector<16xi32>], vector<16xf32>,
        %broadcast_in_dim3A_1180 = arith.constant 105 : i32
        %broadcast_in_dim3A_1181 = vector.broadcast %broadcast_in_dim3A_1180 : i32 to vector<16xi32>
        %gather3A_1182 = tpu.vector_load_idx %arg15[%add3A_55, %broadcast_in_dim3A_1181] : memref<80x128xf32, #tpu.memory_space<vmem>>[vector<16xi32>, vector<16xi32>], vector<16xf32>,
        %mul3A_1183 = arith.mulf %gather3A_1182, %exp3A_1141 : vector<16xf32>
        tpu.vector_store_idx %arg15[%add3A_55, %broadcast_in_dim3A_1181], %mul3A_1183 : memref<80x128xf32, #tpu.memory_space<vmem>>[vector<16xi32>, vector<16xi32>], vector<16xf32>,
        %broadcast_in_dim3A_1184 = arith.constant 106 : i32
        %broadcast_in_dim3A_1185 = vector.broadcast %broadcast_in_dim3A_1184 : i32 to vector<16xi32>
        %gather3A_1186 = tpu.vector_load_idx %arg15[%add3A_55, %broadcast_in_dim3A_1185] : memref<80x128xf32, #tpu.memory_space<vmem>>[vector<16xi32>, vector<16xi32>], vector<16xf32>,
        %mul3A_1187 = arith.mulf %gather3A_1186, %exp3A_1141 : vector<16xf32>
        tpu.vector_store_idx %arg15[%add3A_55, %broadcast_in_dim3A_1185], %mul3A_1187 : memref<80x128xf32, #tpu.memory_space<vmem>>[vector<16xi32>, vector<16xi32>], vector<16xf32>,
        %broadcast_in_dim3A_1188 = arith.constant 107 : i32
        %broadcast_in_dim3A_1189 = vector.broadcast %broadcast_in_dim3A_1188 : i32 to vector<16xi32>
        %gather3A_1190 = tpu.vector_load_idx %arg15[%add3A_55, %broadcast_in_dim3A_1189] : memref<80x128xf32, #tpu.memory_space<vmem>>[vector<16xi32>, vector<16xi32>], vector<16xf32>,
        %mul3A_1191 = arith.mulf %gather3A_1190, %exp3A_1141 : vector<16xf32>
        tpu.vector_store_idx %arg15[%add3A_55, %broadcast_in_dim3A_1189], %mul3A_1191 : memref<80x128xf32, #tpu.memory_space<vmem>>[vector<16xi32>, vector<16xi32>], vector<16xf32>,
        %broadcast_in_dim3A_1192 = arith.constant 108 : i32
        %broadcast_in_dim3A_1193 = vector.broadcast %broadcast_in_dim3A_1192 : i32 to vector<16xi32>
        %gather3A_1194 = tpu.vector_load_idx %arg15[%add3A_55, %broadcast_in_dim3A_1193] : memref<80x128xf32, #tpu.memory_space<vmem>>[vector<16xi32>, vector<16xi32>], vector<16xf32>,
        %mul3A_1195 = arith.mulf %gather3A_1194, %exp3A_1141 : vector<16xf32>
        tpu.vector_store_idx %arg15[%add3A_55, %broadcast_in_dim3A_1193], %mul3A_1195 : memref<80x128xf32, #tpu.memory_space<vmem>>[vector<16xi32>, vector<16xi32>], vector<16xf32>,
        %broadcast_in_dim3A_1196 = arith.constant 109 : i32
        %broadcast_in_dim3A_1197 = vector.broadcast %broadcast_in_dim3A_1196 : i32 to vector<16xi32>
        %gather3A_1198 = tpu.vector_load_idx %arg15[%add3A_55, %broadcast_in_dim3A_1197] : memref<80x128xf32, #tpu.memory_space<vmem>>[vector<16xi32>, vector<16xi32>], vector<16xf32>,
        %mul3A_1199 = arith.mulf %gather3A_1198, %exp3A_1141 : vector<16xf32>
        tpu.vector_store_idx %arg15[%add3A_55, %broadcast_in_dim3A_1197], %mul3A_1199 : memref<80x128xf32, #tpu.memory_space<vmem>>[vector<16xi32>, vector<16xi32>], vector<16xf32>,
        %broadcast_in_dim3A_1200 = arith.constant 110 : i32
        %broadcast_in_dim3A_1201 = vector.broadcast %broadcast_in_dim3A_1200 : i32 to vector<16xi32>
        %gather3A_1202 = tpu.vector_load_idx %arg15[%add3A_55, %broadcast_in_dim3A_1201] : memref<80x128xf32, #tpu.memory_space<vmem>>[vector<16xi32>, vector<16xi32>], vector<16xf32>,
        %mul3A_1203 = arith.mulf %gather3A_1202, %exp3A_1141 : vector<16xf32>
        tpu.vector_store_idx %arg15[%add3A_55, %broadcast_in_dim3A_1201], %mul3A_1203 : memref<80x128xf32, #tpu.memory_space<vmem>>[vector<16xi32>, vector<16xi32>], vector<16xf32>,
        %broadcast_in_dim3A_1204 = arith.constant 111 : i32
        %broadcast_in_dim3A_1205 = vector.broadcast %broadcast_in_dim3A_1204 : i32 to vector<16xi32>
        %gather3A_1206 = tpu.vector_load_idx %arg15[%add3A_55, %broadcast_in_dim3A_1205] : memref<80x128xf32, #tpu.memory_space<vmem>>[vector<16xi32>, vector<16xi32>], vector<16xf32>,
        %mul3A_1207 = arith.mulf %gather3A_1206, %exp3A_1141 : vector<16xf32>
        tpu.vector_store_idx %arg15[%add3A_55, %broadcast_in_dim3A_1205], %mul3A_1207 : memref<80x128xf32, #tpu.memory_space<vmem>>[vector<16xi32>, vector<16xi32>], vector<16xf32>,
        %broadcast_in_dim3A_1208 = arith.constant 0.000000e+00 : f32
        %broadcast_in_dim3A_1209 = vector.broadcast %broadcast_in_dim3A_1208 : f32 to vector<16xf32>
        %broadcast_in_dim3A_1210 = arith.constant 112 : i32
        %broadcast_in_dim3A_1211 = vector.broadcast %broadcast_in_dim3A_1210 : i32 to vector<16xi32>
        %gather3A_1212 = tpu.vector_load_idx %arg13[%add3A_55, %broadcast_in_dim3A_1211] : memref<80x128xf32, #tpu.memory_space<vmem>>[vector<16xi32>, vector<16xi32>], vector<16xf32>,
        %gather3A_1213 = tpu.vector_load_idx %arg14[%add3A_55, %broadcast_in_dim3A_1211] : memref<80x128xf32, #tpu.memory_space<vmem>>[vector<16xi32>, vector<16xi32>], vector<16xf32>,
        %mul3A_1214 = arith.mulf %gather3A_1212, %gather3A_1213 : vector<16xf32>
        %add3A_1215 = arith.addf %broadcast_in_dim3A_1209, %mul3A_1214 : vector<16xf32>
        %broadcast_in_dim3A_1216 = arith.constant 113 : i32
        %broadcast_in_dim3A_1217 = vector.broadcast %broadcast_in_dim3A_1216 : i32 to vector<16xi32>
        %gather3A_1218 = tpu.vector_load_idx %arg13[%add3A_55, %broadcast_in_dim3A_1217] : memref<80x128xf32, #tpu.memory_space<vmem>>[vector<16xi32>, vector<16xi32>], vector<16xf32>,
        %gather3A_1219 = tpu.vector_load_idx %arg14[%add3A_55, %broadcast_in_dim3A_1217] : memref<80x128xf32, #tpu.memory_space<vmem>>[vector<16xi32>, vector<16xi32>], vector<16xf32>,
        %mul3A_1220 = arith.mulf %gather3A_1218, %gather3A_1219 : vector<16xf32>
        %add3A_1221 = arith.addf %add3A_1215, %mul3A_1220 : vector<16xf32>
        %broadcast_in_dim3A_1222 = arith.constant 114 : i32
        %broadcast_in_dim3A_1223 = vector.broadcast %broadcast_in_dim3A_1222 : i32 to vector<16xi32>
        %gather3A_1224 = tpu.vector_load_idx %arg13[%add3A_55, %broadcast_in_dim3A_1223] : memref<80x128xf32, #tpu.memory_space<vmem>>[vector<16xi32>, vector<16xi32>], vector<16xf32>,
        %gather3A_1225 = tpu.vector_load_idx %arg14[%add3A_55, %broadcast_in_dim3A_1223] : memref<80x128xf32, #tpu.memory_space<vmem>>[vector<16xi32>, vector<16xi32>], vector<16xf32>,
        %mul3A_1226 = arith.mulf %gather3A_1224, %gather3A_1225 : vector<16xf32>
        %add3A_1227 = arith.addf %add3A_1221, %mul3A_1226 : vector<16xf32>
        %broadcast_in_dim3A_1228 = arith.constant 115 : i32
        %broadcast_in_dim3A_1229 = vector.broadcast %broadcast_in_dim3A_1228 : i32 to vector<16xi32>
        %gather3A_1230 = tpu.vector_load_idx %arg13[%add3A_55, %broadcast_in_dim3A_1229] : memref<80x128xf32, #tpu.memory_space<vmem>>[vector<16xi32>, vector<16xi32>], vector<16xf32>,
        %gather3A_1231 = tpu.vector_load_idx %arg14[%add3A_55, %broadcast_in_dim3A_1229] : memref<80x128xf32, #tpu.memory_space<vmem>>[vector<16xi32>, vector<16xi32>], vector<16xf32>,
        %mul3A_1232 = arith.mulf %gather3A_1230, %gather3A_1231 : vector<16xf32>
        %add3A_1233 = arith.addf %add3A_1227, %mul3A_1232 : vector<16xf32>
        %broadcast_in_dim3A_1234 = arith.constant 116 : i32
        %broadcast_in_dim3A_1235 = vector.broadcast %broadcast_in_dim3A_1234 : i32 to vector<16xi32>
        %gather3A_1236 = tpu.vector_load_idx %arg13[%add3A_55, %broadcast_in_dim3A_1235] : memref<80x128xf32, #tpu.memory_space<vmem>>[vector<16xi32>, vector<16xi32>], vector<16xf32>,
        %gather3A_1237 = tpu.vector_load_idx %arg14[%add3A_55, %broadcast_in_dim3A_1235] : memref<80x128xf32, #tpu.memory_space<vmem>>[vector<16xi32>, vector<16xi32>], vector<16xf32>,
        %mul3A_1238 = arith.mulf %gather3A_1236, %gather3A_1237 : vector<16xf32>
        %add3A_1239 = arith.addf %add3A_1233, %mul3A_1238 : vector<16xf32>
        %broadcast_in_dim3A_1240 = arith.constant 117 : i32
        %broadcast_in_dim3A_1241 = vector.broadcast %broadcast_in_dim3A_1240 : i32 to vector<16xi32>
        %gather3A_1242 = tpu.vector_load_idx %arg13[%add3A_55, %broadcast_in_dim3A_1241] : memref<80x128xf32, #tpu.memory_space<vmem>>[vector<16xi32>, vector<16xi32>], vector<16xf32>,
        %gather3A_1243 = tpu.vector_load_idx %arg14[%add3A_55, %broadcast_in_dim3A_1241] : memref<80x128xf32, #tpu.memory_space<vmem>>[vector<16xi32>, vector<16xi32>], vector<16xf32>,
        %mul3A_1244 = arith.mulf %gather3A_1242, %gather3A_1243 : vector<16xf32>
        %add3A_1245 = arith.addf %add3A_1239, %mul3A_1244 : vector<16xf32>
        %broadcast_in_dim3A_1246 = arith.constant 118 : i32
        %broadcast_in_dim3A_1247 = vector.broadcast %broadcast_in_dim3A_1246 : i32 to vector<16xi32>
        %gather3A_1248 = tpu.vector_load_idx %arg13[%add3A_55, %broadcast_in_dim3A_1247] : memref<80x128xf32, #tpu.memory_space<vmem>>[vector<16xi32>, vector<16xi32>], vector<16xf32>,
        %gather3A_1249 = tpu.vector_load_idx %arg14[%add3A_55, %broadcast_in_dim3A_1247] : memref<80x128xf32, #tpu.memory_space<vmem>>[vector<16xi32>, vector<16xi32>], vector<16xf32>,
        %mul3A_1250 = arith.mulf %gather3A_1248, %gather3A_1249 : vector<16xf32>
        %add3A_1251 = arith.addf %add3A_1245, %mul3A_1250 : vector<16xf32>
        %broadcast_in_dim3A_1252 = arith.constant 119 : i32
        %broadcast_in_dim3A_1253 = vector.broadcast %broadcast_in_dim3A_1252 : i32 to vector<16xi32>
        %gather3A_1254 = tpu.vector_load_idx %arg13[%add3A_55, %broadcast_in_dim3A_1253] : memref<80x128xf32, #tpu.memory_space<vmem>>[vector<16xi32>, vector<16xi32>], vector<16xf32>,
        %gather3A_1255 = tpu.vector_load_idx %arg14[%add3A_55, %broadcast_in_dim3A_1253] : memref<80x128xf32, #tpu.memory_space<vmem>>[vector<16xi32>, vector<16xi32>], vector<16xf32>,
        %mul3A_1256 = arith.mulf %gather3A_1254, %gather3A_1255 : vector<16xf32>
        %add3A_1257 = arith.addf %add3A_1251, %mul3A_1256 : vector<16xf32>
        %broadcast_in_dim3A_1258 = arith.constant 120 : i32
        %broadcast_in_dim3A_1259 = vector.broadcast %broadcast_in_dim3A_1258 : i32 to vector<16xi32>
        %gather3A_1260 = tpu.vector_load_idx %arg13[%add3A_55, %broadcast_in_dim3A_1259] : memref<80x128xf32, #tpu.memory_space<vmem>>[vector<16xi32>, vector<16xi32>], vector<16xf32>,
        %gather3A_1261 = tpu.vector_load_idx %arg14[%add3A_55, %broadcast_in_dim3A_1259] : memref<80x128xf32, #tpu.memory_space<vmem>>[vector<16xi32>, vector<16xi32>], vector<16xf32>,
        %mul3A_1262 = arith.mulf %gather3A_1260, %gather3A_1261 : vector<16xf32>
        %add3A_1263 = arith.addf %add3A_1257, %mul3A_1262 : vector<16xf32>
        %broadcast_in_dim3A_1264 = arith.constant 121 : i32
        %broadcast_in_dim3A_1265 = vector.broadcast %broadcast_in_dim3A_1264 : i32 to vector<16xi32>
        %gather3A_1266 = tpu.vector_load_idx %arg13[%add3A_55, %broadcast_in_dim3A_1265] : memref<80x128xf32, #tpu.memory_space<vmem>>[vector<16xi32>, vector<16xi32>], vector<16xf32>,
        %gather3A_1267 = tpu.vector_load_idx %arg14[%add3A_55, %broadcast_in_dim3A_1265] : memref<80x128xf32, #tpu.memory_space<vmem>>[vector<16xi32>, vector<16xi32>], vector<16xf32>,
        %mul3A_1268 = arith.mulf %gather3A_1266, %gather3A_1267 : vector<16xf32>
        %add3A_1269 = arith.addf %add3A_1263, %mul3A_1268 : vector<16xf32>
        %broadcast_in_dim3A_1270 = arith.constant 122 : i32
        %broadcast_in_dim3A_1271 = vector.broadcast %broadcast_in_dim3A_1270 : i32 to vector<16xi32>
        %gather3A_1272 = tpu.vector_load_idx %arg13[%add3A_55, %broadcast_in_dim3A_1271] : memref<80x128xf32, #tpu.memory_space<vmem>>[vector<16xi32>, vector<16xi32>], vector<16xf32>,
        %gather3A_1273 = tpu.vector_load_idx %arg14[%add3A_55, %broadcast_in_dim3A_1271] : memref<80x128xf32, #tpu.memory_space<vmem>>[vector<16xi32>, vector<16xi32>], vector<16xf32>,
        %mul3A_1274 = arith.mulf %gather3A_1272, %gather3A_1273 : vector<16xf32>
        %add3A_1275 = arith.addf %add3A_1269, %mul3A_1274 : vector<16xf32>
        %broadcast_in_dim3A_1276 = arith.constant 123 : i32
        %broadcast_in_dim3A_1277 = vector.broadcast %broadcast_in_dim3A_1276 : i32 to vector<16xi32>
        %gather3A_1278 = tpu.vector_load_idx %arg13[%add3A_55, %broadcast_in_dim3A_1277] : memref<80x128xf32, #tpu.memory_space<vmem>>[vector<16xi32>, vector<16xi32>], vector<16xf32>,
        %gather3A_1279 = tpu.vector_load_idx %arg14[%add3A_55, %broadcast_in_dim3A_1277] : memref<80x128xf32, #tpu.memory_space<vmem>>[vector<16xi32>, vector<16xi32>], vector<16xf32>,
        %mul3A_1280 = arith.mulf %gather3A_1278, %gather3A_1279 : vector<16xf32>
        %add3A_1281 = arith.addf %add3A_1275, %mul3A_1280 : vector<16xf32>
        %broadcast_in_dim3A_1282 = arith.constant 124 : i32
        %broadcast_in_dim3A_1283 = vector.broadcast %broadcast_in_dim3A_1282 : i32 to vector<16xi32>
        %gather3A_1284 = tpu.vector_load_idx %arg13[%add3A_55, %broadcast_in_dim3A_1283] : memref<80x128xf32, #tpu.memory_space<vmem>>[vector<16xi32>, vector<16xi32>], vector<16xf32>,
        %gather3A_1285 = tpu.vector_load_idx %arg14[%add3A_55, %broadcast_in_dim3A_1283] : memref<80x128xf32, #tpu.memory_space<vmem>>[vector<16xi32>, vector<16xi32>], vector<16xf32>,
        %mul3A_1286 = arith.mulf %gather3A_1284, %gather3A_1285 : vector<16xf32>
        %add3A_1287 = arith.addf %add3A_1281, %mul3A_1286 : vector<16xf32>
        %broadcast_in_dim3A_1288 = arith.constant 125 : i32
        %broadcast_in_dim3A_1289 = vector.broadcast %broadcast_in_dim3A_1288 : i32 to vector<16xi32>
        %gather3A_1290 = tpu.vector_load_idx %arg13[%add3A_55, %broadcast_in_dim3A_1289] : memref<80x128xf32, #tpu.memory_space<vmem>>[vector<16xi32>, vector<16xi32>], vector<16xf32>,
        %gather3A_1291 = tpu.vector_load_idx %arg14[%add3A_55, %broadcast_in_dim3A_1289] : memref<80x128xf32, #tpu.memory_space<vmem>>[vector<16xi32>, vector<16xi32>], vector<16xf32>,
        %mul3A_1292 = arith.mulf %gather3A_1290, %gather3A_1291 : vector<16xf32>
        %add3A_1293 = arith.addf %add3A_1287, %mul3A_1292 : vector<16xf32>
        %broadcast_in_dim3A_1294 = arith.constant 126 : i32
        %broadcast_in_dim3A_1295 = vector.broadcast %broadcast_in_dim3A_1294 : i32 to vector<16xi32>
        %gather3A_1296 = tpu.vector_load_idx %arg13[%add3A_55, %broadcast_in_dim3A_1295] : memref<80x128xf32, #tpu.memory_space<vmem>>[vector<16xi32>, vector<16xi32>], vector<16xf32>,
        %gather3A_1297 = tpu.vector_load_idx %arg14[%add3A_55, %broadcast_in_dim3A_1295] : memref<80x128xf32, #tpu.memory_space<vmem>>[vector<16xi32>, vector<16xi32>], vector<16xf32>,
        %mul3A_1298 = arith.mulf %gather3A_1296, %gather3A_1297 : vector<16xf32>
        %add3A_1299 = arith.addf %add3A_1293, %mul3A_1298 : vector<16xf32>
        %broadcast_in_dim3A_1300 = arith.constant 127 : i32
        %broadcast_in_dim3A_1301 = vector.broadcast %broadcast_in_dim3A_1300 : i32 to vector<16xi32>
        %gather3A_1302 = tpu.vector_load_idx %arg13[%add3A_55, %broadcast_in_dim3A_1301] : memref<80x128xf32, #tpu.memory_space<vmem>>[vector<16xi32>, vector<16xi32>], vector<16xf32>,
        %gather3A_1303 = tpu.vector_load_idx %arg14[%add3A_55, %broadcast_in_dim3A_1301] : memref<80x128xf32, #tpu.memory_space<vmem>>[vector<16xi32>, vector<16xi32>], vector<16xf32>,
        %mul3A_1304 = arith.mulf %gather3A_1302, %gather3A_1303 : vector<16xf32>
        %add3A_1305 = arith.addf %add3A_1299, %mul3A_1304 : vector<16xf32>
        %exp3A_1306 = math.exp %add3A_1305 : vector<16xf32>
        %broadcast_in_dim3A_1307 = arith.constant 7 : i32
        %broadcast_in_dim3A_1308 = vector.broadcast %broadcast_in_dim3A_1307 : i32 to vector<16xi32>
        tpu.vector_store_idx %arg16[%add3A_55, %broadcast_in_dim3A_1308], %exp3A_1306 : memref<80x8xf32, #tpu.memory_space<vmem>>[vector<16xi32>, vector<16xi32>], vector<16xf32>,
        %broadcast_in_dim3A_1309 = arith.constant 112 : i32
        %broadcast_in_dim3A_1310 = vector.broadcast %broadcast_in_dim3A_1309 : i32 to vector<16xi32>
        %gather3A_1311 = tpu.vector_load_idx %arg15[%add3A_55, %broadcast_in_dim3A_1310] : memref<80x128xf32, #tpu.memory_space<vmem>>[vector<16xi32>, vector<16xi32>], vector<16xf32>,
        %mul3A_1312 = arith.mulf %gather3A_1311, %exp3A_1306 : vector<16xf32>
        tpu.vector_store_idx %arg15[%add3A_55, %broadcast_in_dim3A_1310], %mul3A_1312 : memref<80x128xf32, #tpu.memory_space<vmem>>[vector<16xi32>, vector<16xi32>], vector<16xf32>,
        %broadcast_in_dim3A_1313 = arith.constant 113 : i32
        %broadcast_in_dim3A_1314 = vector.broadcast %broadcast_in_dim3A_1313 : i32 to vector<16xi32>
        %gather3A_1315 = tpu.vector_load_idx %arg15[%add3A_55, %broadcast_in_dim3A_1314] : memref<80x128xf32, #tpu.memory_space<vmem>>[vector<16xi32>, vector<16xi32>], vector<16xf32>,
        %mul3A_1316 = arith.mulf %gather3A_1315, %exp3A_1306 : vector<16xf32>
        tpu.vector_store_idx %arg15[%add3A_55, %broadcast_in_dim3A_1314], %mul3A_1316 : memref<80x128xf32, #tpu.memory_space<vmem>>[vector<16xi32>, vector<16xi32>], vector<16xf32>,
        %broadcast_in_dim3A_1317 = arith.constant 114 : i32
        %broadcast_in_dim3A_1318 = vector.broadcast %broadcast_in_dim3A_1317 : i32 to vector<16xi32>
        %gather3A_1319 = tpu.vector_load_idx %arg15[%add3A_55, %broadcast_in_dim3A_1318] : memref<80x128xf32, #tpu.memory_space<vmem>>[vector<16xi32>, vector<16xi32>], vector<16xf32>,
        %mul3A_1320 = arith.mulf %gather3A_1319, %exp3A_1306 : vector<16xf32>
        tpu.vector_store_idx %arg15[%add3A_55, %broadcast_in_dim3A_1318], %mul3A_1320 : memref<80x128xf32, #tpu.memory_space<vmem>>[vector<16xi32>, vector<16xi32>], vector<16xf32>,
        %broadcast_in_dim3A_1321 = arith.constant 115 : i32
        %broadcast_in_dim3A_1322 = vector.broadcast %broadcast_in_dim3A_1321 : i32 to vector<16xi32>
        %gather3A_1323 = tpu.vector_load_idx %arg15[%add3A_55, %broadcast_in_dim3A_1322] : memref<80x128xf32, #tpu.memory_space<vmem>>[vector<16xi32>, vector<16xi32>], vector<16xf32>,
        %mul3A_1324 = arith.mulf %gather3A_1323, %exp3A_1306 : vector<16xf32>
        tpu.vector_store_idx %arg15[%add3A_55, %broadcast_in_dim3A_1322], %mul3A_1324 : memref<80x128xf32, #tpu.memory_space<vmem>>[vector<16xi32>, vector<16xi32>], vector<16xf32>,
        %broadcast_in_dim3A_1325 = arith.constant 116 : i32
        %broadcast_in_dim3A_1326 = vector.broadcast %broadcast_in_dim3A_1325 : i32 to vector<16xi32>
        %gather3A_1327 = tpu.vector_load_idx %arg15[%add3A_55, %broadcast_in_dim3A_1326] : memref<80x128xf32, #tpu.memory_space<vmem>>[vector<16xi32>, vector<16xi32>], vector<16xf32>,
        %mul3A_1328 = arith.mulf %gather3A_1327, %exp3A_1306 : vector<16xf32>
        tpu.vector_store_idx %arg15[%add3A_55, %broadcast_in_dim3A_1326], %mul3A_1328 : memref<80x128xf32, #tpu.memory_space<vmem>>[vector<16xi32>, vector<16xi32>], vector<16xf32>,
        %broadcast_in_dim3A_1329 = arith.constant 117 : i32
        %broadcast_in_dim3A_1330 = vector.broadcast %broadcast_in_dim3A_1329 : i32 to vector<16xi32>
        %gather3A_1331 = tpu.vector_load_idx %arg15[%add3A_55, %broadcast_in_dim3A_1330] : memref<80x128xf32, #tpu.memory_space<vmem>>[vector<16xi32>, vector<16xi32>], vector<16xf32>,
        %mul3A_1332 = arith.mulf %gather3A_1331, %exp3A_1306 : vector<16xf32>
        tpu.vector_store_idx %arg15[%add3A_55, %broadcast_in_dim3A_1330], %mul3A_1332 : memref<80x128xf32, #tpu.memory_space<vmem>>[vector<16xi32>, vector<16xi32>], vector<16xf32>,
        %broadcast_in_dim3A_1333 = arith.constant 118 : i32
        %broadcast_in_dim3A_1334 = vector.broadcast %broadcast_in_dim3A_1333 : i32 to vector<16xi32>
        %gather3A_1335 = tpu.vector_load_idx %arg15[%add3A_55, %broadcast_in_dim3A_1334] : memref<80x128xf32, #tpu.memory_space<vmem>>[vector<16xi32>, vector<16xi32>], vector<16xf32>,
        %mul3A_1336 = arith.mulf %gather3A_1335, %exp3A_1306 : vector<16xf32>
        tpu.vector_store_idx %arg15[%add3A_55, %broadcast_in_dim3A_1334], %mul3A_1336 : memref<80x128xf32, #tpu.memory_space<vmem>>[vector<16xi32>, vector<16xi32>], vector<16xf32>,
        %broadcast_in_dim3A_1337 = arith.constant 119 : i32
        %broadcast_in_dim3A_1338 = vector.broadcast %broadcast_in_dim3A_1337 : i32 to vector<16xi32>
        %gather3A_1339 = tpu.vector_load_idx %arg15[%add3A_55, %broadcast_in_dim3A_1338] : memref<80x128xf32, #tpu.memory_space<vmem>>[vector<16xi32>, vector<16xi32>], vector<16xf32>,
        %mul3A_1340 = arith.mulf %gather3A_1339, %exp3A_1306 : vector<16xf32>
        tpu.vector_store_idx %arg15[%add3A_55, %broadcast_in_dim3A_1338], %mul3A_1340 : memref<80x128xf32, #tpu.memory_space<vmem>>[vector<16xi32>, vector<16xi32>], vector<16xf32>,
        %broadcast_in_dim3A_1341 = arith.constant 120 : i32
        %broadcast_in_dim3A_1342 = vector.broadcast %broadcast_in_dim3A_1341 : i32 to vector<16xi32>
        %gather3A_1343 = tpu.vector_load_idx %arg15[%add3A_55, %broadcast_in_dim3A_1342] : memref<80x128xf32, #tpu.memory_space<vmem>>[vector<16xi32>, vector<16xi32>], vector<16xf32>,
        %mul3A_1344 = arith.mulf %gather3A_1343, %exp3A_1306 : vector<16xf32>
        tpu.vector_store_idx %arg15[%add3A_55, %broadcast_in_dim3A_1342], %mul3A_1344 : memref<80x128xf32, #tpu.memory_space<vmem>>[vector<16xi32>, vector<16xi32>], vector<16xf32>,
        %broadcast_in_dim3A_1345 = arith.constant 121 : i32
        %broadcast_in_dim3A_1346 = vector.broadcast %broadcast_in_dim3A_1345 : i32 to vector<16xi32>
        %gather3A_1347 = tpu.vector_load_idx %arg15[%add3A_55, %broadcast_in_dim3A_1346] : memref<80x128xf32, #tpu.memory_space<vmem>>[vector<16xi32>, vector<16xi32>], vector<16xf32>,
        %mul3A_1348 = arith.mulf %gather3A_1347, %exp3A_1306 : vector<16xf32>
        tpu.vector_store_idx %arg15[%add3A_55, %broadcast_in_dim3A_1346], %mul3A_1348 : memref<80x128xf32, #tpu.memory_space<vmem>>[vector<16xi32>, vector<16xi32>], vector<16xf32>,
        %broadcast_in_dim3A_1349 = arith.constant 122 : i32
        %broadcast_in_dim3A_1350 = vector.broadcast %broadcast_in_dim3A_1349 : i32 to vector<16xi32>
        %gather3A_1351 = tpu.vector_load_idx %arg15[%add3A_55, %broadcast_in_dim3A_1350] : memref<80x128xf32, #tpu.memory_space<vmem>>[vector<16xi32>, vector<16xi32>], vector<16xf32>,
        %mul3A_1352 = arith.mulf %gather3A_1351, %exp3A_1306 : vector<16xf32>
        tpu.vector_store_idx %arg15[%add3A_55, %broadcast_in_dim3A_1350], %mul3A_1352 : memref<80x128xf32, #tpu.memory_space<vmem>>[vector<16xi32>, vector<16xi32>], vector<16xf32>,
        %broadcast_in_dim3A_1353 = arith.constant 123 : i32
        %broadcast_in_dim3A_1354 = vector.broadcast %broadcast_in_dim3A_1353 : i32 to vector<16xi32>
        %gather3A_1355 = tpu.vector_load_idx %arg15[%add3A_55, %broadcast_in_dim3A_1354] : memref<80x128xf32, #tpu.memory_space<vmem>>[vector<16xi32>, vector<16xi32>], vector<16xf32>,
        %mul3A_1356 = arith.mulf %gather3A_1355, %exp3A_1306 : vector<16xf32>
        tpu.vector_store_idx %arg15[%add3A_55, %broadcast_in_dim3A_1354], %mul3A_1356 : memref<80x128xf32, #tpu.memory_space<vmem>>[vector<16xi32>, vector<16xi32>], vector<16xf32>,
        %broadcast_in_dim3A_1357 = arith.constant 124 : i32
        %broadcast_in_dim3A_1358 = vector.broadcast %broadcast_in_dim3A_1357 : i32 to vector<16xi32>
        %gather3A_1359 = tpu.vector_load_idx %arg15[%add3A_55, %broadcast_in_dim3A_1358] : memref<80x128xf32, #tpu.memory_space<vmem>>[vector<16xi32>, vector<16xi32>], vector<16xf32>,
        %mul3A_1360 = arith.mulf %gather3A_1359, %exp3A_1306 : vector<16xf32>
        tpu.vector_store_idx %arg15[%add3A_55, %broadcast_in_dim3A_1358], %mul3A_1360 : memref<80x128xf32, #tpu.memory_space<vmem>>[vector<16xi32>, vector<16xi32>], vector<16xf32>,
        %broadcast_in_dim3A_1361 = arith.constant 125 : i32
        %broadcast_in_dim3A_1362 = vector.broadcast %broadcast_in_dim3A_1361 : i32 to vector<16xi32>
        %gather3A_1363 = tpu.vector_load_idx %arg15[%add3A_55, %broadcast_in_dim3A_1362] : memref<80x128xf32, #tpu.memory_space<vmem>>[vector<16xi32>, vector<16xi32>], vector<16xf32>,
        %mul3A_1364 = arith.mulf %gather3A_1363, %exp3A_1306 : vector<16xf32>
        tpu.vector_store_idx %arg15[%add3A_55, %broadcast_in_dim3A_1362], %mul3A_1364 : memref<80x128xf32, #tpu.memory_space<vmem>>[vector<16xi32>, vector<16xi32>], vector<16xf32>,
        %broadcast_in_dim3A_1365 = arith.constant 126 : i32
        %broadcast_in_dim3A_1366 = vector.broadcast %broadcast_in_dim3A_1365 : i32 to vector<16xi32>
        %gather3A_1367 = tpu.vector_load_idx %arg15[%add3A_55, %broadcast_in_dim3A_1366] : memref<80x128xf32, #tpu.memory_space<vmem>>[vector<16xi32>, vector<16xi32>], vector<16xf32>,
        %mul3A_1368 = arith.mulf %gather3A_1367, %exp3A_1306 : vector<16xf32>
        tpu.vector_store_idx %arg15[%add3A_55, %broadcast_in_dim3A_1366], %mul3A_1368 : memref<80x128xf32, #tpu.memory_space<vmem>>[vector<16xi32>, vector<16xi32>], vector<16xf32>,
        %broadcast_in_dim3A_1369 = arith.constant 127 : i32
        %broadcast_in_dim3A_1370 = vector.broadcast %broadcast_in_dim3A_1369 : i32 to vector<16xi32>
        %gather3A_1371 = tpu.vector_load_idx %arg15[%add3A_55, %broadcast_in_dim3A_1370] : memref<80x128xf32, #tpu.memory_space<vmem>>[vector<16xi32>, vector<16xi32>], vector<16xf32>,
        %mul3A_1372 = arith.mulf %gather3A_1371, %exp3A_1306 : vector<16xf32>
        tpu.vector_store_idx %arg15[%add3A_55, %broadcast_in_dim3A_1370], %mul3A_1372 : memref<80x128xf32, #tpu.memory_space<vmem>>[vector<16xi32>, vector<16xi32>], vector<16xf32>,
      }
      %scan3A_50 = arith.constant 5 : i32
      "tpu.region"() ({
        %run_scoped3A = tpu.sem_alloc : memref<!tpu.dma_semaphore, #tpu.memory_space<semaphore_mem>>
        %dma_start3A_51 = arith.constant 0 : i32
        %dma_start3A_52 = arith.constant 0 : i32
        %dma_start3A_53 = tpu.memref_slice %arg17[%dma_start3A_51, %dma_start3A_52] : memref<10240x128xf32, #tpu.memory_space<vmem_shared>> -> memref<10240x128xf32, #tpu.memory_space<vmem_shared>>
        tpu.enqueue_indirect_dma source(%arg15 : memref<80x128xf32, #tpu.memory_space<vmem>>) target(%dma_start3A_53 : memref<10240x128xf32, #tpu.memory_space<vmem_shared>>) offsets(%arg12 : memref<80xi32, #tpu.memory_space<vmem>>) semaphore(%run_scoped3A : memref<!tpu.dma_semaphore, #tpu.memory_space<semaphore_mem>>) {add = true}
        %dma_wait3A_54 = arith.constant 0 : i32
        %dma_wait3A_55 = arith.constant 0 : i32
        %dma_wait3A_56 = tpu.memref_slice %arg17[%dma_wait3A_54, %dma_wait3A_55] : memref<10240x128xf32, #tpu.memory_space<vmem_shared>> -> memref<10240x128xf32, #tpu.memory_space<vmem_shared>>
        tpu.wait_indirect_dma semaphore(%run_scoped3A : memref<!tpu.dma_semaphore, #tpu.memory_space<semaphore_mem>>) src(%arg15 : memref<80x128xf32, #tpu.memory_space<vmem>>) dst(%dma_wait3A_56 : memref<10240x128xf32, #tpu.memory_space<vmem_shared>>)
        tpu.yield
      }) : () -> ()
      "tpu.region"() ({
        %run_scoped3A = tpu.sem_alloc : memref<!tpu.dma_semaphore, #tpu.memory_space<semaphore_mem>>
        %dma_start3A_51 = arith.constant 0 : i32
        %dma_start3A_52 = arith.constant 0 : i32
        %dma_start3A_53 = tpu.memref_slice %arg18[%dma_start3A_51, %dma_start3A_52] : memref<10240x8xf32, #tpu.memory_space<vmem_shared>> -> memref<10240x8xf32, #tpu.memory_space<vmem_shared>>
        tpu.enqueue_indirect_dma source(%arg16 : memref<80x8xf32, #tpu.memory_space<vmem>>) target(%dma_start3A_53 : memref<10240x8xf32, #tpu.memory_space<vmem_shared>>) offsets(%arg12 : memref<80xi32, #tpu.memory_space<vmem>>) semaphore(%run_scoped3A : memref<!tpu.dma_semaphore, #tpu.memory_space<semaphore_mem>>) {add = true}
        %dma_wait3A_54 = arith.constant 0 : i32
        %dma_wait3A_55 = arith.constant 0 : i32
        %dma_wait3A_56 = tpu.memref_slice %arg18[%dma_wait3A_54, %dma_wait3A_55] : memref<10240x8xf32, #tpu.memory_space<vmem_shared>> -> memref<10240x8xf32, #tpu.memory_space<vmem_shared>>
        tpu.wait_indirect_dma semaphore(%run_scoped3A : memref<!tpu.dma_semaphore, #tpu.memory_space<semaphore_mem>>) src(%arg16 : memref<80x8xf32, #tpu.memory_space<vmem>>) dst(%dma_wait3A_56 : memref<10240x8xf32, #tpu.memory_space<vmem_shared>>)
        tpu.yield
      }) : () -> ()
    }
    %scan3A_15 = arith.constant 125 : i32
    %barrier3A_16 = arith.constant 0 : index
    tpu.barrier barrier_id(%barrier3A_16)
    %mul3A_17 = arith.constant 640 : i32
    %mul3A_18 = arith.muli %arg1, %mul3A_17 : i32
    %mul3A_19 = arith.constant 640 : i32
    %mul3A_20 = arith.muli %arg1, %mul3A_19 : i32
    "tpu.region"() ({
      %run_scoped3A = tpu.sem_alloc : memref<!tpu.dma_semaphore, #tpu.memory_space<semaphore_mem>>
      %dma_start3A = arith.constant 0 : i32
      %dma_start3A_25 = tpu.memref_slice %arg9[%arg0, %mul3A_20, %dma_start3A] : memref<2x10240x128xf32, #tpu.memory_space<hbm>> -> memref<1x640x128xf32, #tpu.memory_space<hbm>>
      %dma_start3A_26 = tpu.memref_squeeze %dma_start3A_25 : memref<1x640x128xf32, #tpu.memory_space<hbm>> -> memref<640x128xf32, #tpu.memory_space<hbm>>
      %dma_start3A_27 = arith.constant 0 : i32
      %dma_start3A_28 = tpu.memref_slice %arg17[%mul3A_18, %dma_start3A_27] : memref<10240x128xf32, #tpu.memory_space<vmem_shared>> -> memref<640x128xf32, #tpu.memory_space<vmem_shared>>
      tpu.enqueue_dma source(%dma_start3A_28 : memref<640x128xf32, #tpu.memory_space<vmem_shared>>) target(%dma_start3A_26 : memref<640x128xf32, #tpu.memory_space<hbm>>) target_semaphore(%run_scoped3A : memref<!tpu.dma_semaphore, #tpu.memory_space<semaphore_mem>>)
      %dma_wait3A = arith.constant 0 : i32
      %dma_wait3A_29 = tpu.memref_slice %arg9[%arg0, %mul3A_20, %dma_wait3A] : memref<2x10240x128xf32, #tpu.memory_space<hbm>> -> memref<1x640x128xf32, #tpu.memory_space<hbm>>
      %dma_wait3A_30 = tpu.memref_squeeze %dma_wait3A_29 : memref<1x640x128xf32, #tpu.memory_space<hbm>> -> memref<640x128xf32, #tpu.memory_space<hbm>>
      %dma_wait3A_31 = arith.constant 0 : i32
      %dma_wait3A_32 = tpu.memref_slice %arg17[%mul3A_18, %dma_wait3A_31] : memref<10240x128xf32, #tpu.memory_space<vmem_shared>> -> memref<640x128xf32, #tpu.memory_space<vmem_shared>>
      tpu.wait_dma2 semaphore(%run_scoped3A : memref<!tpu.dma_semaphore, #tpu.memory_space<semaphore_mem>>) src(%dma_wait3A_32 : memref<640x128xf32, #tpu.memory_space<vmem_shared>>) dst(%dma_wait3A_30 : memref<640x128xf32, #tpu.memory_space<hbm>>)
      tpu.yield
    }) : () -> ()
    %mul3A_21 = arith.constant 640 : i32
    %mul3A_22 = arith.muli %arg1, %mul3A_21 : i32
    %mul3A_23 = arith.constant 640 : i32
    %mul3A_24 = arith.muli %arg1, %mul3A_23 : i32
    "tpu.region"() ({
      %run_scoped3A = tpu.sem_alloc : memref<!tpu.dma_semaphore, #tpu.memory_space<semaphore_mem>>
      %dma_start3A = arith.constant 0 : i32
      %dma_start3A_25 = tpu.memref_slice %arg10[%arg0, %mul3A_24, %dma_start3A] : memref<2x10240x8xf32, #tpu.memory_space<hbm>> -> memref<1x640x8xf32, #tpu.memory_space<hbm>>
      %dma_start3A_26 = tpu.memref_squeeze %dma_start3A_25 : memref<1x640x8xf32, #tpu.memory_space<hbm>> -> memref<640x8xf32, #tpu.memory_space<hbm>>
      %dma_start3A_27 = arith.constant 0 : i32
      %dma_start3A_28 = tpu.memref_slice %arg18[%mul3A_22, %dma_start3A_27] : memref<10240x8xf32, #tpu.memory_space<vmem_shared>> -> memref<640x8xf32, #tpu.memory_space<vmem_shared>>
      tpu.enqueue_dma source(%dma_start3A_28 : memref<640x8xf32, #tpu.memory_space<vmem_shared>>) target(%dma_start3A_26 : memref<640x8xf32, #tpu.memory_space<hbm>>) target_semaphore(%run_scoped3A : memref<!tpu.dma_semaphore, #tpu.memory_space<semaphore_mem>>)
      %dma_wait3A = arith.constant 0 : i32
      %dma_wait3A_29 = tpu.memref_slice %arg10[%arg0, %mul3A_24, %dma_wait3A] : memref<2x10240x8xf32, #tpu.memory_space<hbm>> -> memref<1x640x8xf32, #tpu.memory_space<hbm>>
      %dma_wait3A_30 = tpu.memref_squeeze %dma_wait3A_29 : memref<1x640x8xf32, #tpu.memory_space<hbm>> -> memref<640x8xf32, #tpu.memory_space<hbm>>
      %dma_wait3A_31 = arith.constant 0 : i32
      %dma_wait3A_32 = tpu.memref_slice %arg18[%mul3A_22, %dma_wait3A_31] : memref<10240x8xf32, #tpu.memory_space<vmem_shared>> -> memref<640x8xf32, #tpu.memory_space<vmem_shared>>
      tpu.wait_dma2 semaphore(%run_scoped3A : memref<!tpu.dma_semaphore, #tpu.memory_space<semaphore_mem>>) src(%dma_wait3A_32 : memref<640x8xf32, #tpu.memory_space<vmem_shared>>) dst(%dma_wait3A_30 : memref<640x8xf32, #tpu.memory_space<hbm>>)
      tpu.yield
    }) : () -> ()
    return
  }
}

module attributes {stable_mosaic.version = 14 : i64} {
  func.func @_qkv_body(%arg0: i32, %arg1: memref<2000x128xf32, #tpu.memory_space<vmem>>, %arg2: memref<128x128xf32, #tpu.memory_space<vmem>>, %arg3: memref<128x128xf32, #tpu.memory_space<vmem>>, %arg4: memref<128x128xf32, #tpu.memory_space<vmem>>, %arg5: memref<1x128xf32, #tpu.memory_space<vmem>>, %arg6: memref<1x128xf32, #tpu.memory_space<vmem>>, %arg7: memref<1x128xf32, #tpu.memory_space<vmem>>, %arg8: memref<2000x128xf32, #tpu.memory_space<vmem>>, %arg9: memref<2000x128xf32, #tpu.memory_space<vmem>>, %arg10: memref<2000x128xf32, #tpu.memory_space<vmem>>) attributes {dimension_semantics = [#tpu.dimension_semantics<arbitrary>], iteration_bounds = array<i64: 5>, scalar_prefetch = 0 : i64, scratch_operands = 0 : i64, tpu.core_type = #tpu.core_type<tc>, window_params = [{transform_indices = @transform_0, window_bounds = array<i64: 2000, 128>}, {pipeline_mode = #tpu.pipeline_mode<synchronous>, transform_indices = @transform_1, window_bounds = array<i64: 128, 128>}, {pipeline_mode = #tpu.pipeline_mode<synchronous>, transform_indices = @transform_2, window_bounds = array<i64: 128, 128>}, {pipeline_mode = #tpu.pipeline_mode<synchronous>, transform_indices = @transform_3, window_bounds = array<i64: 128, 128>}, {pipeline_mode = #tpu.pipeline_mode<synchronous>, transform_indices = @transform_4, window_bounds = array<i64: 1, 128>}, {pipeline_mode = #tpu.pipeline_mode<synchronous>, transform_indices = @transform_5, window_bounds = array<i64: 1, 128>}, {pipeline_mode = #tpu.pipeline_mode<synchronous>, transform_indices = @transform_6, window_bounds = array<i64: 1, 128>}, {transform_indices = @transform_7, window_bounds = array<i64: 2000, 128>}, {transform_indices = @transform_8, window_bounds = array<i64: 2000, 128>}, {transform_indices = @transform_9, window_bounds = array<i64: 2000, 128>}]} {
    %get3A = arith.constant 0 : index
    %get3A_0 = arith.constant 0 : index
    %get3A_1 = vector.load %arg1[%get3A, %get3A_0] : memref<2000x128xf32, #tpu.memory_space<vmem>>, vector<2000x128xf32>
    %get3A_2 = arith.constant 0 : index
    %get3A_3 = arith.constant 0 : index
    %get3A_4 = vector.load %arg2[%get3A_2, %get3A_3] : memref<128x128xf32, #tpu.memory_space<vmem>>, vector<128x128xf32>
    %dot_general3A = arith.constant dense<0.000000e+00> : vector<2000x128xf32>
    %dot_general3A_5 = tpu.matmul %get3A_1, %get3A_4, %dot_general3A {dimension_numbers = #tpu.dot_dimension_numbers<[1], [0], [0], [1], [0, 0, 1, 1], [], []>, transpose_lhs_hint = false} : vector<2000x128xf32>, vector<128x128xf32>, vector<2000x128xf32> -> vector<2000x128xf32>
    %get3A_6 = arith.constant 0 : index
    %get3A_7 = arith.constant 0 : index
    %get3A_8 = vector.load %arg5[%get3A_6, %get3A_7] : memref<1x128xf32, #tpu.memory_space<vmem>>, vector<1x128xf32>
    %add3A = vector.broadcast %get3A_8 : vector<1x128xf32> to vector<2000x128xf32>
    %add3A_9 = arith.addf %dot_general3A_5, %add3A : vector<2000x128xf32>
    %swap3A = arith.constant 0 : index
    %swap3A_10 = arith.constant 0 : index
    %swap3A_11 = vector.load %arg8[%swap3A, %swap3A_10] : memref<2000x128xf32, #tpu.memory_space<vmem>>, vector<2000x128xf32>
    tpu.vector_store %arg8[%swap3A, %swap3A_10], %add3A_9 {strides = array<i32>} : memref<2000x128xf32, #tpu.memory_space<vmem>>, vector<2000x128xf32>,
    %get3A_12 = arith.constant 0 : index
    %get3A_13 = arith.constant 0 : index
    %get3A_14 = vector.load %arg3[%get3A_12, %get3A_13] : memref<128x128xf32, #tpu.memory_space<vmem>>, vector<128x128xf32>
    %dot_general3A_15 = arith.constant dense<0.000000e+00> : vector<2000x128xf32>
    %dot_general3A_16 = tpu.matmul %get3A_1, %get3A_14, %dot_general3A_15 {dimension_numbers = #tpu.dot_dimension_numbers<[1], [0], [0], [1], [0, 0, 1, 1], [], []>, transpose_lhs_hint = false} : vector<2000x128xf32>, vector<128x128xf32>, vector<2000x128xf32> -> vector<2000x128xf32>
    %get3A_17 = arith.constant 0 : index
    %get3A_18 = arith.constant 0 : index
    %get3A_19 = vector.load %arg6[%get3A_17, %get3A_18] : memref<1x128xf32, #tpu.memory_space<vmem>>, vector<1x128xf32>
    %add3A_20 = vector.broadcast %get3A_19 : vector<1x128xf32> to vector<2000x128xf32>
    %add3A_21 = arith.addf %dot_general3A_16, %add3A_20 : vector<2000x128xf32>
    %swap3A_22 = arith.constant 0 : index
    %swap3A_23 = arith.constant 0 : index
    %swap3A_24 = vector.load %arg9[%swap3A_22, %swap3A_23] : memref<2000x128xf32, #tpu.memory_space<vmem>>, vector<2000x128xf32>
    tpu.vector_store %arg9[%swap3A_22, %swap3A_23], %add3A_21 {strides = array<i32>} : memref<2000x128xf32, #tpu.memory_space<vmem>>, vector<2000x128xf32>,
    %get3A_25 = arith.constant 0 : index
    %get3A_26 = arith.constant 0 : index
    %get3A_27 = vector.load %arg4[%get3A_25, %get3A_26] : memref<128x128xf32, #tpu.memory_space<vmem>>, vector<128x128xf32>
    %dot_general3A_28 = arith.constant dense<0.000000e+00> : vector<2000x128xf32>
    %dot_general3A_29 = tpu.matmul %get3A_1, %get3A_27, %dot_general3A_28 {dimension_numbers = #tpu.dot_dimension_numbers<[1], [0], [0], [1], [0, 0, 1, 1], [], []>, transpose_lhs_hint = false} : vector<2000x128xf32>, vector<128x128xf32>, vector<2000x128xf32> -> vector<2000x128xf32>
    %get3A_30 = arith.constant 0 : index
    %get3A_31 = arith.constant 0 : index
    %get3A_32 = vector.load %arg7[%get3A_30, %get3A_31] : memref<1x128xf32, #tpu.memory_space<vmem>>, vector<1x128xf32>
    %add3A_33 = vector.broadcast %get3A_32 : vector<1x128xf32> to vector<2000x128xf32>
    %add3A_34 = arith.addf %dot_general3A_29, %add3A_33 : vector<2000x128xf32>
    %swap3A_35 = arith.constant 0 : index
    %swap3A_36 = arith.constant 0 : index
    %swap3A_37 = vector.load %arg10[%swap3A_35, %swap3A_36] : memref<2000x128xf32, #tpu.memory_space<vmem>>, vector<2000x128xf32>
    tpu.vector_store %arg10[%swap3A_35, %swap3A_36], %add3A_34 {strides = array<i32>} : memref<2000x128xf32, #tpu.memory_space<vmem>>, vector<2000x128xf32>,
    return
  }
  func.func @transform_0(%arg0: i32) -> (i32, i32) {
    %c0_i32 = arith.constant 0 : i32
    %c0_i32_0 = arith.constant 0 : i32
    return %arg0, %c0_i32 : i32, i32
  }
  func.func @transform_1(%arg0: i32) -> (i32, i32) {
    %c0_i32 = arith.constant 0 : i32
    %c0_i32_0 = arith.constant 0 : i32
    %c0_i32_1 = arith.constant 0 : i32
    return %c0_i32, %c0_i32_0 : i32, i32
  }
  func.func @transform_2(%arg0: i32) -> (i32, i32) {
    %c0_i32 = arith.constant 0 : i32
    %c0_i32_0 = arith.constant 0 : i32
    %c0_i32_1 = arith.constant 0 : i32
    return %c0_i32, %c0_i32_0 : i32, i32
  }
  func.func @transform_3(%arg0: i32) -> (i32, i32) {
    %c0_i32 = arith.constant 0 : i32
    %c0_i32_0 = arith.constant 0 : i32
    %c0_i32_1 = arith.constant 0 : i32
    return %c0_i32, %c0_i32_0 : i32, i32
  }
  func.func @transform_4(%arg0: i32) -> (i32, i32) {
    %c0_i32 = arith.constant 0 : i32
    %c0_i32_0 = arith.constant 0 : i32
    %c0_i32_1 = arith.constant 0 : i32
    return %c0_i32, %c0_i32_0 : i32, i32
  }
  func.func @transform_5(%arg0: i32) -> (i32, i32) {
    %c0_i32 = arith.constant 0 : i32
    %c0_i32_0 = arith.constant 0 : i32
    %c0_i32_1 = arith.constant 0 : i32
    return %c0_i32, %c0_i32_0 : i32, i32
  }
  func.func @transform_6(%arg0: i32) -> (i32, i32) {
    %c0_i32 = arith.constant 0 : i32
    %c0_i32_0 = arith.constant 0 : i32
    %c0_i32_1 = arith.constant 0 : i32
    return %c0_i32, %c0_i32_0 : i32, i32
  }
  func.func @transform_7(%arg0: i32) -> (i32, i32) {
    %c0_i32 = arith.constant 0 : i32
    %c0_i32_0 = arith.constant 0 : i32
    return %arg0, %c0_i32 : i32, i32
  }
  func.func @transform_8(%arg0: i32) -> (i32, i32) {
    %c0_i32 = arith.constant 0 : i32
    %c0_i32_0 = arith.constant 0 : i32
    return %arg0, %c0_i32 : i32, i32
  }
  func.func @transform_9(%arg0: i32) -> (i32, i32) {
    %c0_i32 = arith.constant 0 : i32
    %c0_i32_0 = arith.constant 0 : i32
    return %arg0, %c0_i32 : i32, i32
  }
}

module attributes {stable_mosaic.version = 14 : i64} {
  func.func @_out_body(%arg0: i32, %arg1: memref<2x2000x128xf32, #tpu.memory_space<vmem>>, %arg2: memref<2x2000x8xf32, #tpu.memory_space<vmem>>, %arg3: memref<8x128xf32, #tpu.memory_space<vmem>>, %arg4: memref<128x128xf32, #tpu.memory_space<vmem>>, %arg5: memref<1x128xf32, #tpu.memory_space<vmem>>, %arg6: memref<2000x128xf32, #tpu.memory_space<vmem>>) attributes {dimension_semantics = [#tpu.dimension_semantics<arbitrary>], iteration_bounds = array<i64: 5>, scalar_prefetch = 0 : i64, scratch_operands = 0 : i64, tpu.core_type = #tpu.core_type<tc>, window_params = [{transform_indices = @transform_0, window_bounds = array<i64: 2, 2000, 128>}, {transform_indices = @transform_1, window_bounds = array<i64: 2, 2000, 8>}, {pipeline_mode = #tpu.pipeline_mode<synchronous>, transform_indices = @transform_2, window_bounds = array<i64: 8, 128>}, {pipeline_mode = #tpu.pipeline_mode<synchronous>, transform_indices = @transform_3, window_bounds = array<i64: 128, 128>}, {pipeline_mode = #tpu.pipeline_mode<synchronous>, transform_indices = @transform_4, window_bounds = array<i64: 1, 128>}, {transform_indices = @transform_5, window_bounds = array<i64: 2000, 128>}]} {
    %get3A = arith.constant 0 : index
    %get3A_0 = arith.constant 0 : index
    %get3A_1 = arith.constant 0 : index
    %get3A_2 = vector.load %arg1[%get3A, %get3A_0, %get3A_1] : memref<2x2000x128xf32, #tpu.memory_space<vmem>>, vector<2x2000x128xf32>
    %get3A_3 = arith.constant 0 : index
    %get3A_4 = arith.constant 0 : index
    %get3A_5 = arith.constant 0 : index
    %get3A_6 = vector.load %arg2[%get3A_3, %get3A_4, %get3A_5] : memref<2x2000x8xf32, #tpu.memory_space<vmem>>, vector<2x2000x8xf32>
    %slice3A = vector.extract_strided_slice %get3A_2 {offsets = [0, 0, 0], sizes = [1, 2000, 128], strides = [1, 1, 1]} : vector<2x2000x128xf32> to vector<1x2000x128xf32>
    %squeeze3A = vector.shape_cast %slice3A : vector<1x2000x128xf32> to vector<2000x128xf32>
    %slice3A_7 = vector.extract_strided_slice %get3A_2 {offsets = [1, 0, 0], sizes = [1, 2000, 128], strides = [1, 1, 1]} : vector<2x2000x128xf32> to vector<1x2000x128xf32>
    %squeeze3A_8 = vector.shape_cast %slice3A_7 : vector<1x2000x128xf32> to vector<2000x128xf32>
    %add3A = arith.addf %squeeze3A, %squeeze3A_8 : vector<2000x128xf32>
    %slice3A_9 = vector.extract_strided_slice %get3A_6 {offsets = [0, 0, 0], sizes = [1, 2000, 8], strides = [1, 1, 1]} : vector<2x2000x8xf32> to vector<1x2000x8xf32>
    %squeeze3A_10 = vector.shape_cast %slice3A_9 : vector<1x2000x8xf32> to vector<2000x8xf32>
    %slice3A_11 = vector.extract_strided_slice %get3A_6 {offsets = [1, 0, 0], sizes = [1, 2000, 8], strides = [1, 1, 1]} : vector<2x2000x8xf32> to vector<1x2000x8xf32>
    %squeeze3A_12 = vector.shape_cast %slice3A_11 : vector<1x2000x8xf32> to vector<2000x8xf32>
    %add3A_13 = arith.addf %squeeze3A_10, %squeeze3A_12 : vector<2000x8xf32>
    %get3A_14 = arith.constant 0 : index
    %get3A_15 = arith.constant 0 : index
    %get3A_16 = vector.load %arg3[%get3A_14, %get3A_15] : memref<8x128xf32, #tpu.memory_space<vmem>>, vector<8x128xf32>
    %dot_general3A = arith.constant dense<0.000000e+00> : vector<2000x128xf32>
    %dot_general3A_17 = tpu.matmul %add3A_13, %get3A_16, %dot_general3A {dimension_numbers = #tpu.dot_dimension_numbers<[1], [0], [0], [1], [0, 0, 1, 1], [], []>, transpose_lhs_hint = false} : vector<2000x8xf32>, vector<8x128xf32>, vector<2000x128xf32> -> vector<2000x128xf32>
    %gt3A = arith.constant 0.000000e+00 : f32
    %gt3A_18 = vector.broadcast %gt3A : f32 to vector<2000x128xf32>
    %gt3A_19 = arith.cmpf ogt, %dot_general3A_17, %gt3A_18 : vector<2000x128xf32>
    %div3A = arith.divf %add3A, %dot_general3A_17 : vector<2000x128xf32>
    %jit3A = arith.constant 0.000000e+00 : f32
    %broadcast_in_dim3A = vector.broadcast %jit3A : f32 to vector<2000x128xf32>
    %select_n3A = arith.select %gt3A_19, %div3A, %broadcast_in_dim3A : vector<2000x128xi1>, vector<2000x128xf32>
    %get3A_20 = arith.constant 0 : index
    %get3A_21 = arith.constant 0 : index
    %get3A_22 = vector.load %arg4[%get3A_20, %get3A_21] : memref<128x128xf32, #tpu.memory_space<vmem>>, vector<128x128xf32>
    %dot_general3A_23 = arith.constant dense<0.000000e+00> : vector<2000x128xf32>
    %dot_general3A_24 = tpu.matmul %select_n3A, %get3A_22, %dot_general3A_23 {dimension_numbers = #tpu.dot_dimension_numbers<[1], [0], [0], [1], [0, 0, 1, 1], [], []>, transpose_lhs_hint = false} : vector<2000x128xf32>, vector<128x128xf32>, vector<2000x128xf32> -> vector<2000x128xf32>
    %get3A_25 = arith.constant 0 : index
    %get3A_26 = arith.constant 0 : index
    %get3A_27 = vector.load %arg5[%get3A_25, %get3A_26] : memref<1x128xf32, #tpu.memory_space<vmem>>, vector<1x128xf32>
    %add3A_28 = vector.broadcast %get3A_27 : vector<1x128xf32> to vector<2000x128xf32>
    %add3A_29 = arith.addf %dot_general3A_24, %add3A_28 : vector<2000x128xf32>
    %swap3A = arith.constant 0 : index
    %swap3A_30 = arith.constant 0 : index
    %swap3A_31 = vector.load %arg6[%swap3A, %swap3A_30] : memref<2000x128xf32, #tpu.memory_space<vmem>>, vector<2000x128xf32>
    tpu.vector_store %arg6[%swap3A, %swap3A_30], %add3A_29 {strides = array<i32>} : memref<2000x128xf32, #tpu.memory_space<vmem>>, vector<2000x128xf32>,
    return
  }
  func.func @transform_0(%arg0: i32) -> (i32, i32, i32) {
    %c0_i32 = arith.constant 0 : i32
    %c0_i32_0 = arith.constant 0 : i32
    %c0_i32_1 = arith.constant 0 : i32
    return %c0_i32, %arg0, %c0_i32_0 : i32, i32, i32
  }
  func.func @transform_1(%arg0: i32) -> (i32, i32, i32) {
    %c0_i32 = arith.constant 0 : i32
    %c0_i32_0 = arith.constant 0 : i32
    %c0_i32_1 = arith.constant 0 : i32
    return %c0_i32, %arg0, %c0_i32_0 : i32, i32, i32
  }
  func.func @transform_2(%arg0: i32) -> (i32, i32) {
    %c0_i32 = arith.constant 0 : i32
    %c0_i32_0 = arith.constant 0 : i32
    %c0_i32_1 = arith.constant 0 : i32
    return %c0_i32, %c0_i32_0 : i32, i32
  }
  func.func @transform_3(%arg0: i32) -> (i32, i32) {
    %c0_i32 = arith.constant 0 : i32
    %c0_i32_0 = arith.constant 0 : i32
    %c0_i32_1 = arith.constant 0 : i32
    return %c0_i32, %c0_i32_0 : i32, i32
  }
  func.func @transform_4(%arg0: i32) -> (i32, i32) {
    %c0_i32 = arith.constant 0 : i32
    %c0_i32_0 = arith.constant 0 : i32
    %c0_i32_1 = arith.constant 0 : i32
    return %c0_i32, %c0_i32_0 : i32, i32
  }
  func.func @transform_5(%arg0: i32) -> (i32, i32) {
    %c0_i32 = arith.constant 0 : i32
    %c0_i32_0 = arith.constant 0 : i32
    return %arg0, %c0_i32 : i32, i32
  }
}

</mosaic_0001>

<sc_bundles>
// kernel: kernel.5.cloned.1.call-start
scs
__scs_entry_jumppad:
0x0: {  	(pc) =	sbr.rel $0x88, $3  }
0x1: {  	(tag) =	ssettag $0x0;
	lr =	simm.s32 $0x1  }
0x2: {  	[smem:$0x3F9B] =	sst lr;
	_ =	strace $0xD0000000  }
0x3: {  	_ = 	snop  }
0x4: {  	_ = 	snop  }
0x5: {  	_ = 	snop  }
0x6: {  	_ = 	snop  }
0x7: {  	_ = 	snop  }
__scs_overlays_trampoline_lowered:
0x8: {  	[smem:$0x3FAA] =	sst s0  }
0x9: {  	[smem:$0x3FAB] =	sst s1  }
0xa: {  	[smem:$0x3FAC] =	sst s2  }
0xb: {  	[smem:$0x3FAD] =	sst s3  }
0xc: {  	[smem:$0x3FAE] =	sst s4  }
0xd: {  	[smem:$0x3FAF] =	sst s5  }
0xe: {  	[smem:$0x3FB0] =	sst s6  }
0xf: {  	[smem:$0x3FB1] =	sst s7  }
0x10: {  	[smem:$0x3FB2] =	sst s8  }
0x11: {  	[smem:$0x3FB3] =	sst s9;
	s0 =	simm.s32 @!p0 $0x0  }
0x12: {  	s1 =	sld [smem:$0x3F99];
	s0 =	simm.s32 @p0 $0x1  }
0x13: {  	[smem:$0x3FB4] =	sst s0;
	s0 =	simm.s32 @!p1 $0x0  }
0x14: {  	s2 =	sld [smem:$0x3F98];
	s0 =	simm.s32 @p1 $0x1  }
0x15: {  	[smem:$0x3FB5] =	sst s0;
	s0 =	simm.s32 @!p2 $0x0  }
0x16: {  	s3 =	sld [smem:$0x3FDB];
	s0 =	simm.s32 @p2 $0x1  }
0x17: {  	s4 =	simm.s32 $0x1BF5;
	[smem:$0x3FB7] =	sst s0  }
0x18: {  	s0 =	sld [smem:$0x3F9A];
	_ =	swait.ge [sflag:s4], $0x0  }
0x19: {  	s7 =	sld [smem:$0x3F9B]  }
0x1a: {  	s8 =	sadd.s32 $0xFFFFE003, lr  }
0x1b: {  	s9 =	sadd.s32 $0xFFFFFEF7, lr;
	s5 =	simm.s32 $0xFFFFFFFF;
	p2 =	slt.u32 s8, $0xFFFFF086  }
0x1c: {  	p1 =	slt.u32 s9, $0xF7A;
	s5 =	simm.s32 @!p2 $0x0  }
0x1d: {  	s5 =	simm.s32 @p1 $0x1;
	p0 =	seq.s32 s7, s2  }
0x1e: {  	s7 =	smul.u32 @!p0 $0xF7A, s2;
	p2 =	seq.s32 @!p0 s5, $0x0  }
0x1f: {  	s9 =	smul.u32 $0xF7A, s1;
	s8 =	simm.s32 @!p0 $0x1BF5;
	p2 =	por !p2, p0  }
0x20: {  	[sflag:s8] =	ssyncset.s32 @!p0 $0xFFFFF086;
	s6 =	sadd.s32 @!p0 s3, s7;
	s7 =	simm.s32 @!p0 $0x108  }
0x21: {  	s3 =	sadd.s32 s3, s9;
	s6 =	sadd.s32 @!p0 $0x88, s6;
	s7 =	simm.s32 @p2 $0x1082  }
0x22: {  	[simem:s7], [sflag:s8] =	dma.local @!p0 [hbm:s6], $0xF7A  }
0x23: {  	s9 =	sor.u32 $0xD0000000, s2;
	s6 =	simm.s32 $0x108;
	_ =	swait.ge @!p0 [sflag:s8], $0x0  }
0x24: {  	s3 =	sadd.s32 $0x88, s3;
	s6 =	simm.s32 @!p1 $0x1082;
	[sflag:s4] =	ssyncset.s32 $0xFFFFF086  }
0x25: {  	[simem:s6], [sflag:s4] =	dma.local [hbm:s3], $0xF7A  }
0x26: {  	[smem:$0x3F9B] =	sst s1;
	(tag) =	ssettag s2;
	_ =	strace s9  }
0x27: {  	s1 =	sld [smem:$0x3FAB]  }
0x28: {  	s2 =	sld [smem:$0x3FAC]  }
0x29: {  	s4 =	sld [smem:$0x3FAE]  }
0x2a: {  	p0 =	seq.s32 s5, $0x0;
	s5 =	sld [smem:$0x3FAF]  }
0x2b: {  	s6 =	sld [smem:$0x3FB0]  }
0x2c: {  	s7 =	sld [smem:$0x3FB1]  }
0x2d: {  	s3 =	simm.s32 $0x108;
	s8 =	sld [smem:$0x3FB2]  }
0x2e: {  	s3 =	simm.s32 @!p0 $0x1082;
	s9 =	sld [smem:$0x3FB3]  }
0x2f: {  	lr =	sadd.s32 s0, s3;
	s0 =	sld [smem:$0x3FAA]  }
0x30: {  	s3 =	sld [smem:$0x3FAD]  }
0x31: {  	[smem:$0x3FB6] =	sst s10  }
0x32: {  	s10 =	sld [smem:$0x3FB4];
	_ =	sdelay $0x3  }
0x33: {  	p0 =	seq.s32 s10, $0x1;
	s10 =	sld [smem:$0x3FB6];
	_ =	sdelay $0x3  }
0x34: {  	[smem:$0x3FB6] =	sst s10  }
0x35: {  	s10 =	sld [smem:$0x3FB5];
	_ =	sdelay $0x3  }
0x36: {  	p1 =	seq.s32 s10, $0x1;
	s10 =	sld [smem:$0x3FB6];
	_ =	sdelay $0x3  }
0x37: {  	[smem:$0x3FB6] =	sst s10  }
0x38: {  	s10 =	sld [smem:$0x3FB7]  }
0x39: {  	_ = 	snop;
	(pc) =	sbr.ind lr, $3  }
0x3a: {  	_ = 	snop  }
0x3b: {  	_ = 	snop  }
0x3c: {  	p2 =	seq.s32 s10, $0x1;
	s10 =	sld [smem:$0x3FB6]  }
0x3d: {  	_ =	shalt  }
0x3e: {  	_ =	shalt  }
0x3f: {  	_ =	shalt  }
0x40: {  	_ =	shalt  }
0x41: {  	_ =	shalt  }
0x42: {  	_ =	shalt  }
0x43: {  	_ =	shalt  }
0x44: {  	_ =	shalt  }
0x45: {  	_ =	shalt  }
0x46: {  	_ =	shalt  }
0x47: {  	_ =	shalt  }
0x48: {  	_ =	shalt  }
0x49: {  	_ =	shalt  }
0x4a: {  	_ =	shalt  }
0x4b: {  	_ =	shalt  }
0x4c: {  	_ =	shalt  }
0x4d: {  	_ =	shalt  }
0x4e: {  	_ =	shalt  }
0x4f: {  	_ =	shalt  }
0x50: {  	_ =	shalt  }
0x51: {  	_ =	shalt  }
0x52: {  	_ =	shalt  }
0x53: {  	_ =	shalt  }
0x54: {  	_ =	shalt  }
0x55: {  	_ =	shalt  }
0x56: {  	_ =	shalt  }
0x57: {  	_ =	shalt  }
0x58: {  	_ =	shalt  }
0x59: {  	_ =	shalt  }
0x5a: {  	_ =	shalt  }
0x5b: {  	_ =	shalt  }
0x5c: {  	_ =	shalt  }
0x5d: {  	_ =	shalt  }
0x5e: {  	_ =	shalt  }
0x5f: {  	_ =	shalt  }
0x60: {  	_ =	shalt  }
0x61: {  	_ =	shalt  }
0x62: {  	_ =	shalt  }
0x63: {  	_ =	shalt  }
0x64: {  	_ =	shalt  }
0x65: {  	_ =	shalt  }
0x66: {  	_ =	shalt  }
0x67: {  	_ =	shalt  }
0x68: {  	_ =	shalt  }
0x69: {  	_ =	shalt  }
0x6a: {  	_ =	shalt  }
0x6b: {  	_ =	shalt  }
0x6c: {  	_ =	shalt  }
0x6d: {  	_ =	shalt  }
0x6e: {  	_ =	shalt  }
0x6f: {  	_ =	shalt  }
0x70: {  	_ =	shalt  }
0x71: {  	_ =	shalt  }
0x72: {  	_ =	shalt  }
0x73: {  	_ =	shalt  }
0x74: {  	_ =	shalt  }
0x75: {  	_ =	shalt  }
0x76: {  	_ =	shalt  }
0x77: {  	_ =	shalt  }
0x78: {  	_ =	shalt  }
0x79: {  	_ =	shalt  }
0x7a: {  	_ =	shalt  }
0x7b: {  	_ =	shalt  }
0x7c: {  	_ =	shalt  }
0x7d: {  	_ =	shalt  }
0x7e: {  	_ =	shalt  }
0x7f: {  	_ =	shalt  }
0x80: {  	_ =	shalt  }
0x81: {  	_ =	shalt  }
0x82: {  	_ =	shalt  }
0x83: {  	_ =	shalt  }
0x84: {  	_ =	shalt  }
0x85: {  	_ =	shalt  }
0x86: {  	_ =	shalt  }
0x87: {  	_ =	shalt  }
.Lfunc_end0:
.L_simem_size_0:
called_computation_lowered:
.L_overlay_start_0:
0x88: {  	s2 =	sld [smem:$0x3FD9]  }
0x89: {  	s3 =	sld [smem:$0x3FFE];
	_ =	sdelay $0x1  }
0x8a: {  	s1 =	srdreg.scid  }
0x8b: {  	s0 =	sand.u32 $0x1, s1  }
0x8c: {  	s17 =	sshll.u32 s0, $0xA;
	s2 =	sadd.s32 s3, s2  }
0x8d: {  	s2 =	sadd.s32 s2, s17  }
0x8e: {  	[smem:$0x3FC2] =	sst s2  }
0x8f: {  	_ = 	snop  }
0x90: {  	s2 =	sld [smem:$0x3FD0];
	(tm) =	ssettm $0x1  }
0x91: {  	s18 =	sld [smem:$0x3FFB];
	_ =	sdelay $0x3  }
0x92: {  	_ =	strace s18  }
0x93: {  	s3 =	sld [smem:$0x3FFC];
	_ =	sdelay $0x3  }
0x94: {  	_ =	strace s3  }
0x95: {  	s3 =	sld [smem:$0x3FFD];
	_ =	sdelay $0x3  }
0x96: {  	_ =	strace s3  }
0x97: {  	_ =	strace $0x8FFFFFFF  }
0x98: {  	s19 =	sld [smem:$0x3FDB];
	_ =	sdelay $0x1  }
0x99: {  	s4 =	simm.s32 $_scs_section_size  }
0x9a: {  	s5 =	simm.s32 $_size__tile_overlayer_lowered;
	s6 =	simm.s32 $_tile_overlayer_lowered  }
0x9b: {  	s22 =	simm.s32 $0x1BFF;
	s21 =	sshll.u32 s6, $0x1;
	s3 =	sadd.s32 s4, s19  }
0x9c: {  	s7 =	simm.s32 $0x0;
	s20 =	sshll.u32 s5, $0x1;
	s5 =	sadd.s32 s21, s3  }
0x9d: {  	[timem:s7], [sflag:s22] =	dma.local [hbm:s5], s20  }
0x9e: {  	_ =	swait.ge [sflag:s22], s20  }
0x9f: {  	s4 =	ssub.s32 $0x0, s20;
	[sflag:s22] =	ssyncset.done $0x0  }
0xa0: {  	[sflag:s22] =	ssyncadd.s32 s4;
	_ =	sdelay $0x1  }
0xa1: {  	s23 =	simm.s32 $0x1B8B  }
0xa2: {  	_ =	swait.ge [sflag:s23], $0x1  }
0xa3: {  	[sflag:s23] =	ssyncset.done $0x0  }
0xa4: {  	s25 =	simm.s32 $0x1B8E;
	s24 =	sld [smem:$0x3FFE];
	[sflag:s23] =	ssyncadd.s32 $0xFFFFFFFF  }
0xa5: {  	s26 =	simm.s32 $execute0_lowered;
	[smem:$0x3FD2] =	sst s25  }
0xa6: {  	s5 =	sshll.u32 s26, $0x1;
	_ =	strace $0x80000046;
	[dreg:$0x1] =	wrdreg $0xFFFFFFFF  }
0xa7: {  	s28 =	simm.s32 $_size_execute0_lowered;
	s3 =	sadd.s32 s3, s5;
	[dreg:$0x0] =	wrdreg $0x0  }
0xa8: {  	s5 =	sshll.u32 s28, $0x1;
	[dreg:$0x2] =	wrdreg s3  }
0xa9: {  	[dreg:$0x3] =	wrdreg s5  }
0xaa: {  	[dreg:$0x4] =	wrdreg $0xC0  }
0xab: {  	_ =	task [dreg:s7], $0x5FFFF  }
0xac: {  	[dreg:$0x1] =	wrdreg $0xFFFFFFFF  }
0xad: {  	[dreg:$0x0] =	wrdreg $0x60  }
0xae: {  	[dreg:$0x2] =	wrdreg s24  }
0xaf: {  	[dreg:$0x3] =	wrdreg s2  }
0xb0: {  	[dreg:$0x4] =	wrdreg $0x7B200  }
0xb1: {  	[dreg:$0x5] =	wrdreg $0x1BB200  }
0xb2: {  	[dreg:$0x6] =	wrdreg $0x9  }
0xb3: {  	_ =	task.clear_ibuf [dreg:s7], $0x7FFFF;
	_ =	strace $0x90000046  }
0xb4: {  	s29 =	simm.s32 $0x9;
	_ =	strace $0x80000048  }
0xb5: {  	_ =	swait.ge [sflag:s29], $0x1  }
0xb6: {  	[sflag:s29] =	ssyncadd.s32 $0xFFFFFFFF  }
0xb7: {  	_ =	strace $0x90000048  }
0xb8: {  	_ =	sfence  }
0xb9: {  	s30 =	sld [smem:$0x0];
	_ =	sdelay $0x2  }
0xba: {  	s31 =	sshll.u32 s1, $0xD;
	s1 =	sshrl.u32 s1, $0x2  }
0xbb: {  	s3 =	sand.u32 $0x4000, s31;
	s1 =	sadd.s32 s1, s30  }
0xbc: {  	s0 =	sor.u32 s3, s0;
	s1 =	sshll.u32 s1, $0x11  }
0xbd: {  	s0 =	sor.u32 s1, s0  }
0xbe: {  	s0 =	sadd.s32 $0x8F2B, s0  }
0xbf: {  	[sflag:s0] =	ssyncadd.remote.s32 $0x1  }
0xc0: {  	_ =	sfence.sel $0xFFFF  }
0xc1: {  	[dreg:$0x0] =	wrdreg $0xFFFFFFFF;
	(pc) =	sbr.abs _section_cstart, $3  }
0xc2: {  	[dreg:$0x1] =	wrdreg $0xFFFFFFFF  }
0xc3: {  	_ =	task.clear_ibuf [dreg:s7], $0x2FFFF;
	_ =	strace $0x9FFFFFFF  }
0xc4: {  	(tm) =	ssettm $0x7FFFFFFF  }
0xc5: {  	_ =	shalt  }
tec
execute0_lowered:
.L_overlay_start_1:
0x0: {  	(tag) =	ssettag $0x1  }
0x1: {  	s10 =	rddreg [dreg:$0x0]  }
0x2: {  	s1 =	rddreg [dreg:$0x1]  }
0x3: {  	s2 =	rddreg [dreg:$0x2]  }
0x4: {  	s4 =	rddreg [dreg:$0x3]  }
0x5: {  	s0 =	rddreg [dreg:$0x4]  }
0x6: {  	s5 =	simm.s32 $0x0;
	s3 =	stileid.u32;
	s7 =	srdreg.scid  }
0x7: {  	s21 =	simm.s32 $0xA0;
	s22 =	simm.s32 $0x28A0;
	s23 =	simm.s32 $0x50A0  }
0x8: {  	s24 =	simm.s32 $0x1;
	s25 =	simm.s32 $0x78A0;
	s11 =	smul.u32 $0x14000, s3  }
0x9: {  	[smem:$0x7FF] =	sst s5;
	s6 =	sadd.s32 $0xB200, s10;
	s12 =	smul.u32 $0x1400, s3  }
0xa: {  	s13 =	sand.u32 $0x1, s7;
	s7 =	sadd.s32 $0x1400, s10;
	s8 =	sadd.s32 $0x15000, s10  }
0xb: {  	s9 =	sadd.s32 $0x3C200, s10;
	s30 =	sshll.u32 s3, $0x6;
	s14 =	smul.u32 $0x140000, s13  }
0xc: {  	s20 =	sshll.u32 s3, $0x1;
	_ =	strace $0x80000047;
	s17 =	smul.u32 $0x14000, s13  }
0xd: {  	s18 =	ssub.s32 $0x2, s13;
	s13 =	sor.u32 s13, s20;
	s20 =	simm.s32 $0x50  }
0xe: {  	s15 =	sshrl.u32 s11, $0x3;
	s16 =	sshrl.u32 s12, $0x3;
	s19 =	sshrl.u32 s18, $0x1  }
0xf: {  	s29 =	sadd.s32 s11, s2;
	s31 =	sadd.s32 s12, s4;
	s13 =	smul.u32 $0x2710, s13  }
0x10: {  	s15 =	sadd.s32 s15, s10;
	s16 =	sadd.s32 s16, s10;
	s14 =	sadd.s32 s11, s14  }
0x11: {  	s17 =	sadd.s32 s12, s17;
	s18 =	ssub.s32 s18, s19;
	s11 =	sor.u32 $0x1C02, s30  }
0x12: {  	s19 =	sshrl.u32 s31, $0x3;
	s14 =	sshrl.u32 s14, $0x3;
	s17 =	sshrl.u32 s17, $0x3  }
0x13: {  	s12 =	sadd.s32 $0x8B400, s16;
	s16 =	smax.u32 s18, $0x1;
	s18 =	simm.s32 $0x2  }
0x14: {  	s14 =	sadd.s32 s14, s10;
	s17 =	sadd.s32 s17, s10;
	s10 =	sadd.s32 $0x63400, s15  }
0x15: {  	v0 =	vlaneseq.u32;
	s14 =	sadd.s32 $0x92C00, s14;
	s15 =	sadd.s32 $0x8DC00, s17;
	s17 =	sshrl.u32 s29, $0x3  }
.LBB2_1:
0x16: {  	[spmem:s17], [sflag:s11] =	dma.local [hbm:s10], $0x2800  }
0x17: {  	_ =	swait.ge [sflag:s18], $0x2800  }
0x18: {  	[sflag:s18] =	ssyncset.done $0x0  }
0x19: {  	[sflag:s18] =	ssyncadd.s32 $0xFFFFD800  }
0x1a: {  	[spmem:s19], [sflag:s11] =	dma.local [hbm:s12], $0x280  }
0x1b: {  	_ =	swait.ge [sflag:s18], $0x280  }
0x1c: {  	[sflag:s18] =	ssyncset.done $0x0  }
0x1d: {  	[sflag:s18] =	ssyncadd.s32 $0xFFFFFD80  }
0x1e: {  	s26 =	simm.s32 $0x0;
	[bflag:$0x0] =	sbarrier.arrive $0xFFFF  }
.LBB2_2:
0x1f: {  	s28 =	smul.u32 $0x50, s26;
	_ =	sdelay $0x1  }
0x20: {  	s28 =	sadd.s32 s13, s28  }
0x21: {  	s29 =	sshrl.u32 s28, $0x3  }
0x22: {  	s28 =	simm.s32 $0x0;
	s30 =	sadd.s32 s6, s29  }
0x23: {  	[tilespmem:s28], [sflag:$0x2] =	stream.linear.gather [hbm4b:s30+s28], $0x50, $0x38;
	[tilespmem:$0x1CF20] =	vst v63  }
0x24: {  	_ =	swait.ge [sflag:s18], $0x50  }
0x25: {  	[sflag:s18] =	ssyncset.done $0x0  }
0x26: {  	s29 =	sadd.s32 s7, s29;
	[sflag:s18] =	ssyncadd.s32 $0xFFFFFFB0  }
0x27: {  	[tilespmem:s20], [sflag:$0x2] =	stream.linear.gather [hbm4b:s29+s28], $0x50, $0x38;
	[tilespmem:$0x1CF20] =	vst v63  }
0x28: {  	_ =	swait.ge [sflag:s18], $0x50  }
0x29: {  	[sflag:s18] =	ssyncset.done $0x0  }
0x2a: {  	[sflag:s18] =	ssyncadd.s32 $0xFFFFFFB0  }
0x2b: {  	[tilespmem:s21], [sflag:$0x1] =	stream.indirect.gather [hbm4b:s1+s20], $0x80, s20, s20, $0xb8;
	[tilespmem:$0x1CF20] =	vst v63  }
0x2c: {  	_ = 	snop  }
0x2d: {  	[tilespmem:s22], [sflag:$0x1] =	stream.indirect.gather [hbm4b:s8+s20], $0x80, s28, s20, $0xb8;
	[tilespmem:$0x1CF20] =	vst v63  }
0x2e: {  	_ = 	snop  }
0x2f: {  	[tilespmem:s23], [sflag:$0x1] =	stream.indirect.gather [hbm4b:s9+s20], $0x80, s28, s20, $0xb8;
	[tilespmem:$0x1CF20] =	vst v63  }
0x30: {  	_ =	swait.ge [sflag:s24], $0x2800  }
0x31: {  	[sflag:s24] =	ssyncset.done $0x0  }
0x32: {  	[sflag:s24] =	ssyncadd.s32 $0xFFFFD800  }
0x33: {  	_ =	swait.ge [sflag:s24], $0x2800  }
0x34: {  	[sflag:s24] =	ssyncset.done $0x0  }
0x35: {  	[sflag:s24] =	ssyncadd.s32 $0xFFFFD800  }
0x36: {  	_ =	swait.ge [sflag:s24], $0x2800  }
0x37: {  	[sflag:s24] =	ssyncset.done $0x0  }
0x38: {  	[sflag:s24] =	ssyncadd.s32 $0xFFFFD800  }
.LBB2_3:
0x39: {  	v2 =	vor.u32 s28, v0  }
0x3a: {  	v1 =	vshll.u32 v2, $0x7;
	_ =	sdelay $0x1  }
0x3b: {  	v3 =	vor.u32 $0x1, v1;
	_ =	sdelay $0x1  }
0x3c: {  	v4 =	vor.u32 $0x2, v1  }
0x3d: {  	v5 =	vld.idx.msk [tilespmem:v1+s21+$0x0], $0xffff  }
0x3e: {  	v7 =	vor.u32 $0x3, v1;
	v6 =	vld.idx.msk [tilespmem:v1+s22+$0x0], $0xffff  }
0x3f: {  	v8 =	vld.idx.msk [tilespmem:v3+s21+$0x0], $0xffff  }
0x40: {  	v10 =	vor.u32 $0x4, v1;
	v9 =	vld.idx.msk [tilespmem:v3+s22+$0x0], $0xffff  }
0x41: {  	v11 =	vld.idx.msk [tilespmem:v4+s21+$0x0], $0xffff  }
0x42: {  	v13 =	vor.u32 $0x5, v1;
	v12 =	vld.idx.msk [tilespmem:v4+s22+$0x0], $0xffff  }
0x43: {  	v30 =	vld.idx.msk [tilespmem:v7+s21+$0x0], $0xffff;
	v5 =	vmul.f32 v6, v5  }
0x44: {  	v15 =	vor.u32 $0x6, v1;
	v14 =	vld.idx.msk [tilespmem:v7+s22+$0x0], $0xffff  }
0x45: {  	v31 =	vld.idx.msk [tilespmem:v10+s21+$0x0], $0xffff;
	v8 =	vmul.f32 v9, v8;
	v5 =	vadd.f32 $0.0e+00, v5  }
0x46: {  	v17 =	vor.u32 $0x7, v1;
	v16 =	vld.idx.msk [tilespmem:v10+s22+$0x0], $0xffff  }
0x47: {  	v33 =	vld.idx.msk [tilespmem:v13+s21+$0x0], $0xffff;
	v32 =	vmul.f32 v12, v11;
	v5 =	vadd.f32 v8, v5  }
0x48: {  	v18 =	vor.u32 $0x8, v1;
	v34 =	vld.idx.msk [tilespmem:v13+s22+$0x0], $0xffff  }
0x49: {  	v35 =	vld.idx.msk [tilespmem:v15+s21+$0x0], $0xffff;
	v6 =	vmul.f32 v14, v30;
	v5 =	vadd.f32 v32, v5  }
0x4a: {  	v19 =	vor.u32 $0x9, v1;
	v36 =	vld.idx.msk [tilespmem:v15+s22+$0x0], $0xffff  }
0x4b: {  	v38 =	vld.idx.msk [tilespmem:v17+s21+$0x0], $0xffff;
	v37 =	vmul.f32 v16, v31;
	v5 =	vadd.f32 v6, v5  }
0x4c: {  	v20 =	vor.u32 $0xA, v1;
	v39 =	vld.idx.msk [tilespmem:v17+s22+$0x0], $0xffff  }
0x4d: {  	v41 =	vld.idx.msk [tilespmem:v18+s21+$0x0], $0xffff;
	v40 =	vmul.f32 v34, v33;
	v5 =	vadd.f32 v37, v5  }
0x4e: {  	v21 =	vor.u32 $0xB, v1;
	v42 =	vld.idx.msk [tilespmem:v18+s22+$0x0], $0xffff  }
0x4f: {  	v44 =	vld.idx.msk [tilespmem:v19+s21+$0x0], $0xffff;
	v43 =	vmul.f32 v36, v35;
	v5 =	vadd.f32 v40, v5  }
0x50: {  	v22 =	vor.u32 $0xC, v1;
	v45 =	vld.idx.msk [tilespmem:v19+s22+$0x0], $0xffff  }
0x51: {  	v47 =	vld.idx.msk [tilespmem:v20+s21+$0x0], $0xffff;
	v46 =	vmul.f32 v39, v38;
	v5 =	vadd.f32 v43, v5  }
0x52: {  	v23 =	vor.u32 $0xD, v1;
	v48 =	vld.idx.msk [tilespmem:v20+s22+$0x0], $0xffff  }
0x53: {  	v50 =	vld.idx.msk [tilespmem:v21+s21+$0x0], $0xffff;
	v49 =	vmul.f32 v42, v41;
	v5 =	vadd.f32 v46, v5  }
0x54: {  	v24 =	vor.u32 $0xE, v1;
	v51 =	vld.idx.msk [tilespmem:v21+s22+$0x0], $0xffff  }
0x55: {  	v53 =	vld.idx.msk [tilespmem:v22+s21+$0x0], $0xffff;
	v52 =	vmul.f32 v45, v44;
	v5 =	vadd.f32 v49, v5  }
0x56: {  	v25 =	vor.u32 $0xF, v1;
	v54 =	vld.idx.msk [tilespmem:v22+s22+$0x0], $0xffff  }
0x57: {  	v56 =	vld.idx.msk [tilespmem:v23+s21+$0x0], $0xffff;
	v55 =	vmul.f32 v48, v47;
	v5 =	vadd.f32 v52, v5  }
0x58: {  	v57 =	vld.idx.msk [tilespmem:v23+s22+$0x0], $0xffff  }
0x59: {  	v59 =	vld.idx.msk [tilespmem:v24+s21+$0x0], $0xffff;
	v58 =	vmul.f32 v51, v50;
	v5 =	vadd.f32 v55, v5  }
0x5a: {  	v60 =	vld.idx.msk [tilespmem:v24+s22+$0x0], $0xffff  }
0x5b: {  	v62 =	vld.idx.msk [tilespmem:v25+s21+$0x0], $0xffff;
	v61 =	vmul.f32 v54, v53;
	v5 =	vadd.f32 v58, v5  }
0x5c: {  	v63 =	vld.idx.msk [tilespmem:v25+s22+$0x0], $0xffff  }
0x5d: {  	v9 =	vmul.f32 v57, v56;
	v5 =	vadd.f32 v61, v5;
	_ =	sdelay $0x1  }
0x5e: {  	v12 =	vmul.f32 v60, v59;
	v5 =	vadd.f32 v9, v5;
	_ =	sdelay $0x1  }
0x5f: {  	v14 =	vmul.f32 v63, v62;
	v5 =	vadd.f32 v12, v5;
	_ =	sdelay $0x1  }
0x60: {  	v5 =	vadd.f32 v14, v5;
	_ =	sdelay $0x1  }
0x61: {  	v5 =	vmul.f32 $1.442695020e+00, v5;
	_ =	sdelay $0x1  }
0x62: {  	(erf) = vpow2.f32 v5;
	_ =	sdelay $0x4  }
0x63: {  	v2 =	vshll.u32 v2, $0x3;
	_ =	sdelay $0x3  }
0x64: {  	v5 =	vpop (erf)  }
0x65: {  	[tilespmem:v2+s25+$0x0] =	vst.idx.msk $0xffff, v5  }
0x66: {  	v16 =	vld.idx.msk [tilespmem:v1+s23+$0x0], $0xffff;
	_ =	sdelay $0x4  }
0x67: {  	v6 =	vmul.f32 v5, v16;
	_ =	sdelay $0x1  }
0x68: {  	[tilespmem:v1+s23+$0x0] =	vst.idx.msk $0xffff, v6  }
0x69: {  	v6 =	vld.idx.msk [tilespmem:v3+s23+$0x0], $0xffff;
	_ =	sdelay $0x4  }
0x6a: {  	v6 =	vmul.f32 v5, v6;
	_ =	sdelay $0x1  }
0x6b: {  	[tilespmem:v3+s23+$0x0] =	vst.idx.msk $0xffff, v6  }
0x6c: {  	v3 =	vld.idx.msk [tilespmem:v4+s23+$0x0], $0xffff;
	_ =	sdelay $0x4  }
0x6d: {  	v3 =	vmul.f32 v3, v5;
	_ =	sdelay $0x1  }
0x6e: {  	[tilespmem:v4+s23+$0x0] =	vst.idx.msk $0xffff, v3  }
0x6f: {  	v3 =	vld.idx.msk [tilespmem:v7+s23+$0x0], $0xffff;
	_ =	sdelay $0x4  }
0x70: {  	v3 =	vmul.f32 v3, v5;
	_ =	sdelay $0x1  }
0x71: {  	[tilespmem:v7+s23+$0x0] =	vst.idx.msk $0xffff, v3  }
0x72: {  	v3 =	vld.idx.msk [tilespmem:v10+s23+$0x0], $0xffff;
	_ =	sdelay $0x4  }
0x73: {  	v3 =	vmul.f32 v3, v5;
	_ =	sdelay $0x1  }
0x74: {  	[tilespmem:v10+s23+$0x0] =	vst.idx.msk $0xffff, v3  }
0x75: {  	v3 =	vld.idx.msk [tilespmem:v13+s23+$0x0], $0xffff;
	_ =	sdelay $0x4  }
0x76: {  	v3 =	vmul.f32 v3, v5;
	_ =	sdelay $0x1  }
0x77: {  	[tilespmem:v13+s23+$0x0] =	vst.idx.msk $0xffff, v3  }
0x78: {  	v3 =	vld.idx.msk [tilespmem:v15+s23+$0x0], $0xffff;
	_ =	sdelay $0x4  }
0x79: {  	v3 =	vmul.f32 v3, v5;
	_ =	sdelay $0x1  }
0x7a: {  	[tilespmem:v15+s23+$0x0] =	vst.idx.msk $0xffff, v3  }
0x7b: {  	v3 =	vld.idx.msk [tilespmem:v17+s23+$0x0], $0xffff;
	_ =	sdelay $0x4  }
0x7c: {  	v3 =	vmul.f32 v3, v5;
	_ =	sdelay $0x1  }
0x7d: {  	[tilespmem:v17+s23+$0x0] =	vst.idx.msk $0xffff, v3  }
0x7e: {  	v3 =	vld.idx.msk [tilespmem:v18+s23+$0x0], $0xffff;
	_ =	sdelay $0x4  }
0x7f: {  	v3 =	vmul.f32 v3, v5;
	_ =	sdelay $0x1  }
0x80: {  	[tilespmem:v18+s23+$0x0] =	vst.idx.msk $0xffff, v3  }
0x81: {  	v3 =	vld.idx.msk [tilespmem:v19+s23+$0x0], $0xffff;
	_ =	sdelay $0x4  }
0x82: {  	v3 =	vmul.f32 v3, v5;
	_ =	sdelay $0x1  }
0x83: {  	[tilespmem:v19+s23+$0x0] =	vst.idx.msk $0xffff, v3  }
0x84: {  	v3 =	vld.idx.msk [tilespmem:v20+s23+$0x0], $0xffff;
	_ =	sdelay $0x4  }
0x85: {  	v3 =	vmul.f32 v3, v5;
	_ =	sdelay $0x1  }
0x86: {  	[tilespmem:v20+s23+$0x0] =	vst.idx.msk $0xffff, v3  }
0x87: {  	v3 =	vld.idx.msk [tilespmem:v21+s23+$0x0], $0xffff;
	_ =	sdelay $0x4  }
0x88: {  	v3 =	vmul.f32 v3, v5;
	_ =	sdelay $0x1  }
0x89: {  	[tilespmem:v21+s23+$0x0] =	vst.idx.msk $0xffff, v3  }
0x8a: {  	v3 =	vld.idx.msk [tilespmem:v22+s23+$0x0], $0xffff;
	_ =	sdelay $0x4  }
0x8b: {  	v3 =	vmul.f32 v3, v5;
	_ =	sdelay $0x1  }
0x8c: {  	[tilespmem:v22+s23+$0x0] =	vst.idx.msk $0xffff, v3  }
0x8d: {  	v3 =	vld.idx.msk [tilespmem:v23+s23+$0x0], $0xffff;
	_ =	sdelay $0x4  }
0x8e: {  	v3 =	vmul.f32 v3, v5;
	_ =	sdelay $0x1  }
0x8f: {  	[tilespmem:v23+s23+$0x0] =	vst.idx.msk $0xffff, v3  }
0x90: {  	v3 =	vld.idx.msk [tilespmem:v24+s23+$0x0], $0xffff;
	_ =	sdelay $0x4  }
0x91: {  	v3 =	vmul.f32 v3, v5;
	_ =	sdelay $0x1  }
0x92: {  	[tilespmem:v24+s23+$0x0] =	vst.idx.msk $0xffff, v3  }
0x93: {  	v3 =	vld.idx.msk [tilespmem:v25+s23+$0x0], $0xffff;
	_ =	sdelay $0x2  }
0x94: {  	v4 =	vor.u32 $0x10, v1;
	_ =	sdelay $0x1  }
0x95: {  	v3 =	vmul.f32 v3, v5;
	v5 =	vor.u32 $0x11, v1;
	_ =	sdelay $0x1  }
0x96: {  	[tilespmem:v25+s23+$0x0] =	vst.idx.msk $0xffff, v3;
	v3 =	vor.u32 $0x12, v1  }
0x97: {  	v6 =	vld.idx.msk [tilespmem:v4+s21+$0x0], $0xffff  }
0x98: {  	v8 =	vor.u32 $0x13, v1;
	v7 =	vld.idx.msk [tilespmem:v4+s22+$0x0], $0xffff  }
0x99: {  	v21 =	vld.idx.msk [tilespmem:v5+s21+$0x0], $0xffff  }
0x9a: {  	v11 =	vor.u32 $0x14, v1;
	v10 =	vld.idx.msk [tilespmem:v5+s22+$0x0], $0xffff  }
0x9b: {  	v22 =	vld.idx.msk [tilespmem:v3+s21+$0x0], $0xffff  }
0x9c: {  	v14 =	vor.u32 $0x15, v1;
	v13 =	vld.idx.msk [tilespmem:v3+s22+$0x0], $0xffff  }
0x9d: {  	v23 =	vld.idx.msk [tilespmem:v8+s21+$0x0], $0xffff;
	v6 =	vmul.f32 v7, v6  }
0x9e: {  	v16 =	vor.u32 $0x16, v1;
	v15 =	vld.idx.msk [tilespmem:v8+s22+$0x0], $0xffff  }
0x9f: {  	v24 =	vld.idx.msk [tilespmem:v11+s21+$0x0], $0xffff;
	v6 =	vadd.f32 $0.0e+00, v6;
	v9 =	vmul.f32 v10, v21  }
0xa0: {  	v18 =	vor.u32 $0x17, v1;
	v17 =	vld.idx.msk [tilespmem:v11+s22+$0x0], $0xffff  }
0xa1: {  	v26 =	vld.idx.msk [tilespmem:v14+s21+$0x0], $0xffff;
	v6 =	vadd.f32 v9, v6;
	v25 =	vmul.f32 v13, v22  }
0xa2: {  	v28 =	vor.u32 $0x18, v1;
	v27 =	vld.idx.msk [tilespmem:v14+s22+$0x0], $0xffff  }
0xa3: {  	v29 =	vld.idx.msk [tilespmem:v16+s21+$0x0], $0xffff;
	v7 =	vmul.f32 v15, v23;
	v6 =	vadd.f32 v25, v6  }
0xa4: {  	v31 =	vor.u32 $0x19, v1;
	v30 =	vld.idx.msk [tilespmem:v16+s22+$0x0], $0xffff  }
0xa5: {  	v33 =	vld.idx.msk [tilespmem:v18+s21+$0x0], $0xffff;
	v32 =	vmul.f32 v17, v24;
	v6 =	vadd.f32 v7, v6  }
0xa6: {  	v35 =	vor.u32 $0x1A, v1;
	v34 =	vld.idx.msk [tilespmem:v18+s22+$0x0], $0xffff  }
0xa7: {  	v37 =	vld.idx.msk [tilespmem:v28+s21+$0x0], $0xffff;
	v36 =	vmul.f32 v27, v26;
	v6 =	vadd.f32 v32, v6  }
0xa8: {  	v39 =	vor.u32 $0x1B, v1;
	v38 =	vld.idx.msk [tilespmem:v28+s22+$0x0], $0xffff  }
0xa9: {  	v41 =	vld.idx.msk [tilespmem:v31+s21+$0x0], $0xffff;
	v40 =	vmul.f32 v30, v29;
	v6 =	vadd.f32 v36, v6  }
0xaa: {  	v43 =	vor.u32 $0x1C, v1;
	v42 =	vld.idx.msk [tilespmem:v31+s22+$0x0], $0xffff  }
0xab: {  	v45 =	vld.idx.msk [tilespmem:v35+s21+$0x0], $0xffff;
	v44 =	vmul.f32 v34, v33;
	v6 =	vadd.f32 v40, v6  }
0xac: {  	v47 =	vor.u32 $0x1D, v1;
	v46 =	vld.idx.msk [tilespmem:v35+s22+$0x0], $0xffff  }
0xad: {  	v49 =	vld.idx.msk [tilespmem:v39+s21+$0x0], $0xffff;
	v48 =	vmul.f32 v38, v37;
	v6 =	vadd.f32 v44, v6  }
0xae: {  	v51 =	vor.u32 $0x1E, v1;
	v50 =	vld.idx.msk [tilespmem:v39+s22+$0x0], $0xffff  }
0xaf: {  	v53 =	vld.idx.msk [tilespmem:v43+s21+$0x0], $0xffff;
	v52 =	vmul.f32 v42, v41;
	v6 =	vadd.f32 v48, v6  }
0xb0: {  	v54 =	vld.idx.msk [tilespmem:v43+s22+$0x0], $0xffff;
	v26 =	vor.u32 $0x1F, v1  }
0xb1: {  	v56 =	vld.idx.msk [tilespmem:v47+s21+$0x0], $0xffff;
	v55 =	vmul.f32 v46, v45;
	v6 =	vadd.f32 v52, v6  }
0xb2: {  	v57 =	vld.idx.msk [tilespmem:v47+s22+$0x0], $0xffff  }
0xb3: {  	v59 =	vld.idx.msk [tilespmem:v51+s21+$0x0], $0xffff;
	v58 =	vmul.f32 v50, v49;
	v6 =	vadd.f32 v55, v6  }
0xb4: {  	v60 =	vld.idx.msk [tilespmem:v51+s22+$0x0], $0xffff  }
0xb5: {  	v61 =	vmul.f32 v54, v53;
	v62 =	vld.idx.msk [tilespmem:v26+s21+$0x0], $0xffff;
	v6 =	vadd.f32 v58, v6  }
0xb6: {  	v63 =	vld.idx.msk [tilespmem:v26+s22+$0x0], $0xffff  }
0xb7: {  	v10 =	vmul.f32 v57, v56;
	v6 =	vadd.f32 v61, v6;
	_ =	sdelay $0x1  }
0xb8: {  	v12 =	vmul.f32 v60, v59;
	v6 =	vadd.f32 v10, v6;
	_ =	sdelay $0x1  }
0xb9: {  	v13 =	vmul.f32 v63, v62;
	v6 =	vadd.f32 v12, v6;
	_ =	sdelay $0x1  }
0xba: {  	v6 =	vadd.f32 v13, v6;
	_ =	sdelay $0x1  }
0xbb: {  	v6 =	vmul.f32 $1.442695020e+00, v6;
	_ =	sdelay $0x1  }
0xbc: {  	(erf) = vpow2.f32 v6;
	_ =	sdelay $0x4  }
0xbd: {  	v15 =	vor.u32 $0x1, v2;
	_ =	sdelay $0x3  }
0xbe: {  	v17 =	vpop (erf)  }
0xbf: {  	[tilespmem:v15+s25+$0x0] =	vst.idx.msk $0xffff, v17  }
0xc0: {  	v6 =	vld.idx.msk [tilespmem:v4+s23+$0x0], $0xffff;
	_ =	sdelay $0x4  }
0xc1: {  	v6 =	vmul.f32 v17, v6;
	_ =	sdelay $0x1  }
0xc2: {  	[tilespmem:v4+s23+$0x0] =	vst.idx.msk $0xffff, v6  }
0xc3: {  	v4 =	vld.idx.msk [tilespmem:v5+s23+$0x0], $0xffff;
	_ =	sdelay $0x4  }
0xc4: {  	v4 =	vmul.f32 v17, v4;
	_ =	sdelay $0x1  }
0xc5: {  	[tilespmem:v5+s23+$0x0] =	vst.idx.msk $0xffff, v4  }
0xc6: {  	v4 =	vld.idx.msk [tilespmem:v3+s23+$0x0], $0xffff;
	_ =	sdelay $0x4  }
0xc7: {  	v4 =	vmul.f32 v4, v17;
	_ =	sdelay $0x1  }
0xc8: {  	[tilespmem:v3+s23+$0x0] =	vst.idx.msk $0xffff, v4  }
0xc9: {  	v3 =	vld.idx.msk [tilespmem:v8+s23+$0x0], $0xffff;
	_ =	sdelay $0x4  }
0xca: {  	v3 =	vmul.f32 v3, v17;
	_ =	sdelay $0x1  }
0xcb: {  	[tilespmem:v8+s23+$0x0] =	vst.idx.msk $0xffff, v3  }
0xcc: {  	v3 =	vld.idx.msk [tilespmem:v11+s23+$0x0], $0xffff;
	_ =	sdelay $0x4  }
0xcd: {  	v3 =	vmul.f32 v3, v17;
	_ =	sdelay $0x1  }
0xce: {  	[tilespmem:v11+s23+$0x0] =	vst.idx.msk $0xffff, v3  }
0xcf: {  	v3 =	vld.idx.msk [tilespmem:v14+s23+$0x0], $0xffff;
	_ =	sdelay $0x4  }
0xd0: {  	v3 =	vmul.f32 v3, v17;
	_ =	sdelay $0x1  }
0xd1: {  	[tilespmem:v14+s23+$0x0] =	vst.idx.msk $0xffff, v3  }
0xd2: {  	v3 =	vld.idx.msk [tilespmem:v16+s23+$0x0], $0xffff;
	_ =	sdelay $0x4  }
0xd3: {  	v3 =	vmul.f32 v3, v17;
	_ =	sdelay $0x1  }
0xd4: {  	[tilespmem:v16+s23+$0x0] =	vst.idx.msk $0xffff, v3  }
0xd5: {  	v3 =	vld.idx.msk [tilespmem:v18+s23+$0x0], $0xffff;
	_ =	sdelay $0x4  }
0xd6: {  	v3 =	vmul.f32 v3, v17;
	_ =	sdelay $0x1  }
0xd7: {  	[tilespmem:v18+s23+$0x0] =	vst.idx.msk $0xffff, v3  }
0xd8: {  	v3 =	vld.idx.msk [tilespmem:v28+s23+$0x0], $0xffff;
	_ =	sdelay $0x4  }
0xd9: {  	v3 =	vmul.f32 v3, v17;
	_ =	sdelay $0x1  }
0xda: {  	[tilespmem:v28+s23+$0x0] =	vst.idx.msk $0xffff, v3  }
0xdb: {  	v3 =	vld.idx.msk [tilespmem:v31+s23+$0x0], $0xffff;
	_ =	sdelay $0x4  }
0xdc: {  	v3 =	vmul.f32 v3, v17;
	_ =	sdelay $0x1  }
0xdd: {  	[tilespmem:v31+s23+$0x0] =	vst.idx.msk $0xffff, v3  }
0xde: {  	v3 =	vld.idx.msk [tilespmem:v35+s23+$0x0], $0xffff;
	_ =	sdelay $0x4  }
0xdf: {  	v3 =	vmul.f32 v3, v17;
	_ =	sdelay $0x1  }
0xe0: {  	[tilespmem:v35+s23+$0x0] =	vst.idx.msk $0xffff, v3  }
0xe1: {  	v3 =	vld.idx.msk [tilespmem:v39+s23+$0x0], $0xffff;
	_ =	sdelay $0x4  }
0xe2: {  	v3 =	vmul.f32 v3, v17;
	_ =	sdelay $0x1  }
0xe3: {  	[tilespmem:v39+s23+$0x0] =	vst.idx.msk $0xffff, v3  }
0xe4: {  	v3 =	vld.idx.msk [tilespmem:v43+s23+$0x0], $0xffff;
	_ =	sdelay $0x4  }
0xe5: {  	v3 =	vmul.f32 v3, v17;
	_ =	sdelay $0x1  }
0xe6: {  	[tilespmem:v43+s23+$0x0] =	vst.idx.msk $0xffff, v3  }
0xe7: {  	v3 =	vld.idx.msk [tilespmem:v47+s23+$0x0], $0xffff;
	_ =	sdelay $0x4  }
0xe8: {  	v3 =	vmul.f32 v3, v17;
	_ =	sdelay $0x1  }
0xe9: {  	[tilespmem:v47+s23+$0x0] =	vst.idx.msk $0xffff, v3  }
0xea: {  	v3 =	vld.idx.msk [tilespmem:v51+s23+$0x0], $0xffff;
	_ =	sdelay $0x4  }
0xeb: {  	v3 =	vmul.f32 v3, v17;
	_ =	sdelay $0x1  }
0xec: {  	[tilespmem:v51+s23+$0x0] =	vst.idx.msk $0xffff, v3  }
0xed: {  	v3 =	vld.idx.msk [tilespmem:v26+s23+$0x0], $0xffff;
	_ =	sdelay $0x2  }
0xee: {  	v4 =	vor.u32 $0x20, v1;
	_ =	sdelay $0x1  }
0xef: {  	v5 =	vor.u32 $0x21, v1;
	v3 =	vmul.f32 v3, v17;
	_ =	sdelay $0x1  }
0xf0: {  	[tilespmem:v26+s23+$0x0] =	vst.idx.msk $0xffff, v3;
	v3 =	vor.u32 $0x22, v1  }
0xf1: {  	v6 =	vld.idx.msk [tilespmem:v4+s21+$0x0], $0xffff  }
0xf2: {  	v8 =	vor.u32 $0x23, v1;
	v25 =	vld.idx.msk [tilespmem:v4+s22+$0x0], $0xffff  }
0xf3: {  	v26 =	vld.idx.msk [tilespmem:v5+s21+$0x0], $0xffff  }
0xf4: {  	v11 =	vor.u32 $0x24, v1;
	v27 =	vld.idx.msk [tilespmem:v5+s22+$0x0], $0xffff  }
0xf5: {  	v28 =	vld.idx.msk [tilespmem:v3+s21+$0x0], $0xffff  }
0xf6: {  	v14 =	vor.u32 $0x25, v1;
	v29 =	vld.idx.msk [tilespmem:v3+s22+$0x0], $0xffff  }
0xf7: {  	v30 =	vld.idx.msk [tilespmem:v8+s21+$0x0], $0xffff;
	v6 =	vmul.f32 v25, v6  }
0xf8: {  	v16 =	vor.u32 $0x26, v1;
	v31 =	vld.idx.msk [tilespmem:v8+s22+$0x0], $0xffff  }
0xf9: {  	v32 =	vld.idx.msk [tilespmem:v11+s21+$0x0], $0xffff;
	v9 =	vmul.f32 v27, v26;
	v6 =	vadd.f32 $0.0e+00, v6  }
0xfa: {  	v18 =	vor.u32 $0x27, v1;
	v33 =	vld.idx.msk [tilespmem:v11+s22+$0x0], $0xffff  }
0xfb: {  	v35 =	vld.idx.msk [tilespmem:v14+s21+$0x0], $0xffff;
	v6 =	vadd.f32 v9, v6;
	v34 =	vmul.f32 v29, v28  }
0xfc: {  	v19 =	vor.u32 $0x28, v1;
	v36 =	vld.idx.msk [tilespmem:v14+s22+$0x0], $0xffff  }
0xfd: {  	v37 =	vld.idx.msk [tilespmem:v16+s21+$0x0], $0xffff;
	v7 =	vmul.f32 v31, v30;
	v6 =	vadd.f32 v34, v6  }
0xfe: {  	v20 =	vor.u32 $0x29, v1;
	v38 =	vld.idx.msk [tilespmem:v16+s22+$0x0], $0xffff  }
0xff: {  	v40 =	vld.idx.msk [tilespmem:v18+s21+$0x0], $0xffff;
	v39 =	vmul.f32 v33, v32;
	v6 =	vadd.f32 v7, v6  }
0x100: {  	v42 =	vor.u32 $0x2A, v1;
	v41 =	vld.idx.msk [tilespmem:v18+s22+$0x0], $0xffff  }
0x101: {  	v44 =	vld.idx.msk [tilespmem:v19+s21+$0x0], $0xffff;
	v43 =	vmul.f32 v36, v35;
	v6 =	vadd.f32 v39, v6  }
0x102: {  	v46 =	vor.u32 $0x2B, v1;
	v45 =	vld.idx.msk [tilespmem:v19+s22+$0x0], $0xffff  }
0x103: {  	v48 =	vld.idx.msk [tilespmem:v20+s21+$0x0], $0xffff;
	v47 =	vmul.f32 v38, v37;
	v6 =	vadd.f32 v43, v6  }
0x104: {  	v50 =	vor.u32 $0x2C, v1;
	v49 =	vld.idx.msk [tilespmem:v20+s22+$0x0], $0xffff  }
0x105: {  	v52 =	vld.idx.msk [tilespmem:v42+s21+$0x0], $0xffff;
	v51 =	vmul.f32 v41, v40;
	v6 =	vadd.f32 v47, v6  }
0x106: {  	v54 =	vor.u32 $0x2D, v1;
	v53 =	vld.idx.msk [tilespmem:v42+s22+$0x0], $0xffff  }
0x107: {  	v56 =	vld.idx.msk [tilespmem:v46+s21+$0x0], $0xffff;
	v55 =	vmul.f32 v45, v44;
	v6 =	vadd.f32 v51, v6  }
0x108: {  	v58 =	vor.u32 $0x2E, v1;
	v57 =	vld.idx.msk [tilespmem:v46+s22+$0x0], $0xffff  }
0x109: {  	v60 =	vld.idx.msk [tilespmem:v50+s21+$0x0], $0xffff;
	v59 =	vmul.f32 v49, v48;
	v6 =	vadd.f32 v55, v6  }
0x10a: {  	v62 =	vor.u32 $0x2F, v1;
	v61 =	vld.idx.msk [tilespmem:v50+s22+$0x0], $0xffff  }
0x10b: {  	v63 =	vmul.f32 v53, v52;
	v27 =	vld.idx.msk [tilespmem:v54+s21+$0x0], $0xffff;
	v6 =	vadd.f32 v59, v6  }
0x10c: {  	v28 =	vld.idx.msk [tilespmem:v54+s22+$0x0], $0xffff  }
0x10d: {  	v30 =	vld.idx.msk [tilespmem:v58+s21+$0x0], $0xffff;
	v29 =	vmul.f32 v57, v56;
	v6 =	vadd.f32 v63, v6  }
0x10e: {  	v31 =	vld.idx.msk [tilespmem:v58+s22+$0x0], $0xffff  }
0x10f: {  	v32 =	vmul.f32 v61, v60;
	v33 =	vld.idx.msk [tilespmem:v62+s21+$0x0], $0xffff;
	v6 =	vadd.f32 v29, v6  }
0x110: {  	v34 =	vld.idx.msk [tilespmem:v62+s22+$0x0], $0xffff  }
0x111: {  	v35 =	vmul.f32 v28, v27;
	v6 =	vadd.f32 v32, v6;
	_ =	sdelay $0x1  }
0x112: {  	v36 =	vmul.f32 v31, v30;
	v6 =	vadd.f32 v35, v6;
	_ =	sdelay $0x1  }
0x113: {  	v37 =	vmul.f32 v34, v33;
	v6 =	vadd.f32 v36, v6;
	_ =	sdelay $0x1  }
0x114: {  	v6 =	vadd.f32 v37, v6;
	_ =	sdelay $0x1  }
0x115: {  	v6 =	vmul.f32 $1.442695020e+00, v6;
	_ =	sdelay $0x1  }
0x116: {  	(erf) = vpow2.f32 v6;
	_ =	sdelay $0x4  }
0x117: {  	v38 =	vor.u32 $0x2, v2;
	_ =	sdelay $0x3  }
0x118: {  	v39 =	vpop (erf)  }
0x119: {  	[tilespmem:v38+s25+$0x0] =	vst.idx.msk $0xffff, v39  }
0x11a: {  	v6 =	vld.idx.msk [tilespmem:v4+s23+$0x0], $0xffff;
	_ =	sdelay $0x4  }
0x11b: {  	v6 =	vmul.f32 v39, v6;
	_ =	sdelay $0x1  }
0x11c: {  	[tilespmem:v4+s23+$0x0] =	vst.idx.msk $0xffff, v6  }
0x11d: {  	v4 =	vld.idx.msk [tilespmem:v5+s23+$0x0], $0xffff;
	_ =	sdelay $0x4  }
0x11e: {  	v4 =	vmul.f32 v39, v4;
	_ =	sdelay $0x1  }
0x11f: {  	[tilespmem:v5+s23+$0x0] =	vst.idx.msk $0xffff, v4  }
0x120: {  	v4 =	vld.idx.msk [tilespmem:v3+s23+$0x0], $0xffff;
	_ =	sdelay $0x4  }
0x121: {  	v4 =	vmul.f32 v4, v39;
	_ =	sdelay $0x1  }
0x122: {  	[tilespmem:v3+s23+$0x0] =	vst.idx.msk $0xffff, v4  }
0x123: {  	v3 =	vld.idx.msk [tilespmem:v8+s23+$0x0], $0xffff;
	_ =	sdelay $0x4  }
0x124: {  	v3 =	vmul.f32 v3, v39;
	_ =	sdelay $0x1  }
0x125: {  	[tilespmem:v8+s23+$0x0] =	vst.idx.msk $0xffff, v3  }
0x126: {  	v3 =	vld.idx.msk [tilespmem:v11+s23+$0x0], $0xffff;
	_ =	sdelay $0x4  }
0x127: {  	v3 =	vmul.f32 v3, v39;
	_ =	sdelay $0x1  }
0x128: {  	[tilespmem:v11+s23+$0x0] =	vst.idx.msk $0xffff, v3  }
0x129: {  	v3 =	vld.idx.msk [tilespmem:v14+s23+$0x0], $0xffff;
	_ =	sdelay $0x4  }
0x12a: {  	v3 =	vmul.f32 v3, v39;
	_ =	sdelay $0x1  }
0x12b: {  	[tilespmem:v14+s23+$0x0] =	vst.idx.msk $0xffff, v3  }
0x12c: {  	v3 =	vld.idx.msk [tilespmem:v16+s23+$0x0], $0xffff;
	_ =	sdelay $0x4  }
0x12d: {  	v3 =	vmul.f32 v3, v39;
	_ =	sdelay $0x1  }
0x12e: {  	[tilespmem:v16+s23+$0x0] =	vst.idx.msk $0xffff, v3  }
0x12f: {  	v3 =	vld.idx.msk [tilespmem:v18+s23+$0x0], $0xffff;
	_ =	sdelay $0x4  }
0x130: {  	v3 =	vmul.f32 v3, v39;
	_ =	sdelay $0x1  }
0x131: {  	[tilespmem:v18+s23+$0x0] =	vst.idx.msk $0xffff, v3  }
0x132: {  	v3 =	vld.idx.msk [tilespmem:v19+s23+$0x0], $0xffff;
	_ =	sdelay $0x4  }
0x133: {  	v3 =	vmul.f32 v3, v39;
	_ =	sdelay $0x1  }
0x134: {  	[tilespmem:v19+s23+$0x0] =	vst.idx.msk $0xffff, v3  }
0x135: {  	v3 =	vld.idx.msk [tilespmem:v20+s23+$0x0], $0xffff;
	_ =	sdelay $0x4  }
0x136: {  	v3 =	vmul.f32 v3, v39;
	_ =	sdelay $0x1  }
0x137: {  	[tilespmem:v20+s23+$0x0] =	vst.idx.msk $0xffff, v3  }
0x138: {  	v3 =	vld.idx.msk [tilespmem:v42+s23+$0x0], $0xffff;
	_ =	sdelay $0x4  }
0x139: {  	v3 =	vmul.f32 v3, v39;
	_ =	sdelay $0x1  }
0x13a: {  	[tilespmem:v42+s23+$0x0] =	vst.idx.msk $0xffff, v3  }
0x13b: {  	v3 =	vld.idx.msk [tilespmem:v46+s23+$0x0], $0xffff;
	_ =	sdelay $0x4  }
0x13c: {  	v3 =	vmul.f32 v3, v39;
	_ =	sdelay $0x1  }
0x13d: {  	[tilespmem:v46+s23+$0x0] =	vst.idx.msk $0xffff, v3  }
0x13e: {  	v3 =	vld.idx.msk [tilespmem:v50+s23+$0x0], $0xffff;
	_ =	sdelay $0x4  }
0x13f: {  	v3 =	vmul.f32 v3, v39;
	_ =	sdelay $0x1  }
0x140: {  	[tilespmem:v50+s23+$0x0] =	vst.idx.msk $0xffff, v3  }
0x141: {  	v3 =	vld.idx.msk [tilespmem:v54+s23+$0x0], $0xffff;
	_ =	sdelay $0x4  }
0x142: {  	v3 =	vmul.f32 v3, v39;
	_ =	sdelay $0x1  }
0x143: {  	[tilespmem:v54+s23+$0x0] =	vst.idx.msk $0xffff, v3  }
0x144: {  	v3 =	vld.idx.msk [tilespmem:v58+s23+$0x0], $0xffff;
	_ =	sdelay $0x4  }
0x145: {  	v3 =	vmul.f32 v3, v39;
	_ =	sdelay $0x1  }
0x146: {  	[tilespmem:v58+s23+$0x0] =	vst.idx.msk $0xffff, v3  }
0x147: {  	v3 =	vld.idx.msk [tilespmem:v62+s23+$0x0], $0xffff;
	_ =	sdelay $0x2  }
0x148: {  	v4 =	vor.u32 $0x30, v1;
	_ =	sdelay $0x1  }
0x149: {  	v5 =	vor.u32 $0x31, v1;
	v3 =	vmul.f32 v3, v39;
	_ =	sdelay $0x1  }
0x14a: {  	[tilespmem:v62+s23+$0x0] =	vst.idx.msk $0xffff, v3;
	v3 =	vor.u32 $0x32, v1  }
0x14b: {  	v6 =	vld.idx.msk [tilespmem:v4+s21+$0x0], $0xffff  }
0x14c: {  	v8 =	vor.u32 $0x33, v1;
	v40 =	vld.idx.msk [tilespmem:v4+s22+$0x0], $0xffff  }
0x14d: {  	v41 =	vld.idx.msk [tilespmem:v5+s21+$0x0], $0xffff  }
0x14e: {  	v11 =	vor.u32 $0x34, v1;
	v42 =	vld.idx.msk [tilespmem:v5+s22+$0x0], $0xffff  }
0x14f: {  	v43 =	vld.idx.msk [tilespmem:v3+s21+$0x0], $0xffff  }
0x150: {  	v14 =	vor.u32 $0x35, v1;
	v44 =	vld.idx.msk [tilespmem:v3+s22+$0x0], $0xffff  }
0x151: {  	v45 =	vld.idx.msk [tilespmem:v8+s21+$0x0], $0xffff;
	v6 =	vmul.f32 v40, v6  }
0x152: {  	v16 =	vor.u32 $0x36, v1;
	v46 =	vld.idx.msk [tilespmem:v8+s22+$0x0], $0xffff  }
0x153: {  	v47 =	vld.idx.msk [tilespmem:v11+s21+$0x0], $0xffff;
	v9 =	vmul.f32 v42, v41;
	v6 =	vadd.f32 $0.0e+00, v6  }
0x154: {  	v18 =	vor.u32 $0x37, v1;
	v48 =	vld.idx.msk [tilespmem:v11+s22+$0x0], $0xffff  }
0x155: {  	v50 =	vld.idx.msk [tilespmem:v14+s21+$0x0], $0xffff;
	v6 =	vadd.f32 v9, v6;
	v49 =	vmul.f32 v44, v43  }
0x156: {  	v19 =	vor.u32 $0x38, v1;
	v51 =	vld.idx.msk [tilespmem:v14+s22+$0x0], $0xffff  }
0x157: {  	v52 =	vld.idx.msk [tilespmem:v16+s21+$0x0], $0xffff;
	v7 =	vmul.f32 v46, v45;
	v6 =	vadd.f32 v49, v6  }
0x158: {  	v20 =	vor.u32 $0x39, v1;
	v53 =	vld.idx.msk [tilespmem:v16+s22+$0x0], $0xffff  }
0x159: {  	v55 =	vld.idx.msk [tilespmem:v18+s21+$0x0], $0xffff;
	v54 =	vmul.f32 v48, v47;
	v6 =	vadd.f32 v7, v6  }
0x15a: {  	v57 =	vor.u32 $0x3A, v1;
	v56 =	vld.idx.msk [tilespmem:v18+s22+$0x0], $0xffff  }
0x15b: {  	v59 =	vld.idx.msk [tilespmem:v19+s21+$0x0], $0xffff;
	v58 =	vmul.f32 v51, v50;
	v6 =	vadd.f32 v54, v6  }
0x15c: {  	v61 =	vor.u32 $0x3B, v1;
	v60 =	vld.idx.msk [tilespmem:v19+s22+$0x0], $0xffff  }
0x15d: {  	v63 =	vld.idx.msk [tilespmem:v20+s21+$0x0], $0xffff;
	v62 =	vmul.f32 v53, v52;
	v6 =	vadd.f32 v58, v6  }
0x15e: {  	v29 =	vor.u32 $0x3C, v1;
	v28 =	vld.idx.msk [tilespmem:v20+s22+$0x0], $0xffff  }
0x15f: {  	v31 =	vld.idx.msk [tilespmem:v57+s21+$0x0], $0xffff;
	v30 =	vmul.f32 v56, v55;
	v6 =	vadd.f32 v62, v6  }
0x160: {  	v33 =	vor.u32 $0x3D, v1;
	v32 =	vld.idx.msk [tilespmem:v57+s22+$0x0], $0xffff  }
0x161: {  	v35 =	vld.idx.msk [tilespmem:v61+s21+$0x0], $0xffff;
	v34 =	vmul.f32 v60, v59;
	v6 =	vadd.f32 v30, v6  }
0x162: {  	v37 =	vor.u32 $0x3E, v1;
	v36 =	vld.idx.msk [tilespmem:v61+s22+$0x0], $0xffff  }
0x163: {  	v39 =	vld.idx.msk [tilespmem:v29+s21+$0x0], $0xffff;
	v38 =	vmul.f32 v28, v63;
	v6 =	vadd.f32 v34, v6  }
0x164: {  	v40 =	vld.idx.msk [tilespmem:v29+s22+$0x0], $0xffff;
	v41 =	vor.u32 $0x3F, v1  }
0x165: {  	v42 =	vmul.f32 v32, v31;
	v43 =	vld.idx.msk [tilespmem:v33+s21+$0x0], $0xffff;
	v6 =	vadd.f32 v38, v6  }
0x166: {  	v44 =	vld.idx.msk [tilespmem:v33+s22+$0x0], $0xffff  }
0x167: {  	v45 =	vmul.f32 v36, v35;
	v46 =	vld.idx.msk [tilespmem:v37+s21+$0x0], $0xffff;
	v6 =	vadd.f32 v42, v6  }
0x168: {  	v47 =	vld.idx.msk [tilespmem:v37+s22+$0x0], $0xffff  }
0x169: {  	v48 =	vmul.f32 v40, v39;
	v50 =	vld.idx.msk [tilespmem:v41+s22+$0x0], $0xffff;
	v6 =	vadd.f32 v45, v6  }
0x16a: {  	v49 =	vld.idx.msk [tilespmem:v41+s21+$0x0], $0xffff  }
0x16b: {  	v51 =	vmul.f32 v44, v43;
	v6 =	vadd.f32 v48, v6;
	_ =	sdelay $0x1  }
0x16c: {  	v52 =	vmul.f32 v47, v46;
	v6 =	vadd.f32 v51, v6;
	_ =	sdelay $0x1  }
0x16d: {  	v53 =	vmul.f32 v50, v49;
	v6 =	vadd.f32 v52, v6;
	_ =	sdelay $0x1  }
0x16e: {  	v6 =	vadd.f32 v53, v6;
	_ =	sdelay $0x1  }
0x16f: {  	v6 =	vmul.f32 $1.442695020e+00, v6;
	_ =	sdelay $0x1  }
0x170: {  	(erf) = vpow2.f32 v6;
	_ =	sdelay $0x4  }
0x171: {  	v54 =	vor.u32 $0x3, v2;
	_ =	sdelay $0x3  }
0x172: {  	v55 =	vpop (erf)  }
0x173: {  	[tilespmem:v54+s25+$0x0] =	vst.idx.msk $0xffff, v55  }
0x174: {  	v6 =	vld.idx.msk [tilespmem:v4+s23+$0x0], $0xffff;
	_ =	sdelay $0x4  }
0x175: {  	v6 =	vmul.f32 v55, v6;
	_ =	sdelay $0x1  }
0x176: {  	[tilespmem:v4+s23+$0x0] =	vst.idx.msk $0xffff, v6  }
0x177: {  	v4 =	vld.idx.msk [tilespmem:v5+s23+$0x0], $0xffff;
	_ =	sdelay $0x4  }
0x178: {  	v4 =	vmul.f32 v55, v4;
	_ =	sdelay $0x1  }
0x179: {  	[tilespmem:v5+s23+$0x0] =	vst.idx.msk $0xffff, v4  }
0x17a: {  	v4 =	vld.idx.msk [tilespmem:v3+s23+$0x0], $0xffff;
	_ =	sdelay $0x4  }
0x17b: {  	v4 =	vmul.f32 v4, v55;
	_ =	sdelay $0x1  }
0x17c: {  	[tilespmem:v3+s23+$0x0] =	vst.idx.msk $0xffff, v4  }
0x17d: {  	v3 =	vld.idx.msk [tilespmem:v8+s23+$0x0], $0xffff;
	_ =	sdelay $0x4  }
0x17e: {  	v3 =	vmul.f32 v3, v55;
	_ =	sdelay $0x1  }
0x17f: {  	[tilespmem:v8+s23+$0x0] =	vst.idx.msk $0xffff, v3  }
0x180: {  	v3 =	vld.idx.msk [tilespmem:v11+s23+$0x0], $0xffff;
	_ =	sdelay $0x4  }
0x181: {  	v3 =	vmul.f32 v3, v55;
	_ =	sdelay $0x1  }
0x182: {  	[tilespmem:v11+s23+$0x0] =	vst.idx.msk $0xffff, v3  }
0x183: {  	v3 =	vld.idx.msk [tilespmem:v14+s23+$0x0], $0xffff;
	_ =	sdelay $0x4  }
0x184: {  	v3 =	vmul.f32 v3, v55;
	_ =	sdelay $0x1  }
0x185: {  	[tilespmem:v14+s23+$0x0] =	vst.idx.msk $0xffff, v3  }
0x186: {  	v3 =	vld.idx.msk [tilespmem:v16+s23+$0x0], $0xffff;
	_ =	sdelay $0x4  }
0x187: {  	v3 =	vmul.f32 v3, v55;
	_ =	sdelay $0x1  }
0x188: {  	[tilespmem:v16+s23+$0x0] =	vst.idx.msk $0xffff, v3  }
0x189: {  	v3 =	vld.idx.msk [tilespmem:v18+s23+$0x0], $0xffff;
	_ =	sdelay $0x4  }
0x18a: {  	v3 =	vmul.f32 v3, v55;
	_ =	sdelay $0x1  }
0x18b: {  	[tilespmem:v18+s23+$0x0] =	vst.idx.msk $0xffff, v3  }
0x18c: {  	v3 =	vld.idx.msk [tilespmem:v19+s23+$0x0], $0xffff;
	_ =	sdelay $0x4  }
0x18d: {  	v3 =	vmul.f32 v3, v55;
	_ =	sdelay $0x1  }
0x18e: {  	[tilespmem:v19+s23+$0x0] =	vst.idx.msk $0xffff, v3  }
0x18f: {  	v3 =	vld.idx.msk [tilespmem:v20+s23+$0x0], $0xffff;
	_ =	sdelay $0x4  }
0x190: {  	v3 =	vmul.f32 v3, v55;
	_ =	sdelay $0x1  }
0x191: {  	[tilespmem:v20+s23+$0x0] =	vst.idx.msk $0xffff, v3  }
0x192: {  	v3 =	vld.idx.msk [tilespmem:v57+s23+$0x0], $0xffff;
	_ =	sdelay $0x4  }
0x193: {  	v3 =	vmul.f32 v3, v55;
	_ =	sdelay $0x1  }
0x194: {  	[tilespmem:v57+s23+$0x0] =	vst.idx.msk $0xffff, v3  }
0x195: {  	v3 =	vld.idx.msk [tilespmem:v61+s23+$0x0], $0xffff;
	_ =	sdelay $0x4  }
0x196: {  	v3 =	vmul.f32 v3, v55;
	_ =	sdelay $0x1  }
0x197: {  	[tilespmem:v61+s23+$0x0] =	vst.idx.msk $0xffff, v3  }
0x198: {  	v3 =	vld.idx.msk [tilespmem:v29+s23+$0x0], $0xffff;
	_ =	sdelay $0x4  }
0x199: {  	v3 =	vmul.f32 v3, v55;
	_ =	sdelay $0x1  }
0x19a: {  	[tilespmem:v29+s23+$0x0] =	vst.idx.msk $0xffff, v3  }
0x19b: {  	v3 =	vld.idx.msk [tilespmem:v33+s23+$0x0], $0xffff;
	_ =	sdelay $0x4  }
0x19c: {  	v3 =	vmul.f32 v3, v55;
	_ =	sdelay $0x1  }
0x19d: {  	[tilespmem:v33+s23+$0x0] =	vst.idx.msk $0xffff, v3  }
0x19e: {  	v3 =	vld.idx.msk [tilespmem:v37+s23+$0x0], $0xffff;
	_ =	sdelay $0x4  }
0x19f: {  	v3 =	vmul.f32 v3, v55;
	_ =	sdelay $0x1  }
0x1a0: {  	[tilespmem:v37+s23+$0x0] =	vst.idx.msk $0xffff, v3  }
0x1a1: {  	v3 =	vld.idx.msk [tilespmem:v41+s23+$0x0], $0xffff;
	_ =	sdelay $0x2  }
0x1a2: {  	v4 =	vor.u32 $0x40, v1;
	_ =	sdelay $0x1  }
0x1a3: {  	v5 =	vor.u32 $0x41, v1;
	v3 =	vmul.f32 v3, v55;
	_ =	sdelay $0x1  }
0x1a4: {  	[tilespmem:v41+s23+$0x0] =	vst.idx.msk $0xffff, v3;
	v3 =	vor.u32 $0x42, v1  }
0x1a5: {  	v6 =	vld.idx.msk [tilespmem:v4+s21+$0x0], $0xffff  }
0x1a6: {  	v8 =	vor.u32 $0x43, v1;
	v56 =	vld.idx.msk [tilespmem:v4+s22+$0x0], $0xffff  }
0x1a7: {  	v57 =	vld.idx.msk [tilespmem:v5+s21+$0x0], $0xffff  }
0x1a8: {  	v11 =	vor.u32 $0x44, v1;
	v58 =	vld.idx.msk [tilespmem:v5+s22+$0x0], $0xffff  }
0x1a9: {  	v59 =	vld.idx.msk [tilespmem:v3+s21+$0x0], $0xffff  }
0x1aa: {  	v14 =	vor.u32 $0x45, v1;
	v60 =	vld.idx.msk [tilespmem:v3+s22+$0x0], $0xffff  }
0x1ab: {  	v61 =	vld.idx.msk [tilespmem:v8+s21+$0x0], $0xffff;
	v6 =	vmul.f32 v56, v6  }
0x1ac: {  	v16 =	vor.u32 $0x46, v1;
	v62 =	vld.idx.msk [tilespmem:v8+s22+$0x0], $0xffff  }
0x1ad: {  	v63 =	vld.idx.msk [tilespmem:v11+s21+$0x0], $0xffff;
	v9 =	vmul.f32 v58, v57;
	v6 =	vadd.f32 $0.0e+00, v6  }
0x1ae: {  	v18 =	vor.u32 $0x47, v1;
	v24 =	vld.idx.msk [tilespmem:v11+s22+$0x0], $0xffff  }
0x1af: {  	v26 =	vld.idx.msk [tilespmem:v14+s21+$0x0], $0xffff;
	v6 =	vadd.f32 v9, v6;
	v25 =	vmul.f32 v60, v59  }
0x1b0: {  	v19 =	vor.u32 $0x48, v1;
	v27 =	vld.idx.msk [tilespmem:v14+s22+$0x0], $0xffff  }
0x1b1: {  	v28 =	vld.idx.msk [tilespmem:v16+s21+$0x0], $0xffff;
	v7 =	vmul.f32 v62, v61;
	v6 =	vadd.f32 v25, v6  }
0x1b2: {  	v30 =	vor.u32 $0x49, v1;
	v29 =	vld.idx.msk [tilespmem:v16+s22+$0x0], $0xffff  }
0x1b3: {  	v32 =	vld.idx.msk [tilespmem:v18+s21+$0x0], $0xffff;
	v31 =	vmul.f32 v24, v63;
	v6 =	vadd.f32 v7, v6  }
0x1b4: {  	v34 =	vor.u32 $0x4A, v1;
	v33 =	vld.idx.msk [tilespmem:v18+s22+$0x0], $0xffff  }
0x1b5: {  	v36 =	vld.idx.msk [tilespmem:v19+s21+$0x0], $0xffff;
	v35 =	vmul.f32 v27, v26;
	v6 =	vadd.f32 v31, v6  }
0x1b6: {  	v38 =	vor.u32 $0x4B, v1;
	v37 =	vld.idx.msk [tilespmem:v19+s22+$0x0], $0xffff  }
0x1b7: {  	v40 =	vld.idx.msk [tilespmem:v30+s21+$0x0], $0xffff;
	v39 =	vmul.f32 v29, v28;
	v6 =	vadd.f32 v35, v6  }
0x1b8: {  	v42 =	vor.u32 $0x4C, v1;
	v41 =	vld.idx.msk [tilespmem:v30+s22+$0x0], $0xffff  }
0x1b9: {  	v44 =	vld.idx.msk [tilespmem:v34+s21+$0x0], $0xffff;
	v43 =	vmul.f32 v33, v32;
	v6 =	vadd.f32 v39, v6  }
0x1ba: {  	v46 =	vor.u32 $0x4D, v1;
	v45 =	vld.idx.msk [tilespmem:v34+s22+$0x0], $0xffff  }
0x1bb: {  	v48 =	vld.idx.msk [tilespmem:v38+s21+$0x0], $0xffff;
	v47 =	vmul.f32 v37, v36;
	v6 =	vadd.f32 v43, v6  }
0x1bc: {  	v50 =	vor.u32 $0x4E, v1;
	v49 =	vld.idx.msk [tilespmem:v38+s22+$0x0], $0xffff  }
0x1bd: {  	v52 =	vld.idx.msk [tilespmem:v42+s21+$0x0], $0xffff;
	v51 =	vmul.f32 v41, v40;
	v6 =	vadd.f32 v47, v6  }
0x1be: {  	v54 =	vor.u32 $0x4F, v1;
	v53 =	vld.idx.msk [tilespmem:v42+s22+$0x0], $0xffff  }
0x1bf: {  	v55 =	vmul.f32 v45, v44;
	v56 =	vld.idx.msk [tilespmem:v46+s21+$0x0], $0xffff;
	v6 =	vadd.f32 v51, v6  }
0x1c0: {  	v57 =	vld.idx.msk [tilespmem:v46+s22+$0x0], $0xffff  }
0x1c1: {  	v58 =	vmul.f32 v49, v48;
	v59 =	vld.idx.msk [tilespmem:v50+s21+$0x0], $0xffff;
	v6 =	vadd.f32 v55, v6  }
0x1c2: {  	v60 =	vld.idx.msk [tilespmem:v50+s22+$0x0], $0xffff  }
0x1c3: {  	v61 =	vmul.f32 v53, v52;
	v62 =	vld.idx.msk [tilespmem:v54+s21+$0x0], $0xffff;
	v6 =	vadd.f32 v58, v6  }
0x1c4: {  	v63 =	vld.idx.msk [tilespmem:v54+s22+$0x0], $0xffff  }
0x1c5: {  	v10 =	vmul.f32 v57, v56;
	v6 =	vadd.f32 v61, v6;
	_ =	sdelay $0x1  }
0x1c6: {  	v12 =	vmul.f32 v60, v59;
	v6 =	vadd.f32 v10, v6;
	_ =	sdelay $0x1  }
0x1c7: {  	v13 =	vmul.f32 v63, v62;
	v6 =	vadd.f32 v12, v6;
	_ =	sdelay $0x1  }
0x1c8: {  	v6 =	vadd.f32 v13, v6;
	_ =	sdelay $0x1  }
0x1c9: {  	v6 =	vmul.f32 $1.442695020e+00, v6;
	_ =	sdelay $0x1  }
0x1ca: {  	(erf) = vpow2.f32 v6;
	_ =	sdelay $0x4  }
0x1cb: {  	v15 =	vor.u32 $0x4, v2;
	_ =	sdelay $0x3  }
0x1cc: {  	v17 =	vpop (erf)  }
0x1cd: {  	[tilespmem:v15+s25+$0x0] =	vst.idx.msk $0xffff, v17  }
0x1ce: {  	v6 =	vld.idx.msk [tilespmem:v4+s23+$0x0], $0xffff;
	_ =	sdelay $0x4  }
0x1cf: {  	v6 =	vmul.f32 v17, v6;
	_ =	sdelay $0x1  }
0x1d0: {  	[tilespmem:v4+s23+$0x0] =	vst.idx.msk $0xffff, v6  }
0x1d1: {  	v4 =	vld.idx.msk [tilespmem:v5+s23+$0x0], $0xffff;
	_ =	sdelay $0x4  }
0x1d2: {  	v4 =	vmul.f32 v17, v4;
	_ =	sdelay $0x1  }
0x1d3: {  	[tilespmem:v5+s23+$0x0] =	vst.idx.msk $0xffff, v4  }
0x1d4: {  	v4 =	vld.idx.msk [tilespmem:v3+s23+$0x0], $0xffff;
	_ =	sdelay $0x4  }
0x1d5: {  	v4 =	vmul.f32 v4, v17;
	_ =	sdelay $0x1  }
0x1d6: {  	[tilespmem:v3+s23+$0x0] =	vst.idx.msk $0xffff, v4  }
0x1d7: {  	v3 =	vld.idx.msk [tilespmem:v8+s23+$0x0], $0xffff;
	_ =	sdelay $0x4  }
0x1d8: {  	v3 =	vmul.f32 v3, v17;
	_ =	sdelay $0x1  }
0x1d9: {  	[tilespmem:v8+s23+$0x0] =	vst.idx.msk $0xffff, v3  }
0x1da: {  	v3 =	vld.idx.msk [tilespmem:v11+s23+$0x0], $0xffff;
	_ =	sdelay $0x4  }
0x1db: {  	v3 =	vmul.f32 v3, v17;
	_ =	sdelay $0x1  }
0x1dc: {  	[tilespmem:v11+s23+$0x0] =	vst.idx.msk $0xffff, v3  }
0x1dd: {  	v3 =	vld.idx.msk [tilespmem:v14+s23+$0x0], $0xffff;
	_ =	sdelay $0x4  }
0x1de: {  	v3 =	vmul.f32 v3, v17;
	_ =	sdelay $0x1  }
0x1df: {  	[tilespmem:v14+s23+$0x0] =	vst.idx.msk $0xffff, v3  }
0x1e0: {  	v3 =	vld.idx.msk [tilespmem:v16+s23+$0x0], $0xffff;
	_ =	sdelay $0x4  }
0x1e1: {  	v3 =	vmul.f32 v3, v17;
	_ =	sdelay $0x1  }
0x1e2: {  	[tilespmem:v16+s23+$0x0] =	vst.idx.msk $0xffff, v3  }
0x1e3: {  	v3 =	vld.idx.msk [tilespmem:v18+s23+$0x0], $0xffff;
	_ =	sdelay $0x4  }
0x1e4: {  	v3 =	vmul.f32 v3, v17;
	_ =	sdelay $0x1  }
0x1e5: {  	[tilespmem:v18+s23+$0x0] =	vst.idx.msk $0xffff, v3  }
0x1e6: {  	v3 =	vld.idx.msk [tilespmem:v19+s23+$0x0], $0xffff;
	_ =	sdelay $0x4  }
0x1e7: {  	v3 =	vmul.f32 v3, v17;
	_ =	sdelay $0x1  }
0x1e8: {  	[tilespmem:v19+s23+$0x0] =	vst.idx.msk $0xffff, v3  }
0x1e9: {  	v3 =	vld.idx.msk [tilespmem:v30+s23+$0x0], $0xffff;
	_ =	sdelay $0x4  }
0x1ea: {  	v3 =	vmul.f32 v3, v17;
	_ =	sdelay $0x1  }
0x1eb: {  	[tilespmem:v30+s23+$0x0] =	vst.idx.msk $0xffff, v3  }
0x1ec: {  	v3 =	vld.idx.msk [tilespmem:v34+s23+$0x0], $0xffff;
	_ =	sdelay $0x4  }
0x1ed: {  	v3 =	vmul.f32 v3, v17;
	_ =	sdelay $0x1  }
0x1ee: {  	[tilespmem:v34+s23+$0x0] =	vst.idx.msk $0xffff, v3  }
0x1ef: {  	v3 =	vld.idx.msk [tilespmem:v38+s23+$0x0], $0xffff;
	_ =	sdelay $0x4  }
0x1f0: {  	v3 =	vmul.f32 v3, v17;
	_ =	sdelay $0x1  }
0x1f1: {  	[tilespmem:v38+s23+$0x0] =	vst.idx.msk $0xffff, v3  }
0x1f2: {  	v3 =	vld.idx.msk [tilespmem:v42+s23+$0x0], $0xffff;
	_ =	sdelay $0x4  }
0x1f3: {  	v3 =	vmul.f32 v3, v17;
	_ =	sdelay $0x1  }
0x1f4: {  	[tilespmem:v42+s23+$0x0] =	vst.idx.msk $0xffff, v3  }
0x1f5: {  	v3 =	vld.idx.msk [tilespmem:v46+s23+$0x0], $0xffff;
	_ =	sdelay $0x4  }
0x1f6: {  	v3 =	vmul.f32 v3, v17;
	_ =	sdelay $0x1  }
0x1f7: {  	[tilespmem:v46+s23+$0x0] =	vst.idx.msk $0xffff, v3  }
0x1f8: {  	v3 =	vld.idx.msk [tilespmem:v50+s23+$0x0], $0xffff;
	_ =	sdelay $0x4  }
0x1f9: {  	v3 =	vmul.f32 v3, v17;
	_ =	sdelay $0x1  }
0x1fa: {  	[tilespmem:v50+s23+$0x0] =	vst.idx.msk $0xffff, v3  }
0x1fb: {  	v3 =	vld.idx.msk [tilespmem:v54+s23+$0x0], $0xffff;
	_ =	sdelay $0x2  }
0x1fc: {  	v4 =	vor.u32 $0x50, v1;
	_ =	sdelay $0x1  }
0x1fd: {  	v5 =	vor.u32 $0x51, v1;
	v3 =	vmul.f32 v3, v17;
	_ =	sdelay $0x1  }
0x1fe: {  	[tilespmem:v54+s23+$0x0] =	vst.idx.msk $0xffff, v3;
	v3 =	vor.u32 $0x52, v1  }
0x1ff: {  	v6 =	vld.idx.msk [tilespmem:v4+s21+$0x0], $0xffff  }
0x200: {  	v8 =	vor.u32 $0x53, v1;
	v24 =	vld.idx.msk [tilespmem:v4+s22+$0x0], $0xffff  }
0x201: {  	v25 =	vld.idx.msk [tilespmem:v5+s21+$0x0], $0xffff  }
0x202: {  	v11 =	vor.u32 $0x54, v1;
	v26 =	vld.idx.msk [tilespmem:v5+s22+$0x0], $0xffff  }
0x203: {  	v27 =	vld.idx.msk [tilespmem:v3+s21+$0x0], $0xffff  }
0x204: {  	v14 =	vor.u32 $0x55, v1;
	v28 =	vld.idx.msk [tilespmem:v3+s22+$0x0], $0xffff  }
0x205: {  	v29 =	vld.idx.msk [tilespmem:v8+s21+$0x0], $0xffff;
	v6 =	vmul.f32 v24, v6  }
0x206: {  	v16 =	vor.u32 $0x56, v1;
	v30 =	vld.idx.msk [tilespmem:v8+s22+$0x0], $0xffff  }
0x207: {  	v31 =	vld.idx.msk [tilespmem:v11+s21+$0x0], $0xffff;
	v9 =	vmul.f32 v26, v25;
	v6 =	vadd.f32 $0.0e+00, v6  }
0x208: {  	v18 =	vor.u32 $0x57, v1;
	v32 =	vld.idx.msk [tilespmem:v11+s22+$0x0], $0xffff  }
0x209: {  	v34 =	vld.idx.msk [tilespmem:v14+s21+$0x0], $0xffff;
	v6 =	vadd.f32 v9, v6;
	v33 =	vmul.f32 v28, v27  }
0x20a: {  	v19 =	vor.u32 $0x58, v1;
	v35 =	vld.idx.msk [tilespmem:v14+s22+$0x0], $0xffff  }
0x20b: {  	v36 =	vld.idx.msk [tilespmem:v16+s21+$0x0], $0xffff;
	v7 =	vmul.f32 v30, v29;
	v6 =	vadd.f32 v33, v6  }
0x20c: {  	v20 =	vor.u32 $0x59, v1;
	v37 =	vld.idx.msk [tilespmem:v16+s22+$0x0], $0xffff  }
0x20d: {  	v39 =	vld.idx.msk [tilespmem:v18+s21+$0x0], $0xffff;
	v38 =	vmul.f32 v32, v31;
	v6 =	vadd.f32 v7, v6  }
0x20e: {  	v41 =	vor.u32 $0x5A, v1;
	v40 =	vld.idx.msk [tilespmem:v18+s22+$0x0], $0xffff  }
0x20f: {  	v43 =	vld.idx.msk [tilespmem:v19+s21+$0x0], $0xffff;
	v42 =	vmul.f32 v35, v34;
	v6 =	vadd.f32 v38, v6  }
0x210: {  	v45 =	vor.u32 $0x5B, v1;
	v44 =	vld.idx.msk [tilespmem:v19+s22+$0x0], $0xffff  }
0x211: {  	v47 =	vld.idx.msk [tilespmem:v20+s21+$0x0], $0xffff;
	v46 =	vmul.f32 v37, v36;
	v6 =	vadd.f32 v42, v6  }
0x212: {  	v49 =	vor.u32 $0x5C, v1;
	v48 =	vld.idx.msk [tilespmem:v20+s22+$0x0], $0xffff  }
0x213: {  	v51 =	vld.idx.msk [tilespmem:v41+s21+$0x0], $0xffff;
	v50 =	vmul.f32 v40, v39;
	v6 =	vadd.f32 v46, v6  }
0x214: {  	v53 =	vor.u32 $0x5D, v1;
	v52 =	vld.idx.msk [tilespmem:v41+s22+$0x0], $0xffff  }
0x215: {  	v55 =	vld.idx.msk [tilespmem:v45+s21+$0x0], $0xffff;
	v54 =	vmul.f32 v44, v43;
	v6 =	vadd.f32 v50, v6  }
0x216: {  	v57 =	vor.u32 $0x5E, v1;
	v56 =	vld.idx.msk [tilespmem:v45+s22+$0x0], $0xffff  }
0x217: {  	v59 =	vld.idx.msk [tilespmem:v49+s21+$0x0], $0xffff;
	v58 =	vmul.f32 v48, v47;
	v6 =	vadd.f32 v54, v6  }
0x218: {  	v61 =	vor.u32 $0x5F, v1;
	v60 =	vld.idx.msk [tilespmem:v49+s22+$0x0], $0xffff  }
0x219: {  	v63 =	vld.idx.msk [tilespmem:v53+s21+$0x0], $0xffff;
	v62 =	vmul.f32 v52, v51;
	v6 =	vadd.f32 v58, v6  }
0x21a: {  	v27 =	vld.idx.msk [tilespmem:v53+s22+$0x0], $0xffff  }
0x21b: {  	v29 =	vld.idx.msk [tilespmem:v57+s21+$0x0], $0xffff;
	v28 =	vmul.f32 v56, v55;
	v6 =	vadd.f32 v62, v6  }
0x21c: {  	v30 =	vld.idx.msk [tilespmem:v57+s22+$0x0], $0xffff  }
0x21d: {  	v31 =	vmul.f32 v60, v59;
	v32 =	vld.idx.msk [tilespmem:v61+s21+$0x0], $0xffff;
	v6 =	vadd.f32 v28, v6  }
0x21e: {  	v33 =	vld.idx.msk [tilespmem:v61+s22+$0x0], $0xffff  }
0x21f: {  	v34 =	vmul.f32 v27, v63;
	v6 =	vadd.f32 v31, v6;
	_ =	sdelay $0x1  }
0x220: {  	v35 =	vmul.f32 v30, v29;
	v6 =	vadd.f32 v34, v6;
	_ =	sdelay $0x1  }
0x221: {  	v36 =	vmul.f32 v33, v32;
	v6 =	vadd.f32 v35, v6;
	_ =	sdelay $0x1  }
0x222: {  	v6 =	vadd.f32 v36, v6;
	_ =	sdelay $0x1  }
0x223: {  	v6 =	vmul.f32 $1.442695020e+00, v6;
	_ =	sdelay $0x1  }
0x224: {  	(erf) = vpow2.f32 v6;
	_ =	sdelay $0x4  }
0x225: {  	v37 =	vor.u32 $0x5, v2;
	_ =	sdelay $0x3  }
0x226: {  	v38 =	vpop (erf)  }
0x227: {  	[tilespmem:v37+s25+$0x0] =	vst.idx.msk $0xffff, v38  }
0x228: {  	v6 =	vld.idx.msk [tilespmem:v4+s23+$0x0], $0xffff;
	_ =	sdelay $0x4  }
0x229: {  	v6 =	vmul.f32 v38, v6;
	_ =	sdelay $0x1  }
0x22a: {  	[tilespmem:v4+s23+$0x0] =	vst.idx.msk $0xffff, v6  }
0x22b: {  	v4 =	vld.idx.msk [tilespmem:v5+s23+$0x0], $0xffff;
	_ =	sdelay $0x4  }
0x22c: {  	v4 =	vmul.f32 v38, v4;
	_ =	sdelay $0x1  }
0x22d: {  	[tilespmem:v5+s23+$0x0] =	vst.idx.msk $0xffff, v4  }
0x22e: {  	v4 =	vld.idx.msk [tilespmem:v3+s23+$0x0], $0xffff;
	_ =	sdelay $0x4  }
0x22f: {  	v4 =	vmul.f32 v4, v38;
	_ =	sdelay $0x1  }
0x230: {  	[tilespmem:v3+s23+$0x0] =	vst.idx.msk $0xffff, v4  }
0x231: {  	v3 =	vld.idx.msk [tilespmem:v8+s23+$0x0], $0xffff;
	_ =	sdelay $0x4  }
0x232: {  	v3 =	vmul.f32 v3, v38;
	_ =	sdelay $0x1  }
0x233: {  	[tilespmem:v8+s23+$0x0] =	vst.idx.msk $0xffff, v3  }
0x234: {  	v3 =	vld.idx.msk [tilespmem:v11+s23+$0x0], $0xffff;
	_ =	sdelay $0x4  }
0x235: {  	v3 =	vmul.f32 v3, v38;
	_ =	sdelay $0x1  }
0x236: {  	[tilespmem:v11+s23+$0x0] =	vst.idx.msk $0xffff, v3  }
0x237: {  	v3 =	vld.idx.msk [tilespmem:v14+s23+$0x0], $0xffff;
	_ =	sdelay $0x4  }
0x238: {  	v3 =	vmul.f32 v3, v38;
	_ =	sdelay $0x1  }
0x239: {  	[tilespmem:v14+s23+$0x0] =	vst.idx.msk $0xffff, v3  }
0x23a: {  	v3 =	vld.idx.msk [tilespmem:v16+s23+$0x0], $0xffff;
	_ =	sdelay $0x4  }
0x23b: {  	v3 =	vmul.f32 v3, v38;
	_ =	sdelay $0x1  }
0x23c: {  	[tilespmem:v16+s23+$0x0] =	vst.idx.msk $0xffff, v3  }
0x23d: {  	v3 =	vld.idx.msk [tilespmem:v18+s23+$0x0], $0xffff;
	_ =	sdelay $0x4  }
0x23e: {  	v3 =	vmul.f32 v3, v38;
	_ =	sdelay $0x1  }
0x23f: {  	[tilespmem:v18+s23+$0x0] =	vst.idx.msk $0xffff, v3  }
0x240: {  	v3 =	vld.idx.msk [tilespmem:v19+s23+$0x0], $0xffff;
	_ =	sdelay $0x4  }
0x241: {  	v3 =	vmul.f32 v3, v38;
	_ =	sdelay $0x1  }
0x242: {  	[tilespmem:v19+s23+$0x0] =	vst.idx.msk $0xffff, v3  }
0x243: {  	v3 =	vld.idx.msk [tilespmem:v20+s23+$0x0], $0xffff;
	_ =	sdelay $0x4  }
0x244: {  	v3 =	vmul.f32 v3, v38;
	_ =	sdelay $0x1  }
0x245: {  	[tilespmem:v20+s23+$0x0] =	vst.idx.msk $0xffff, v3  }
0x246: {  	v3 =	vld.idx.msk [tilespmem:v41+s23+$0x0], $0xffff;
	_ =	sdelay $0x4  }
0x247: {  	v3 =	vmul.f32 v3, v38;
	_ =	sdelay $0x1  }
0x248: {  	[tilespmem:v41+s23+$0x0] =	vst.idx.msk $0xffff, v3  }
0x249: {  	v3 =	vld.idx.msk [tilespmem:v45+s23+$0x0], $0xffff;
	_ =	sdelay $0x4  }
0x24a: {  	v3 =	vmul.f32 v3, v38;
	_ =	sdelay $0x1  }
0x24b: {  	[tilespmem:v45+s23+$0x0] =	vst.idx.msk $0xffff, v3  }
0x24c: {  	v3 =	vld.idx.msk [tilespmem:v49+s23+$0x0], $0xffff;
	_ =	sdelay $0x4  }
0x24d: {  	v3 =	vmul.f32 v3, v38;
	_ =	sdelay $0x1  }
0x24e: {  	[tilespmem:v49+s23+$0x0] =	vst.idx.msk $0xffff, v3  }
0x24f: {  	v3 =	vld.idx.msk [tilespmem:v53+s23+$0x0], $0xffff;
	_ =	sdelay $0x4  }
0x250: {  	v3 =	vmul.f32 v3, v38;
	_ =	sdelay $0x1  }
0x251: {  	[tilespmem:v53+s23+$0x0] =	vst.idx.msk $0xffff, v3  }
0x252: {  	v3 =	vld.idx.msk [tilespmem:v57+s23+$0x0], $0xffff;
	_ =	sdelay $0x4  }
0x253: {  	v3 =	vmul.f32 v3, v38;
	_ =	sdelay $0x1  }
0x254: {  	[tilespmem:v57+s23+$0x0] =	vst.idx.msk $0xffff, v3  }
0x255: {  	v3 =	vld.idx.msk [tilespmem:v61+s23+$0x0], $0xffff;
	_ =	sdelay $0x2  }
0x256: {  	v4 =	vor.u32 $0x60, v1;
	_ =	sdelay $0x1  }
0x257: {  	v5 =	vor.u32 $0x61, v1;
	v3 =	vmul.f32 v3, v38;
	_ =	sdelay $0x1  }
0x258: {  	[tilespmem:v61+s23+$0x0] =	vst.idx.msk $0xffff, v3;
	v3 =	vor.u32 $0x62, v1  }
0x259: {  	v6 =	vld.idx.msk [tilespmem:v4+s21+$0x0], $0xffff  }
0x25a: {  	v8 =	vor.u32 $0x63, v1;
	v39 =	vld.idx.msk [tilespmem:v4+s22+$0x0], $0xffff  }
0x25b: {  	v40 =	vld.idx.msk [tilespmem:v5+s21+$0x0], $0xffff  }
0x25c: {  	v11 =	vor.u32 $0x64, v1;
	v41 =	vld.idx.msk [tilespmem:v5+s22+$0x0], $0xffff  }
0x25d: {  	v42 =	vld.idx.msk [tilespmem:v3+s21+$0x0], $0xffff  }
0x25e: {  	v14 =	vor.u32 $0x65, v1;
	v43 =	vld.idx.msk [tilespmem:v3+s22+$0x0], $0xffff  }
0x25f: {  	v44 =	vld.idx.msk [tilespmem:v8+s21+$0x0], $0xffff;
	v6 =	vmul.f32 v39, v6  }
0x260: {  	v16 =	vor.u32 $0x66, v1;
	v45 =	vld.idx.msk [tilespmem:v8+s22+$0x0], $0xffff  }
0x261: {  	v46 =	vld.idx.msk [tilespmem:v11+s21+$0x0], $0xffff;
	v9 =	vmul.f32 v41, v40;
	v6 =	vadd.f32 $0.0e+00, v6  }
0x262: {  	v18 =	vor.u32 $0x67, v1;
	v47 =	vld.idx.msk [tilespmem:v11+s22+$0x0], $0xffff  }
0x263: {  	v49 =	vld.idx.msk [tilespmem:v14+s21+$0x0], $0xffff;
	v6 =	vadd.f32 v9, v6;
	v48 =	vmul.f32 v43, v42  }
0x264: {  	v19 =	vor.u32 $0x68, v1;
	v50 =	vld.idx.msk [tilespmem:v14+s22+$0x0], $0xffff  }
0x265: {  	v51 =	vld.idx.msk [tilespmem:v16+s21+$0x0], $0xffff;
	v7 =	vmul.f32 v45, v44;
	v6 =	vadd.f32 v48, v6  }
0x266: {  	v20 =	vor.u32 $0x69, v1;
	v52 =	vld.idx.msk [tilespmem:v16+s22+$0x0], $0xffff  }
0x267: {  	v54 =	vld.idx.msk [tilespmem:v18+s21+$0x0], $0xffff;
	v53 =	vmul.f32 v47, v46;
	v6 =	vadd.f32 v7, v6  }
0x268: {  	v56 =	vor.u32 $0x6A, v1;
	v55 =	vld.idx.msk [tilespmem:v18+s22+$0x0], $0xffff  }
0x269: {  	v58 =	vld.idx.msk [tilespmem:v19+s21+$0x0], $0xffff;
	v57 =	vmul.f32 v50, v49;
	v6 =	vadd.f32 v53, v6  }
0x26a: {  	v60 =	vor.u32 $0x6B, v1;
	v59 =	vld.idx.msk [tilespmem:v19+s22+$0x0], $0xffff  }
0x26b: {  	v62 =	vld.idx.msk [tilespmem:v20+s21+$0x0], $0xffff;
	v61 =	vmul.f32 v52, v51;
	v6 =	vadd.f32 v57, v6  }
0x26c: {  	v28 =	vor.u32 $0x6C, v1;
	v63 =	vld.idx.msk [tilespmem:v20+s22+$0x0], $0xffff  }
0x26d: {  	v30 =	vld.idx.msk [tilespmem:v56+s21+$0x0], $0xffff;
	v29 =	vmul.f32 v55, v54;
	v6 =	vadd.f32 v61, v6  }
0x26e: {  	v32 =	vor.u32 $0x6D, v1;
	v31 =	vld.idx.msk [tilespmem:v56+s22+$0x0], $0xffff  }
0x26f: {  	v34 =	vld.idx.msk [tilespmem:v60+s21+$0x0], $0xffff;
	v33 =	vmul.f32 v59, v58;
	v6 =	vadd.f32 v29, v6  }
0x270: {  	v36 =	vor.u32 $0x6E, v1;
	v35 =	vld.idx.msk [tilespmem:v60+s22+$0x0], $0xffff  }
0x271: {  	v38 =	vld.idx.msk [tilespmem:v28+s21+$0x0], $0xffff;
	v37 =	vmul.f32 v63, v62;
	v6 =	vadd.f32 v33, v6  }
0x272: {  	v39 =	vld.idx.msk [tilespmem:v28+s22+$0x0], $0xffff;
	v40 =	vor.u32 $0x6F, v1  }
0x273: {  	v41 =	vmul.f32 v31, v30;
	v42 =	vld.idx.msk [tilespmem:v32+s21+$0x0], $0xffff;
	v6 =	vadd.f32 v37, v6  }
0x274: {  	v43 =	vld.idx.msk [tilespmem:v32+s22+$0x0], $0xffff  }
0x275: {  	v44 =	vmul.f32 v35, v34;
	v45 =	vld.idx.msk [tilespmem:v36+s21+$0x0], $0xffff;
	v6 =	vadd.f32 v41, v6  }
0x276: {  	v46 =	vld.idx.msk [tilespmem:v36+s22+$0x0], $0xffff  }
0x277: {  	v47 =	vmul.f32 v39, v38;
	v49 =	vld.idx.msk [tilespmem:v40+s22+$0x0], $0xffff;
	v6 =	vadd.f32 v44, v6  }
0x278: {  	v48 =	vld.idx.msk [tilespmem:v40+s21+$0x0], $0xffff  }
0x279: {  	v50 =	vmul.f32 v43, v42;
	v6 =	vadd.f32 v47, v6;
	_ =	sdelay $0x1  }
0x27a: {  	v51 =	vmul.f32 v46, v45;
	v6 =	vadd.f32 v50, v6;
	_ =	sdelay $0x1  }
0x27b: {  	v52 =	vmul.f32 v49, v48;
	v6 =	vadd.f32 v51, v6;
	_ =	sdelay $0x1  }
0x27c: {  	v6 =	vadd.f32 v52, v6;
	_ =	sdelay $0x1  }
0x27d: {  	v6 =	vmul.f32 $1.442695020e+00, v6;
	_ =	sdelay $0x1  }
0x27e: {  	(erf) = vpow2.f32 v6;
	_ =	sdelay $0x4  }
0x27f: {  	v53 =	vor.u32 $0x6, v2;
	_ =	sdelay $0x3  }
0x280: {  	v54 =	vpop (erf)  }
0x281: {  	[tilespmem:v53+s25+$0x0] =	vst.idx.msk $0xffff, v54  }
0x282: {  	v6 =	vld.idx.msk [tilespmem:v4+s23+$0x0], $0xffff;
	_ =	sdelay $0x4  }
0x283: {  	v6 =	vmul.f32 v54, v6;
	_ =	sdelay $0x1  }
0x284: {  	[tilespmem:v4+s23+$0x0] =	vst.idx.msk $0xffff, v6  }
0x285: {  	v4 =	vld.idx.msk [tilespmem:v5+s23+$0x0], $0xffff;
	_ =	sdelay $0x4  }
0x286: {  	v4 =	vmul.f32 v54, v4;
	_ =	sdelay $0x1  }
0x287: {  	[tilespmem:v5+s23+$0x0] =	vst.idx.msk $0xffff, v4  }
0x288: {  	v4 =	vld.idx.msk [tilespmem:v3+s23+$0x0], $0xffff;
	_ =	sdelay $0x4  }
0x289: {  	v4 =	vmul.f32 v4, v54;
	_ =	sdelay $0x1  }
0x28a: {  	[tilespmem:v3+s23+$0x0] =	vst.idx.msk $0xffff, v4  }
0x28b: {  	v3 =	vld.idx.msk [tilespmem:v8+s23+$0x0], $0xffff;
	_ =	sdelay $0x4  }
0x28c: {  	v3 =	vmul.f32 v3, v54;
	_ =	sdelay $0x1  }
0x28d: {  	[tilespmem:v8+s23+$0x0] =	vst.idx.msk $0xffff, v3  }
0x28e: {  	v3 =	vld.idx.msk [tilespmem:v11+s23+$0x0], $0xffff;
	_ =	sdelay $0x4  }
0x28f: {  	v3 =	vmul.f32 v3, v54;
	_ =	sdelay $0x1  }
0x290: {  	[tilespmem:v11+s23+$0x0] =	vst.idx.msk $0xffff, v3  }
0x291: {  	v3 =	vld.idx.msk [tilespmem:v14+s23+$0x0], $0xffff;
	_ =	sdelay $0x4  }
0x292: {  	v3 =	vmul.f32 v3, v54;
	_ =	sdelay $0x1  }
0x293: {  	[tilespmem:v14+s23+$0x0] =	vst.idx.msk $0xffff, v3  }
0x294: {  	v3 =	vld.idx.msk [tilespmem:v16+s23+$0x0], $0xffff;
	_ =	sdelay $0x4  }
0x295: {  	v3 =	vmul.f32 v3, v54;
	_ =	sdelay $0x1  }
0x296: {  	[tilespmem:v16+s23+$0x0] =	vst.idx.msk $0xffff, v3  }
0x297: {  	v3 =	vld.idx.msk [tilespmem:v18+s23+$0x0], $0xffff;
	_ =	sdelay $0x4  }
0x298: {  	v3 =	vmul.f32 v3, v54;
	_ =	sdelay $0x1  }
0x299: {  	[tilespmem:v18+s23+$0x0] =	vst.idx.msk $0xffff, v3  }
0x29a: {  	v3 =	vld.idx.msk [tilespmem:v19+s23+$0x0], $0xffff;
	_ =	sdelay $0x4  }
0x29b: {  	v3 =	vmul.f32 v3, v54;
	_ =	sdelay $0x1  }
0x29c: {  	[tilespmem:v19+s23+$0x0] =	vst.idx.msk $0xffff, v3  }
0x29d: {  	v3 =	vld.idx.msk [tilespmem:v20+s23+$0x0], $0xffff;
	_ =	sdelay $0x4  }
0x29e: {  	v3 =	vmul.f32 v3, v54;
	_ =	sdelay $0x1  }
0x29f: {  	[tilespmem:v20+s23+$0x0] =	vst.idx.msk $0xffff, v3  }
0x2a0: {  	v3 =	vld.idx.msk [tilespmem:v56+s23+$0x0], $0xffff;
	_ =	sdelay $0x4  }
0x2a1: {  	v3 =	vmul.f32 v3, v54;
	_ =	sdelay $0x1  }
0x2a2: {  	[tilespmem:v56+s23+$0x0] =	vst.idx.msk $0xffff, v3  }
0x2a3: {  	v3 =	vld.idx.msk [tilespmem:v60+s23+$0x0], $0xffff;
	_ =	sdelay $0x4  }
0x2a4: {  	v3 =	vmul.f32 v3, v54;
	_ =	sdelay $0x1  }
0x2a5: {  	[tilespmem:v60+s23+$0x0] =	vst.idx.msk $0xffff, v3  }
0x2a6: {  	v3 =	vld.idx.msk [tilespmem:v28+s23+$0x0], $0xffff;
	_ =	sdelay $0x4  }
0x2a7: {  	v3 =	vmul.f32 v3, v54;
	_ =	sdelay $0x1  }
0x2a8: {  	[tilespmem:v28+s23+$0x0] =	vst.idx.msk $0xffff, v3  }
0x2a9: {  	v3 =	vld.idx.msk [tilespmem:v32+s23+$0x0], $0xffff;
	_ =	sdelay $0x4  }
0x2aa: {  	v3 =	vmul.f32 v3, v54;
	_ =	sdelay $0x1  }
0x2ab: {  	[tilespmem:v32+s23+$0x0] =	vst.idx.msk $0xffff, v3  }
0x2ac: {  	v3 =	vld.idx.msk [tilespmem:v36+s23+$0x0], $0xffff;
	_ =	sdelay $0x4  }
0x2ad: {  	v3 =	vmul.f32 v3, v54;
	_ =	sdelay $0x1  }
0x2ae: {  	[tilespmem:v36+s23+$0x0] =	vst.idx.msk $0xffff, v3  }
0x2af: {  	v3 =	vld.idx.msk [tilespmem:v40+s23+$0x0], $0xffff;
	_ =	sdelay $0x2  }
0x2b0: {  	v4 =	vor.u32 $0x70, v1;
	_ =	sdelay $0x1  }
0x2b1: {  	v5 =	vor.u32 $0x71, v1;
	v3 =	vmul.f32 v3, v54;
	_ =	sdelay $0x1  }
0x2b2: {  	[tilespmem:v40+s23+$0x0] =	vst.idx.msk $0xffff, v3;
	v3 =	vor.u32 $0x72, v1  }
0x2b3: {  	v6 =	vld.idx.msk [tilespmem:v4+s21+$0x0], $0xffff  }
0x2b4: {  	v8 =	vor.u32 $0x73, v1;
	v55 =	vld.idx.msk [tilespmem:v4+s22+$0x0], $0xffff  }
0x2b5: {  	v56 =	vld.idx.msk [tilespmem:v5+s21+$0x0], $0xffff  }
0x2b6: {  	v11 =	vor.u32 $0x74, v1;
	v57 =	vld.idx.msk [tilespmem:v5+s22+$0x0], $0xffff  }
0x2b7: {  	v58 =	vld.idx.msk [tilespmem:v3+s21+$0x0], $0xffff  }
0x2b8: {  	v14 =	vor.u32 $0x75, v1;
	v59 =	vld.idx.msk [tilespmem:v3+s22+$0x0], $0xffff  }
0x2b9: {  	v60 =	vld.idx.msk [tilespmem:v8+s21+$0x0], $0xffff;
	v6 =	vmul.f32 v55, v6  }
0x2ba: {  	v16 =	vor.u32 $0x76, v1;
	v61 =	vld.idx.msk [tilespmem:v8+s22+$0x0], $0xffff  }
0x2bb: {  	v62 =	vld.idx.msk [tilespmem:v11+s21+$0x0], $0xffff;
	v9 =	vmul.f32 v57, v56;
	v6 =	vadd.f32 $0.0e+00, v6  }
0x2bc: {  	v18 =	vor.u32 $0x77, v1;
	v63 =	vld.idx.msk [tilespmem:v11+s22+$0x0], $0xffff  }
0x2bd: {  	v24 =	vld.idx.msk [tilespmem:v14+s21+$0x0], $0xffff;
	v6 =	vadd.f32 v9, v6;
	v23 =	vmul.f32 v59, v58  }
0x2be: {  	v19 =	vor.u32 $0x78, v1;
	v25 =	vld.idx.msk [tilespmem:v14+s22+$0x0], $0xffff  }
0x2bf: {  	v26 =	vld.idx.msk [tilespmem:v16+s21+$0x0], $0xffff;
	v7 =	vmul.f32 v61, v60;
	v6 =	vadd.f32 v23, v6  }
0x2c0: {  	v28 =	vor.u32 $0x79, v1;
	v27 =	vld.idx.msk [tilespmem:v16+s22+$0x0], $0xffff  }
0x2c1: {  	v30 =	vld.idx.msk [tilespmem:v18+s21+$0x0], $0xffff;
	v29 =	vmul.f32 v63, v62;
	v6 =	vadd.f32 v7, v6  }
0x2c2: {  	v32 =	vor.u32 $0x7A, v1;
	v31 =	vld.idx.msk [tilespmem:v18+s22+$0x0], $0xffff  }
0x2c3: {  	v34 =	vld.idx.msk [tilespmem:v19+s21+$0x0], $0xffff;
	v33 =	vmul.f32 v25, v24;
	v6 =	vadd.f32 v29, v6  }
0x2c4: {  	v36 =	vor.u32 $0x7B, v1;
	v35 =	vld.idx.msk [tilespmem:v19+s22+$0x0], $0xffff  }
0x2c5: {  	v38 =	vld.idx.msk [tilespmem:v28+s21+$0x0], $0xffff;
	v37 =	vmul.f32 v27, v26;
	v6 =	vadd.f32 v33, v6  }
0x2c6: {  	v40 =	vor.u32 $0x7C, v1;
	v39 =	vld.idx.msk [tilespmem:v28+s22+$0x0], $0xffff  }
0x2c7: {  	v42 =	vld.idx.msk [tilespmem:v32+s21+$0x0], $0xffff;
	v41 =	vmul.f32 v31, v30;
	v6 =	vadd.f32 v37, v6  }
0x2c8: {  	v44 =	vor.u32 $0x7D, v1;
	v43 =	vld.idx.msk [tilespmem:v32+s22+$0x0], $0xffff  }
0x2c9: {  	v46 =	vld.idx.msk [tilespmem:v36+s21+$0x0], $0xffff;
	v45 =	vmul.f32 v35, v34;
	v6 =	vadd.f32 v41, v6  }
0x2ca: {  	v48 =	vor.u32 $0x7E, v1;
	v47 =	vld.idx.msk [tilespmem:v36+s22+$0x0], $0xffff  }
0x2cb: {  	v50 =	vld.idx.msk [tilespmem:v40+s21+$0x0], $0xffff;
	v49 =	vmul.f32 v39, v38;
	v6 =	vadd.f32 v45, v6  }
0x2cc: {  	v1 =	vor.u32 $0x7F, v1;
	v51 =	vld.idx.msk [tilespmem:v40+s22+$0x0], $0xffff  }
0x2cd: {  	v53 =	vld.idx.msk [tilespmem:v44+s21+$0x0], $0xffff;
	v52 =	vmul.f32 v43, v42;
	v6 =	vadd.f32 v49, v6  }
0x2ce: {  	v54 =	vld.idx.msk [tilespmem:v44+s22+$0x0], $0xffff  }
0x2cf: {  	v55 =	vmul.f32 v47, v46;
	v56 =	vld.idx.msk [tilespmem:v48+s21+$0x0], $0xffff;
	v6 =	vadd.f32 v52, v6  }
0x2d0: {  	v57 =	vld.idx.msk [tilespmem:v48+s22+$0x0], $0xffff  }
0x2d1: {  	v60 =	vld.idx.msk [tilespmem:v1+s22+$0x0], $0xffff;
	v58 =	vmul.f32 v51, v50;
	v6 =	vadd.f32 v55, v6  }
0x2d2: {  	v59 =	vld.idx.msk [tilespmem:v1+s21+$0x0], $0xffff  }
0x2d3: {  	v61 =	vmul.f32 v54, v53;
	v6 =	vadd.f32 v58, v6;
	_ =	sdelay $0x1  }
0x2d4: {  	v62 =	vmul.f32 v57, v56;
	v6 =	vadd.f32 v61, v6;
	_ =	sdelay $0x1  }
0x2d5: {  	v63 =	vmul.f32 v60, v59;
	v6 =	vadd.f32 v62, v6;
	_ =	sdelay $0x1  }
0x2d6: {  	v6 =	vadd.f32 v63, v6;
	_ =	sdelay $0x1  }
0x2d7: {  	v6 =	vmul.f32 $1.442695020e+00, v6;
	_ =	sdelay $0x1  }
0x2d8: {  	(erf) = vpow2.f32 v6;
	_ =	sdelay $0x4  }
0x2d9: {  	v2 =	vor.u32 $0x7, v2;
	_ =	sdelay $0x3  }
0x2da: {  	v6 =	vpop (erf)  }
0x2db: {  	[tilespmem:v2+s25+$0x0] =	vst.idx.msk $0xffff, v6  }
0x2dc: {  	v2 =	vld.idx.msk [tilespmem:v4+s23+$0x0], $0xffff;
	_ =	sdelay $0x4  }
0x2dd: {  	v2 =	vmul.f32 v6, v2;
	_ =	sdelay $0x1  }
0x2de: {  	[tilespmem:v4+s23+$0x0] =	vst.idx.msk $0xffff, v2  }
0x2df: {  	v2 =	vld.idx.msk [tilespmem:v5+s23+$0x0], $0xffff;
	_ =	sdelay $0x4  }
0x2e0: {  	v2 =	vmul.f32 v6, v2;
	_ =	sdelay $0x1  }
0x2e1: {  	[tilespmem:v5+s23+$0x0] =	vst.idx.msk $0xffff, v2  }
0x2e2: {  	v2 =	vld.idx.msk [tilespmem:v3+s23+$0x0], $0xffff;
	_ =	sdelay $0x4  }
0x2e3: {  	v2 =	vmul.f32 v2, v6;
	_ =	sdelay $0x1  }
0x2e4: {  	[tilespmem:v3+s23+$0x0] =	vst.idx.msk $0xffff, v2  }
0x2e5: {  	v2 =	vld.idx.msk [tilespmem:v8+s23+$0x0], $0xffff;
	_ =	sdelay $0x4  }
0x2e6: {  	v2 =	vmul.f32 v2, v6;
	_ =	sdelay $0x1  }
0x2e7: {  	[tilespmem:v8+s23+$0x0] =	vst.idx.msk $0xffff, v2  }
0x2e8: {  	v2 =	vld.idx.msk [tilespmem:v11+s23+$0x0], $0xffff;
	_ =	sdelay $0x4  }
0x2e9: {  	v2 =	vmul.f32 v2, v6;
	_ =	sdelay $0x1  }
0x2ea: {  	[tilespmem:v11+s23+$0x0] =	vst.idx.msk $0xffff, v2  }
0x2eb: {  	v2 =	vld.idx.msk [tilespmem:v14+s23+$0x0], $0xffff;
	_ =	sdelay $0x4  }
0x2ec: {  	v2 =	vmul.f32 v2, v6;
	_ =	sdelay $0x1  }
0x2ed: {  	[tilespmem:v14+s23+$0x0] =	vst.idx.msk $0xffff, v2  }
0x2ee: {  	v2 =	vld.idx.msk [tilespmem:v16+s23+$0x0], $0xffff;
	_ =	sdelay $0x4  }
0x2ef: {  	v2 =	vmul.f32 v2, v6;
	_ =	sdelay $0x1  }
0x2f0: {  	[tilespmem:v16+s23+$0x0] =	vst.idx.msk $0xffff, v2  }
0x2f1: {  	v2 =	vld.idx.msk [tilespmem:v18+s23+$0x0], $0xffff;
	_ =	sdelay $0x4  }
0x2f2: {  	v2 =	vmul.f32 v2, v6;
	_ =	sdelay $0x1  }
0x2f3: {  	[tilespmem:v18+s23+$0x0] =	vst.idx.msk $0xffff, v2  }
0x2f4: {  	v2 =	vld.idx.msk [tilespmem:v19+s23+$0x0], $0xffff;
	_ =	sdelay $0x4  }
0x2f5: {  	v2 =	vmul.f32 v2, v6;
	_ =	sdelay $0x1  }
0x2f6: {  	[tilespmem:v19+s23+$0x0] =	vst.idx.msk $0xffff, v2  }
0x2f7: {  	v2 =	vld.idx.msk [tilespmem:v28+s23+$0x0], $0xffff;
	_ =	sdelay $0x4  }
0x2f8: {  	v2 =	vmul.f32 v2, v6;
	_ =	sdelay $0x1  }
0x2f9: {  	[tilespmem:v28+s23+$0x0] =	vst.idx.msk $0xffff, v2  }
0x2fa: {  	v2 =	vld.idx.msk [tilespmem:v32+s23+$0x0], $0xffff;
	_ =	sdelay $0x4  }
0x2fb: {  	v2 =	vmul.f32 v2, v6;
	_ =	sdelay $0x1  }
0x2fc: {  	[tilespmem:v32+s23+$0x0] =	vst.idx.msk $0xffff, v2  }
0x2fd: {  	v2 =	vld.idx.msk [tilespmem:v36+s23+$0x0], $0xffff;
	_ =	sdelay $0x4  }
0x2fe: {  	v2 =	vmul.f32 v2, v6;
	_ =	sdelay $0x1  }
0x2ff: {  	[tilespmem:v36+s23+$0x0] =	vst.idx.msk $0xffff, v2  }
0x300: {  	v2 =	vld.idx.msk [tilespmem:v40+s23+$0x0], $0xffff;
	_ =	sdelay $0x4  }
0x301: {  	v2 =	vmul.f32 v2, v6;
	_ =	sdelay $0x1  }
0x302: {  	[tilespmem:v40+s23+$0x0] =	vst.idx.msk $0xffff, v2  }
0x303: {  	v2 =	vld.idx.msk [tilespmem:v44+s23+$0x0], $0xffff;
	_ =	sdelay $0x4  }
0x304: {  	v2 =	vmul.f32 v2, v6;
	_ =	sdelay $0x1  }
0x305: {  	[tilespmem:v44+s23+$0x0] =	vst.idx.msk $0xffff, v2  }
0x306: {  	v2 =	vld.idx.msk [tilespmem:v48+s23+$0x0], $0xffff;
	_ =	sdelay $0x4  }
0x307: {  	v2 =	vmul.f32 v2, v6;
	_ =	sdelay $0x1  }
0x308: {  	[tilespmem:v48+s23+$0x0] =	vst.idx.msk $0xffff, v2  }
0x309: {  	v2 =	vld.idx.msk [tilespmem:v1+s23+$0x0], $0xffff;
	_ =	sdelay $0x1  }
0x30a: {  	p0 =	sne.s32 s28, $0x40  }
.Ltmp0:
0x30b: {  	_ = 	snop;
	(pc) =	sbr.rel @p0 .LBB2_3-.Ltmp0, $3  }
0x30c: {  	_ = 	snop  }
0x30d: {  	v2 =	vmul.f32 v2, v6;
	_ =	sdelay $0x1  }
0x30e: {  	s28 =	sadd.s32 $0x10, s28;
	[tilespmem:v1+s23+$0x0] =	vst.idx.msk $0xffff, v2  }
0x30f: {  	[spmem:s2] =	stream.indirect.scatter.add.f32 [tilespmem:s23], [sflag:$0x2], $0x80, s20, s20, $0xb8;
	[tilespmem:$0x1CF20] =	vst v63  }
0x310: {  	s26 =	sadd.s32 $0x1, s26;
	_ =	swait.ge [sflag:s18], $0x2800  }
0x311: {  	p0 =	sne.s32 s26, $0x7D;
	[sflag:s18] =	ssyncset.done $0x0  }
.Ltmp1:
0x312: {  	[sflag:s18] =	ssyncadd.s32 $0xFFFFD800;
	(pc) =	sbr.rel @p0 .LBB2_2-.Ltmp1, $4  }
0x313: {  	[spmem:s4] =	stream.indirect.scatter.add.f32 [tilespmem:s25], [sflag:$0x2], $0x8, s20, s20, $0xb8;
	[tilespmem:$0x1CF20] =	vst v63  }
0x314: {  	_ =	swait.ge [sflag:s18], $0x280  }
0x315: {  	[sflag:s18] =	ssyncset.done $0x0  }
0x316: {  	[sflag:s18] =	ssyncadd.s32 $0xFFFFFD80  }
0x317: {  	[bflag:$0x0] =	sbarrier.arrive $0xFFFF  }
0x318: {  	[hbm:s14], [sflag:s11] =	dma.local [spmem:s17], $0x2800  }
0x319: {  	s5 =	sadd.s32 $0x1, s5;
	_ =	swait.ge [sflag:s18], $0x2800  }
0x31a: {  	p0 =	sne.s32 s5, s16;
	[sflag:s18] =	ssyncset.done $0x0  }
.Ltmp2:
0x31b: {  	[sflag:s18] =	ssyncadd.s32 $0xFFFFD800;
	(pc) =	sbr.rel @p0 .LBB2_1-.Ltmp2, $4  }
0x31c: {  	[hbm:s15], [sflag:s11] =	dma.local [spmem:s19], $0x280  }
0x31d: {  	_ =	swait.ge [sflag:s18], $0x280  }
0x31e: {  	[sflag:s18] =	ssyncset.done $0x0  }
0x31f: {  	[sflag:s18] =	ssyncadd.s32 $0xFFFFFD80  }
0x320: {  	_ =	sfence.sel $0x180000  }
0x321: {  	[bflag:$0x0] =	sbarrier.arrive $0xFFFF  }
0x322: {  	p0 =	sne.s32 s3, $0x0;
	_ =	strace $0x90000047  }
0x323: {  	s0 =	sadd.s32 @!p0 $0x100000, s0;
	[bflag:$0x2] =	sbarrier.arrive $0xFFFF  }
0x324: {  	[sflag:s0] =	ssyncadd.tile.s32 @!p0 $0x1;
	_ =	shalt  }
.Lfunc_end2:
_tile_overlayer_lowered:
.L_overlay_start_2:
0x325: {  	(tag) =	ssettag $0x2  }
0x326: {  	s0 =	rddreg [dreg:$0x0];
	s2 =	stileid.u32  }
0x327: {  	s1 =	rddreg [dreg:$0x1];
	p0 =	sne.s32 s2, $0x0  }
0x328: {  	s3 =	rddreg [dreg:$0x2];
	[bflag:$0x3] =	sbarrier.arrive $0xFFFF;
	s2 =	simm.s32 @!p0 $0x1C02  }
0x329: {  	[timem:s3], [sflag:s2] =	dma.local @!p0 [hbm:s0], s1  }
0x32a: {  	s0 =	simm.s32 @!p0 $0x2  }
0x32b: {  	_ =	swait.ge @!p0 [sflag:s0], s1  }
0x32c: {  	s1 =	ssub.s32 @!p0 $0x0, s1;
	[sflag:s0] =	ssyncset.done @!p0 $0x0  }
0x32d: {  	[sflag:s0] =	ssyncadd.s32 @!p0 s1  }
0x32e: {  	[bflag:$0x3] =	sbarrier.arrive $0xFFFF  }
0x32f: {  	_ =	shalt  }

</sc_bundles>
